<compile_context>
chip_gen: v7x
topology: tpu7x:2x2x1
jax: 0.10.2.dev20260603
libtpu: 0.0.44.dev20260713+nightly
codegen_flags: <defaults>
</compile_context>

<pallas_src>
import functools

import jax
import jax.numpy as jnp
from jax import lax
from jax.experimental import pallas as pl
from jax.experimental.pallas import tpu as pltpu
from jax.experimental.pallas import tpu_sc as plsc

_N = 10000
_E = 330000
_ROWB = 128
_JROWS = 81
_EPT = _ROWB * _JROWS
_NW = 32
_EPAD = _EPT * _NW
_NPAD = 10240
_ROW_BLK = 1000



def _mm_body(a_ref, w_ref, o_ref):
    o_ref[...] = jnp.dot(a_ref[...], w_ref[...], preferred_element_type=jnp.float32)


def _mm(a, w):
    m, k = a.shape
    _, n = w.shape
    return pl.pallas_call(
        _mm_body,
        grid=(m // _ROW_BLK,),
        in_specs=[
            pl.BlockSpec((_ROW_BLK, k), lambda i: (i, 0)),
            pl.BlockSpec((k, n), lambda i: (0, 0)),
        ],
        out_specs=pl.BlockSpec((_ROW_BLK, n), lambda i: (i, 0)),
        out_shape=jax.ShapeDtypeStruct((m, n), jnp.float32),
    )(a, w)



def _edge_scalars(src2, dst2, a_s, a_d, zeros_np):
    mesh = plsc.VectorSubcoreMesh(core_axis_name="c", subcore_axis_name="s")

    @functools.partial(
        pl.kernel,
        out_type=[
            jax.ShapeDtypeStruct((_NW, _JROWS, _ROWB), jnp.float32),
            jax.ShapeDtypeStruct((2, _NPAD), jnp.float32),
        ],
        mesh=mesh,
        scratch_types=[
            pltpu.VMEM((_JROWS, _ROWB), jnp.int32),
            pltpu.VMEM((_JROWS, _ROWB), jnp.int32),
            pltpu.VMEM((_JROWS, _ROWB), jnp.float32),
            pltpu.VMEM((_JROWS, _ROWB), jnp.float32),
            pltpu.VMEM((_JROWS, _ROWB), jnp.float32),
            pltpu.VMEM_SHARED((_NPAD,), jnp.float32),
            pltpu.SemaphoreType.DMA,
            pltpu.SemaphoreType.DMA,
        ],
    )
    def k(src_hbm, dst_hbm, as_hbm, ad_hbm, z_hbm, e_hbm, den_hbm,
          src_v, dst_v, asg_v, adg_v, e_v, den_sh, sem1, sem2):
        cid = lax.axis_index("c")
        sid = lax.axis_index("s")
        wid = sid * 2 + cid
        pltpu.sync_copy(src_hbm.at[wid], src_v)
        pltpu.sync_copy(dst_hbm.at[wid], dst_v)

        @pl.when(sid == 0)
        def _():
            pltpu.sync_copy(z_hbm, den_sh)

        def fire(j, carry):
            pltpu.async_copy(as_hbm.at[src_v.at[j]], asg_v.at[j], sem1)
            pltpu.async_copy(ad_hbm.at[dst_v.at[j]], adg_v.at[j], sem2)
            return carry

        lax.fori_loop(0, _JROWS, fire, 0)

        def drain(j, carry):
            pltpu.make_async_copy(as_hbm.at[src_v.at[j]], asg_v.at[j], sem1).wait()
            pltpu.make_async_copy(ad_hbm.at[dst_v.at[j]], adg_v.at[j], sem2).wait()
            return carry

        lax.fori_loop(0, _JROWS, drain, 0)

        base = wid * _EPT

        def row(j, carry):
            for kk in range(_ROWB // 16):
                sl = pl.ds(kk * 16, 16)
                z = asg_v[j, sl] + adg_v[j, sl]
                ev = jnp.exp(jnp.where(z > 0.0, z, 0.2 * z))
                gid = base + j * _ROWB + kk * 16 + lax.iota(jnp.int32, 16)
                e_v[j, sl] = jnp.where(gid < _E, ev, 0.0)
            return carry

        lax.fori_loop(0, _JROWS, row, 0)
        pltpu.sync_copy(e_v, e_hbm.at[wid])
        plsc.subcore_barrier()

        def srow(j, carry):
            pltpu.sync_copy(e_v.at[j], den_sh.at[dst_v.at[j]], add=True)
            return carry

        lax.fori_loop(0, _JROWS, srow, 0)
        plsc.subcore_barrier()
        blk = _NPAD // 16
        pltpu.sync_copy(den_sh.at[pl.ds(sid * blk, blk)],
                        den_hbm.at[cid, pl.ds(sid * blk, blk)])

    return k(src2, dst2, a_s, a_d, zeros_np)



def _attmat(att_src, att_dst):
    h = att_src.shape[0]
    m = jnp.zeros((h, 128), jnp.float32)
    return m.at[:, 0].set(att_src).at[:, 1].set(att_dst)


def _bn_relu(z, gamma, beta, eps=1e-5):
    mu = jnp.mean(z, axis=0)
    var = jnp.var(z, axis=0)
    return jax.nn.relu((z - mu) / jnp.sqrt(var + eps) * gamma + beta)


def _gat_layer(xp, attmat, src2, dst2, srcp, dstp, zeros_np):
    a = _mm(xp, attmat)
    a_s = a[:, 0]
    a_d = a[:, 1]
    e3, denp = _edge_scalars(src2, dst2, a_s, a_d, zeros_np)
    denom = (denp[0] + denp[1])[:_N]
    e = e3.reshape(_EPAD)
    num = jax.ops.segment_sum(e[:, None] * xp[srcp], dstp,
                              num_segments=_NPAD)[:_N]
    return num, denom


def kernel(x, edge_index, W1, att_src1, att_dst1, b1, gamma1, beta1, W2, att_src2, att_dst2, b2, gamma2, beta2, Wfc, bfc, Wout, bout):
    loops = jnp.arange(_N, dtype=edge_index.dtype)
    src = jnp.concatenate([edge_index[0], loops])
    dst = jnp.concatenate([edge_index[1], loops])
    srcf = jnp.concatenate([src, jnp.zeros((_EPAD - _E,), dtype=src.dtype)])
    dstf = jnp.concatenate(
        [dst, jnp.full((_EPAD - _E,), _NPAD - 1, dtype=dst.dtype)])
    srcp = srcf
    dstp = dstf
    src2 = srcp.reshape(_NW, _JROWS, _ROWB)
    dst2 = dstp.reshape(_NW, _JROWS, _ROWB)
    zeros_np = jnp.zeros((_NPAD,), jnp.float32)

    xp1 = _mm(x, W1)
    num1, den1 = _gat_layer(xp1, _attmat(att_src1, att_dst1),
                            src2, dst2, srcp, dstp, zeros_np)
    h = _bn_relu(num1 / den1[:, None] + b1, gamma1, beta1)

    xp2 = _mm(h, W2)
    num2, den2 = _gat_layer(xp2, _attmat(att_src2, att_dst2),
                            src2, dst2, srcp, dstp, zeros_np)
    h2 = _bn_relu(num2 / den2[:, None] + b2, gamma2, beta2)

    h3 = jax.nn.relu(_mm(h2, Wfc) + bfc)
    return _mm(h3, Wout) + bout

# --- scband reference (transcript-rebuilt; emitter-appended) ---
"""Pipeline reference for scband-gat-12189117186677 (READ-ONLY COPY).

The authoritative reference and input builder live on the scoring server;
editing this copy changes nothing except your own understanding.
"""

import jax, jax.numpy as jnp
import numpy as np

N = 10000
E = 320000
D_IN = 128
H = 1024

def _glorot(key, shape):
    fan_in = shape[0]
    return (jax.random.normal(key, shape, dtype=jnp.float32) / jnp.sqrt(float(fan_in))).astype(jnp.float32)

def setup_inputs(seed: int = 0):
    key = jax.random.key(seed)
    ks = jax.random.split(key, 16)
    inp = {}
    inp["x"] = jax.random.normal(ks[0], (N, D_IN), dtype=jnp.float32)
    inp["edge_index"] = jax.random.randint(ks[1], (2, E), 0, N, dtype=jnp.int32)
    inp["W1"] = _glorot(ks[2], (D_IN, H))
    inp["att_src1"] = _glorot(ks[3], (H,))
    inp["att_dst1"] = _glorot(ks[4], (H,))
    inp["b1"] = jnp.zeros((H,), dtype=jnp.float32)
    inp["gamma1"] = jnp.ones((H,), dtype=jnp.float32)
    inp["beta1"] = jnp.zeros((H,), dtype=jnp.float32)
    inp["W2"] = _glorot(ks[5], (H, H))
    inp["att_src2"] = _glorot(ks[6], (H,))
    inp["att_dst2"] = _glorot(ks[7], (H,))
    inp["b2"] = jnp.zeros((H,), dtype=jnp.float32)
    inp["gamma2"] = jnp.ones((H,), dtype=jnp.float32)
    inp["beta2"] = jnp.zeros((H,), dtype=jnp.float32)
    inp["Wfc"] = _glorot(ks[8], (H, 512))
    inp["bfc"] = jnp.zeros((512,), dtype=jnp.float32)
    inp["Wout"] = _glorot(ks[9], (512, 128))
    inp["bout"] = jnp.zeros((128,), dtype=jnp.float32)
    return inp

def _gat_conv(x, W, att_src, att_dst, bias, src, dst):
    # PyG GATConv, heads=1, negative_slope=0.2, add_self_loops handled by caller
    xp = x @ W
    a_s = xp @ att_src
    a_d = xp @ att_dst
    logit = jax.nn.leaky_relu(a_s[src] + a_d[dst], negative_slope=0.2)
    m = jax.lax.stop_gradient(jax.ops.segment_max(logit, dst, num_segments=N))
    m = jnp.where(jnp.isfinite(m), m, 0.0)
    e = jnp.exp(logit - m[dst])
    denom = jax.ops.segment_sum(e, dst, num_segments=N)
    alpha = e / (denom[dst] + 1e-16)
    out = jax.ops.segment_sum(alpha[:, None] * xp[src], dst, num_segments=N)
    return out + bias

def _batchnorm(x, gamma, beta, eps=1e-5):
    mu = jnp.mean(x, axis=0)
    var = jnp.var(x, axis=0)
    return (x - mu) / jnp.sqrt(var + eps) * gamma + beta

def reference(x, edge_index, W1, att_src1, att_dst1, b1, gamma1, beta1, W2, att_src2, att_dst2, b2, gamma2, beta2, Wfc, bfc, Wout, bout):
    loops = jnp.arange(N, dtype=edge_index.dtype)
    src = jnp.concatenate([edge_index[0], loops])
    dst = jnp.concatenate([edge_index[1], loops])
    h = _gat_conv(x, W1, att_src1, att_dst1, b1, src, dst)
    h = jax.nn.relu(_batchnorm(h, gamma1, beta1))
    h = _gat_conv(h, W2, att_src2, att_dst2, b2, src, dst)
    h = jax.nn.relu(_batchnorm(h, gamma2, beta2))
    h = jax.nn.relu(h @ Wfc + bfc)
    # dropout p=0.2 is identity in eval mode
    return h @ Wout + bout

if __name__ == "__main__":
    import jax
    _d = setup_inputs()
    print(jax.jit(kernel)(*tuple(_d.values())))

</pallas_src>

<mosaic_0001>
#map = affine_map<(d0, d1) -> (0, 0, 0)>
#map1 = affine_map<(d0, d1) -> (0)>
#map2 = affine_map<(d0, d1) -> (0, 0)>
module attributes {stable_mosaic.version = 14 : i64} {
  func.func @k(%arg0: i32, %arg1: i32, %arg2: memref<32x81x128xi32, #tpu.memory_space<hbm>>, %arg3: memref<32x81x128xi32, #tpu.memory_space<hbm>>, %arg4: memref<10000xf32, #tpu.memory_space<hbm>>, %arg5: memref<10000xf32, #tpu.memory_space<hbm>>, %arg6: memref<10240xf32, #tpu.memory_space<hbm>>, %arg7: memref<32x81x128xf32, #tpu.memory_space<hbm>>, %arg8: memref<2x10240xf32, #tpu.memory_space<hbm>>, %arg9: memref<81x128xi32, #tpu.memory_space<vmem>>, %arg10: memref<81x128xi32, #tpu.memory_space<vmem>>, %arg11: memref<81x128xf32, #tpu.memory_space<vmem>>, %arg12: memref<81x128xf32, #tpu.memory_space<vmem>>, %arg13: memref<81x128xf32, #tpu.memory_space<vmem>>, %arg14: memref<10240xf32, #tpu.memory_space<vmem_shared>>, %arg15: memref<!tpu.dma_semaphore, #tpu.memory_space<semaphore_mem>>, %arg16: memref<!tpu.dma_semaphore, #tpu.memory_space<semaphore_mem>>) attributes {dimension_semantics = [#tpu.dimension_semantics<core_parallel>, #tpu.dimension_semantics<subcore_parallel>], iteration_bounds = array<i64: 2, 16>, scalar_prefetch = 0 : i64, scratch_operands = 8 : i64, tpu.core_type = #tpu.core_type<sc_vector_subcore>, window_params = [{transform_indices = #map}, {transform_indices = #map}, {transform_indices = #map1}, {transform_indices = #map1}, {transform_indices = #map1}, {transform_indices = #map}, {transform_indices = #map2}]} {
    %mul3A = arith.constant 2 : i32
    %mul3A_0 = arith.muli %arg1, %mul3A : i32
    %add3A = arith.addi %mul3A_0, %arg0 : i32
    "tpu.region"() ({
      %run_scoped3A = tpu.sem_alloc : memref<!tpu.dma_semaphore, #tpu.memory_space<semaphore_mem>>
      %dma_start3A = arith.constant 0 : i32
      %dma_start3A_33 = arith.constant 0 : i32
      %dma_start3A_34 = tpu.memref_slice %arg2[%add3A, %dma_start3A, %dma_start3A_33] : memref<32x81x128xi32, #tpu.memory_space<hbm>> -> memref<1x81x128xi32, #tpu.memory_space<hbm>>
      %dma_start3A_35 = tpu.memref_squeeze %dma_start3A_34 : memref<1x81x128xi32, #tpu.memory_space<hbm>> -> memref<81x128xi32, #tpu.memory_space<hbm>>
      %dma_start3A_36 = arith.constant 0 : i32
      %dma_start3A_37 = arith.constant 0 : i32
      %dma_start3A_38 = tpu.memref_slice %arg2[%add3A, %dma_start3A_36, %dma_start3A_37] : memref<32x81x128xi32, #tpu.memory_space<hbm>> -> memref<1x81x128xi32, #tpu.memory_space<hbm>>
      %dma_start3A_39 = tpu.memref_squeeze %dma_start3A_38 : memref<1x81x128xi32, #tpu.memory_space<hbm>> -> memref<81x128xi32, #tpu.memory_space<hbm>>
      tpu.enqueue_dma source(%dma_start3A_39 : memref<81x128xi32, #tpu.memory_space<hbm>>) target(%arg9 : memref<81x128xi32, #tpu.memory_space<vmem>>) target_semaphore(%run_scoped3A : memref<!tpu.dma_semaphore, #tpu.memory_space<semaphore_mem>>)
      %dma_wait3A = arith.constant 0 : i32
      %dma_wait3A_40 = arith.constant 0 : i32
      %dma_wait3A_41 = tpu.memref_slice %arg2[%add3A, %dma_wait3A, %dma_wait3A_40] : memref<32x81x128xi32, #tpu.memory_space<hbm>> -> memref<1x81x128xi32, #tpu.memory_space<hbm>>
      %dma_wait3A_42 = tpu.memref_squeeze %dma_wait3A_41 : memref<1x81x128xi32, #tpu.memory_space<hbm>> -> memref<81x128xi32, #tpu.memory_space<hbm>>
      %dma_wait3A_43 = arith.constant 0 : i32
      %dma_wait3A_44 = arith.constant 0 : i32
      %dma_wait3A_45 = tpu.memref_slice %arg2[%add3A, %dma_wait3A_43, %dma_wait3A_44] : memref<32x81x128xi32, #tpu.memory_space<hbm>> -> memref<1x81x128xi32, #tpu.memory_space<hbm>>
      %dma_wait3A_46 = tpu.memref_squeeze %dma_wait3A_45 : memref<1x81x128xi32, #tpu.memory_space<hbm>> -> memref<81x128xi32, #tpu.memory_space<hbm>>
      tpu.wait_dma2 semaphore(%run_scoped3A : memref<!tpu.dma_semaphore, #tpu.memory_space<semaphore_mem>>) src(%dma_wait3A_46 : memref<81x128xi32, #tpu.memory_space<hbm>>) dst(%arg9 : memref<81x128xi32, #tpu.memory_space<vmem>>)
      tpu.yield
    }) : () -> ()
    "tpu.region"() ({
      %run_scoped3A = tpu.sem_alloc : memref<!tpu.dma_semaphore, #tpu.memory_space<semaphore_mem>>
      %dma_start3A = arith.constant 0 : i32
      %dma_start3A_33 = arith.constant 0 : i32
      %dma_start3A_34 = tpu.memref_slice %arg3[%add3A, %dma_start3A, %dma_start3A_33] : memref<32x81x128xi32, #tpu.memory_space<hbm>> -> memref<1x81x128xi32, #tpu.memory_space<hbm>>
      %dma_start3A_35 = tpu.memref_squeeze %dma_start3A_34 : memref<1x81x128xi32, #tpu.memory_space<hbm>> -> memref<81x128xi32, #tpu.memory_space<hbm>>
      %dma_start3A_36 = arith.constant 0 : i32
      %dma_start3A_37 = arith.constant 0 : i32
      %dma_start3A_38 = tpu.memref_slice %arg3[%add3A, %dma_start3A_36, %dma_start3A_37] : memref<32x81x128xi32, #tpu.memory_space<hbm>> -> memref<1x81x128xi32, #tpu.memory_space<hbm>>
      %dma_start3A_39 = tpu.memref_squeeze %dma_start3A_38 : memref<1x81x128xi32, #tpu.memory_space<hbm>> -> memref<81x128xi32, #tpu.memory_space<hbm>>
      tpu.enqueue_dma source(%dma_start3A_39 : memref<81x128xi32, #tpu.memory_space<hbm>>) target(%arg10 : memref<81x128xi32, #tpu.memory_space<vmem>>) target_semaphore(%run_scoped3A : memref<!tpu.dma_semaphore, #tpu.memory_space<semaphore_mem>>)
      %dma_wait3A = arith.constant 0 : i32
      %dma_wait3A_40 = arith.constant 0 : i32
      %dma_wait3A_41 = tpu.memref_slice %arg3[%add3A, %dma_wait3A, %dma_wait3A_40] : memref<32x81x128xi32, #tpu.memory_space<hbm>> -> memref<1x81x128xi32, #tpu.memory_space<hbm>>
      %dma_wait3A_42 = tpu.memref_squeeze %dma_wait3A_41 : memref<1x81x128xi32, #tpu.memory_space<hbm>> -> memref<81x128xi32, #tpu.memory_space<hbm>>
      %dma_wait3A_43 = arith.constant 0 : i32
      %dma_wait3A_44 = arith.constant 0 : i32
      %dma_wait3A_45 = tpu.memref_slice %arg3[%add3A, %dma_wait3A_43, %dma_wait3A_44] : memref<32x81x128xi32, #tpu.memory_space<hbm>> -> memref<1x81x128xi32, #tpu.memory_space<hbm>>
      %dma_wait3A_46 = tpu.memref_squeeze %dma_wait3A_45 : memref<1x81x128xi32, #tpu.memory_space<hbm>> -> memref<81x128xi32, #tpu.memory_space<hbm>>
      tpu.wait_dma2 semaphore(%run_scoped3A : memref<!tpu.dma_semaphore, #tpu.memory_space<semaphore_mem>>) src(%dma_wait3A_46 : memref<81x128xi32, #tpu.memory_space<hbm>>) dst(%arg10 : memref<81x128xi32, #tpu.memory_space<vmem>>)
      tpu.yield
    }) : () -> ()
    %eq3A = arith.constant 0 : i32
    %eq3A_1 = arith.cmpi eq, %arg1, %eq3A : i32
    %convert_element_type3A = arith.extui %eq3A_1 : i1 to i32
    %cond3A = arith.constant 0 : i32
    %cond3A_2 = arith.cmpi ne, %convert_element_type3A, %cond3A : i32
    scf.if %cond3A_2 {
      "tpu.region"() ({
        %run_scoped3A = tpu.sem_alloc : memref<!tpu.dma_semaphore, #tpu.memory_space<semaphore_mem>>
        tpu.enqueue_dma source(%arg6 : memref<10240xf32, #tpu.memory_space<hbm>>) target(%arg14 : memref<10240xf32, #tpu.memory_space<vmem_shared>>) target_semaphore(%run_scoped3A : memref<!tpu.dma_semaphore, #tpu.memory_space<semaphore_mem>>)
        tpu.wait_dma2 semaphore(%run_scoped3A : memref<!tpu.dma_semaphore, #tpu.memory_space<semaphore_mem>>) src(%arg6 : memref<10240xf32, #tpu.memory_space<hbm>>) dst(%arg14 : memref<10240xf32, #tpu.memory_space<vmem_shared>>)
        tpu.yield
      }) : () -> ()
    } else {
    }
    %scan3A = arith.constant 0 : i32
    %scan3A_3 = arith.constant 0 : i32
    %scan3A_4 = arith.constant 81 : i32
    %scan3A_5 = arith.addi %scan3A_3, %scan3A_4 : i32
    %scan3A_6 = arith.constant 1 : i32
    scf.for %scan3A_33 = %scan3A_3 to %scan3A_5 step %scan3A_6  : i32 {
      %dma_start3A = arith.constant 0 : i32
      %dma_start3A_34 = tpu.memref_slice %arg11[%scan3A_33, %dma_start3A] : memref<81x128xf32, #tpu.memory_space<vmem>> -> memref<1x128xf32, #tpu.memory_space<vmem>>
      %dma_start3A_35 = tpu.memref_squeeze %dma_start3A_34 : memref<1x128xf32, #tpu.memory_space<vmem>> -> memref<128xf32, #tpu.memory_space<vmem>>
      %dma_start3A_36 = arith.constant 0 : i32
      %dma_start3A_37 = tpu.memref_slice %arg9[%scan3A_33, %dma_start3A_36] : memref<81x128xi32, #tpu.memory_space<vmem>> -> memref<1x128xi32, #tpu.memory_space<vmem>>
      %dma_start3A_38 = tpu.memref_squeeze %dma_start3A_37 : memref<1x128xi32, #tpu.memory_space<vmem>> -> memref<128xi32, #tpu.memory_space<vmem>>
      %dma_start3A_39 = arith.constant 0 : i32
      %dma_start3A_40 = tpu.memref_slice %arg4[%dma_start3A_39] : memref<10000xf32, #tpu.memory_space<hbm>> -> memref<10000xf32, #tpu.memory_space<hbm>>
      tpu.enqueue_indirect_dma source(%dma_start3A_40 : memref<10000xf32, #tpu.memory_space<hbm>>) target(%dma_start3A_35 : memref<128xf32, #tpu.memory_space<vmem>>) offsets(%dma_start3A_38 : memref<128xi32, #tpu.memory_space<vmem>>) semaphore(%arg15 : memref<!tpu.dma_semaphore, #tpu.memory_space<semaphore_mem>>)
      %dma_start3A_41 = arith.constant 0 : i32
      %dma_start3A_42 = tpu.memref_slice %arg12[%scan3A_33, %dma_start3A_41] : memref<81x128xf32, #tpu.memory_space<vmem>> -> memref<1x128xf32, #tpu.memory_space<vmem>>
      %dma_start3A_43 = tpu.memref_squeeze %dma_start3A_42 : memref<1x128xf32, #tpu.memory_space<vmem>> -> memref<128xf32, #tpu.memory_space<vmem>>
      %dma_start3A_44 = arith.constant 0 : i32
      %dma_start3A_45 = tpu.memref_slice %arg10[%scan3A_33, %dma_start3A_44] : memref<81x128xi32, #tpu.memory_space<vmem>> -> memref<1x128xi32, #tpu.memory_space<vmem>>
      %dma_start3A_46 = tpu.memref_squeeze %dma_start3A_45 : memref<1x128xi32, #tpu.memory_space<vmem>> -> memref<128xi32, #tpu.memory_space<vmem>>
      %dma_start3A_47 = arith.constant 0 : i32
      %dma_start3A_48 = tpu.memref_slice %arg5[%dma_start3A_47] : memref<10000xf32, #tpu.memory_space<hbm>> -> memref<10000xf32, #tpu.memory_space<hbm>>
      tpu.enqueue_indirect_dma source(%dma_start3A_48 : memref<10000xf32, #tpu.memory_space<hbm>>) target(%dma_start3A_43 : memref<128xf32, #tpu.memory_space<vmem>>) offsets(%dma_start3A_46 : memref<128xi32, #tpu.memory_space<vmem>>) semaphore(%arg16 : memref<!tpu.dma_semaphore, #tpu.memory_space<semaphore_mem>>)
    }
    %scan3A_7 = arith.constant 81 : i32
    %scan3A_8 = arith.constant 0 : i32
    %scan3A_9 = arith.constant 0 : i32
    %scan3A_10 = arith.constant 81 : i32
    %scan3A_11 = arith.addi %scan3A_9, %scan3A_10 : i32
    %scan3A_12 = arith.constant 1 : i32
    scf.for %scan3A_33 = %scan3A_9 to %scan3A_11 step %scan3A_12  : i32 {
      %dma_wait3A = arith.constant 0 : i32
      %dma_wait3A_34 = tpu.memref_slice %arg11[%scan3A_33, %dma_wait3A] : memref<81x128xf32, #tpu.memory_space<vmem>> -> memref<1x128xf32, #tpu.memory_space<vmem>>
      %dma_wait3A_35 = tpu.memref_squeeze %dma_wait3A_34 : memref<1x128xf32, #tpu.memory_space<vmem>> -> memref<128xf32, #tpu.memory_space<vmem>>
      %dma_wait3A_36 = arith.constant 0 : i32
      %dma_wait3A_37 = tpu.memref_slice %arg9[%scan3A_33, %dma_wait3A_36] : memref<81x128xi32, #tpu.memory_space<vmem>> -> memref<1x128xi32, #tpu.memory_space<vmem>>
      %dma_wait3A_38 = tpu.memref_squeeze %dma_wait3A_37 : memref<1x128xi32, #tpu.memory_space<vmem>> -> memref<128xi32, #tpu.memory_space<vmem>>
      %dma_wait3A_39 = arith.constant 0 : i32
      %dma_wait3A_40 = tpu.memref_slice %arg4[%dma_wait3A_39] : memref<10000xf32, #tpu.memory_space<hbm>> -> memref<10000xf32, #tpu.memory_space<hbm>>
      tpu.wait_indirect_dma semaphore(%arg15 : memref<!tpu.dma_semaphore, #tpu.memory_space<semaphore_mem>>) src(%dma_wait3A_40 : memref<10000xf32, #tpu.memory_space<hbm>>) dst(%dma_wait3A_35 : memref<128xf32, #tpu.memory_space<vmem>>)
      %dma_wait3A_41 = arith.constant 0 : i32
      %dma_wait3A_42 = tpu.memref_slice %arg12[%scan3A_33, %dma_wait3A_41] : memref<81x128xf32, #tpu.memory_space<vmem>> -> memref<1x128xf32, #tpu.memory_space<vmem>>
      %dma_wait3A_43 = tpu.memref_squeeze %dma_wait3A_42 : memref<1x128xf32, #tpu.memory_space<vmem>> -> memref<128xf32, #tpu.memory_space<vmem>>
      %dma_wait3A_44 = arith.constant 0 : i32
      %dma_wait3A_45 = tpu.memref_slice %arg10[%scan3A_33, %dma_wait3A_44] : memref<81x128xi32, #tpu.memory_space<vmem>> -> memref<1x128xi32, #tpu.memory_space<vmem>>
      %dma_wait3A_46 = tpu.memref_squeeze %dma_wait3A_45 : memref<1x128xi32, #tpu.memory_space<vmem>> -> memref<128xi32, #tpu.memory_space<vmem>>
      %dma_wait3A_47 = arith.constant 0 : i32
      %dma_wait3A_48 = tpu.memref_slice %arg5[%dma_wait3A_47] : memref<10000xf32, #tpu.memory_space<hbm>> -> memref<10000xf32, #tpu.memory_space<hbm>>
      tpu.wait_indirect_dma semaphore(%arg16 : memref<!tpu.dma_semaphore, #tpu.memory_space<semaphore_mem>>) src(%dma_wait3A_48 : memref<10000xf32, #tpu.memory_space<hbm>>) dst(%dma_wait3A_43 : memref<128xf32, #tpu.memory_space<vmem>>)
    }
    %scan3A_13 = arith.constant 81 : i32
    %mul3A_14 = arith.constant 10368 : i32
    %mul3A_15 = arith.muli %add3A, %mul3A_14 : i32
    %scan3A_16 = arith.constant 0 : i32
    %scan3A_17 = arith.constant 0 : i32
    %scan3A_18 = arith.constant 81 : i32
    %scan3A_19 = arith.addi %scan3A_17, %scan3A_18 : i32
    %scan3A_20 = arith.constant 1 : i32
    scf.for %scan3A_33 = %scan3A_17 to %scan3A_19 step %scan3A_20  : i32 {
      %get3A = arith.index_cast %scan3A_33 : i32 to index
      %get3A_34 = arith.constant 0 : index
      %get3A_35 = tpu.vector_load %arg11[%get3A, %get3A_34] {strides = array<i32>} : memref<81x128xf32, #tpu.memory_space<vmem>>, vector<1x16xf32>,
      %get3A_36 = vector.shape_cast %get3A_35 : vector<1x16xf32> to vector<16xf32>
      %get3A_37 = arith.index_cast %scan3A_33 : i32 to index
      %get3A_38 = arith.constant 0 : index
      %get3A_39 = tpu.vector_load %arg12[%get3A_37, %get3A_38] {strides = array<i32>} : memref<81x128xf32, #tpu.memory_space<vmem>>, vector<1x16xf32>,
      %get3A_40 = vector.shape_cast %get3A_39 : vector<1x16xf32> to vector<16xf32>
      %add3A_41 = arith.addf %get3A_36, %get3A_40 : vector<16xf32>
      %gt3A = arith.constant 0.000000e+00 : f32
      %gt3A_42 = vector.broadcast %gt3A : f32 to vector<16xf32>
      %gt3A_43 = arith.cmpf ogt, %add3A_41, %gt3A_42 : vector<16xf32>
      %mul3A_44 = arith.constant 2.000000e-01 : f32
      %mul3A_45 = vector.broadcast %mul3A_44 : f32 to vector<16xf32>
      %mul3A_46 = arith.mulf %mul3A_45, %add3A_41 : vector<16xf32>
      %select_n3A = arith.select %gt3A_43, %add3A_41, %mul3A_46 : vector<16xi1>, vector<16xf32>
      %exp3A = math.exp %select_n3A : vector<16xf32>
      %mul3A_47 = arith.constant 128 : i32
      %mul3A_48 = arith.muli %scan3A_33, %mul3A_47 : i32
      %add3A_49 = arith.addi %mul3A_15, %mul3A_48 : i32
      %add3A_50 = arith.constant 0 : i32
      %add3A_51 = arith.addi %add3A_49, %add3A_50 : i32
      %iota3A = tpu.iota {dimensions = array<i32: 0>} : vector<16xi32>
      %add3A_52 = vector.broadcast %add3A_51 : i32 to vector<16xi32>
      %add3A_53 = arith.addi %add3A_52, %iota3A : vector<16xi32>
      %lt3A = arith.constant 330000 : i32
      %lt3A_54 = vector.broadcast %lt3A : i32 to vector<16xi32>
      %lt3A_55 = arith.cmpi slt, %add3A_53, %lt3A_54 : vector<16xi32>
      %jit3A = arith.constant 0.000000e+00 : f32
      %broadcast_in_dim3A = vector.broadcast %jit3A : f32 to vector<16xf32>
      %select_n3A_56 = arith.select %lt3A_55, %exp3A, %broadcast_in_dim3A : vector<16xi1>, vector<16xf32>
      %swap3A = arith.index_cast %scan3A_33 : i32 to index
      %swap3A_57 = arith.constant 0 : index
      %swap3A_58 = tpu.vector_load %arg13[%swap3A, %swap3A_57] {strides = array<i32>} : memref<81x128xf32, #tpu.memory_space<vmem>>, vector<1x16xf32>,
      %swap3A_59 = vector.shape_cast %swap3A_58 : vector<1x16xf32> to vector<16xf32>
      %swap3A_60 = vector.shape_cast %select_n3A_56 : vector<16xf32> to vector<1x16xf32>
      tpu.vector_store %arg13[%swap3A, %swap3A_57], %swap3A_60 {strides = array<i32>} : memref<81x128xf32, #tpu.memory_space<vmem>>, vector<1x16xf32>,
      %get3A_61 = arith.index_cast %scan3A_33 : i32 to index
      %get3A_62 = arith.constant 16 : index
      %get3A_63 = tpu.vector_load %arg11[%get3A_61, %get3A_62] {strides = array<i32>} : memref<81x128xf32, #tpu.memory_space<vmem>>, vector<1x16xf32>,
      %get3A_64 = vector.shape_cast %get3A_63 : vector<1x16xf32> to vector<16xf32>
      %get3A_65 = arith.index_cast %scan3A_33 : i32 to index
      %get3A_66 = arith.constant 16 : index
      %get3A_67 = tpu.vector_load %arg12[%get3A_65, %get3A_66] {strides = array<i32>} : memref<81x128xf32, #tpu.memory_space<vmem>>, vector<1x16xf32>,
      %get3A_68 = vector.shape_cast %get3A_67 : vector<1x16xf32> to vector<16xf32>
      %add3A_69 = arith.addf %get3A_64, %get3A_68 : vector<16xf32>
      %gt3A_70 = arith.constant 0.000000e+00 : f32
      %gt3A_71 = vector.broadcast %gt3A_70 : f32 to vector<16xf32>
      %gt3A_72 = arith.cmpf ogt, %add3A_69, %gt3A_71 : vector<16xf32>
      %mul3A_73 = arith.constant 2.000000e-01 : f32
      %mul3A_74 = vector.broadcast %mul3A_73 : f32 to vector<16xf32>
      %mul3A_75 = arith.mulf %mul3A_74, %add3A_69 : vector<16xf32>
      %select_n3A_76 = arith.select %gt3A_72, %add3A_69, %mul3A_75 : vector<16xi1>, vector<16xf32>
      %exp3A_77 = math.exp %select_n3A_76 : vector<16xf32>
      %mul3A_78 = arith.constant 128 : i32
      %mul3A_79 = arith.muli %scan3A_33, %mul3A_78 : i32
      %add3A_80 = arith.addi %mul3A_15, %mul3A_79 : i32
      %add3A_81 = arith.constant 16 : i32
      %add3A_82 = arith.addi %add3A_80, %add3A_81 : i32
      %iota3A_83 = tpu.iota {dimensions = array<i32: 0>} : vector<16xi32>
      %add3A_84 = vector.broadcast %add3A_82 : i32 to vector<16xi32>
      %add3A_85 = arith.addi %add3A_84, %iota3A_83 : vector<16xi32>
      %lt3A_86 = arith.constant 330000 : i32
      %lt3A_87 = vector.broadcast %lt3A_86 : i32 to vector<16xi32>
      %lt3A_88 = arith.cmpi slt, %add3A_85, %lt3A_87 : vector<16xi32>
      %jit3A_89 = arith.constant 0.000000e+00 : f32
      %broadcast_in_dim3A_90 = vector.broadcast %jit3A_89 : f32 to vector<16xf32>
      %select_n3A_91 = arith.select %lt3A_88, %exp3A_77, %broadcast_in_dim3A_90 : vector<16xi1>, vector<16xf32>
      %swap3A_92 = arith.index_cast %scan3A_33 : i32 to index
      %swap3A_93 = arith.constant 16 : index
      %swap3A_94 = tpu.vector_load %arg13[%swap3A_92, %swap3A_93] {strides = array<i32>} : memref<81x128xf32, #tpu.memory_space<vmem>>, vector<1x16xf32>,
      %swap3A_95 = vector.shape_cast %swap3A_94 : vector<1x16xf32> to vector<16xf32>
      %swap3A_96 = vector.shape_cast %select_n3A_91 : vector<16xf32> to vector<1x16xf32>
      tpu.vector_store %arg13[%swap3A_92, %swap3A_93], %swap3A_96 {strides = array<i32>} : memref<81x128xf32, #tpu.memory_space<vmem>>, vector<1x16xf32>,
      %get3A_97 = arith.index_cast %scan3A_33 : i32 to index
      %get3A_98 = arith.constant 32 : index
      %get3A_99 = tpu.vector_load %arg11[%get3A_97, %get3A_98] {strides = array<i32>} : memref<81x128xf32, #tpu.memory_space<vmem>>, vector<1x16xf32>,
      %get3A_100 = vector.shape_cast %get3A_99 : vector<1x16xf32> to vector<16xf32>
      %get3A_101 = arith.index_cast %scan3A_33 : i32 to index
      %get3A_102 = arith.constant 32 : index
      %get3A_103 = tpu.vector_load %arg12[%get3A_101, %get3A_102] {strides = array<i32>} : memref<81x128xf32, #tpu.memory_space<vmem>>, vector<1x16xf32>,
      %get3A_104 = vector.shape_cast %get3A_103 : vector<1x16xf32> to vector<16xf32>
      %add3A_105 = arith.addf %get3A_100, %get3A_104 : vector<16xf32>
      %gt3A_106 = arith.constant 0.000000e+00 : f32
      %gt3A_107 = vector.broadcast %gt3A_106 : f32 to vector<16xf32>
      %gt3A_108 = arith.cmpf ogt, %add3A_105, %gt3A_107 : vector<16xf32>
      %mul3A_109 = arith.constant 2.000000e-01 : f32
      %mul3A_110 = vector.broadcast %mul3A_109 : f32 to vector<16xf32>
      %mul3A_111 = arith.mulf %mul3A_110, %add3A_105 : vector<16xf32>
      %select_n3A_112 = arith.select %gt3A_108, %add3A_105, %mul3A_111 : vector<16xi1>, vector<16xf32>
      %exp3A_113 = math.exp %select_n3A_112 : vector<16xf32>
      %mul3A_114 = arith.constant 128 : i32
      %mul3A_115 = arith.muli %scan3A_33, %mul3A_114 : i32
      %add3A_116 = arith.addi %mul3A_15, %mul3A_115 : i32
      %add3A_117 = arith.constant 32 : i32
      %add3A_118 = arith.addi %add3A_116, %add3A_117 : i32
      %iota3A_119 = tpu.iota {dimensions = array<i32: 0>} : vector<16xi32>
      %add3A_120 = vector.broadcast %add3A_118 : i32 to vector<16xi32>
      %add3A_121 = arith.addi %add3A_120, %iota3A_119 : vector<16xi32>
      %lt3A_122 = arith.constant 330000 : i32
      %lt3A_123 = vector.broadcast %lt3A_122 : i32 to vector<16xi32>
      %lt3A_124 = arith.cmpi slt, %add3A_121, %lt3A_123 : vector<16xi32>
      %jit3A_125 = arith.constant 0.000000e+00 : f32
      %broadcast_in_dim3A_126 = vector.broadcast %jit3A_125 : f32 to vector<16xf32>
      %select_n3A_127 = arith.select %lt3A_124, %exp3A_113, %broadcast_in_dim3A_126 : vector<16xi1>, vector<16xf32>
      %swap3A_128 = arith.index_cast %scan3A_33 : i32 to index
      %swap3A_129 = arith.constant 32 : index
      %swap3A_130 = tpu.vector_load %arg13[%swap3A_128, %swap3A_129] {strides = array<i32>} : memref<81x128xf32, #tpu.memory_space<vmem>>, vector<1x16xf32>,
      %swap3A_131 = vector.shape_cast %swap3A_130 : vector<1x16xf32> to vector<16xf32>
      %swap3A_132 = vector.shape_cast %select_n3A_127 : vector<16xf32> to vector<1x16xf32>
      tpu.vector_store %arg13[%swap3A_128, %swap3A_129], %swap3A_132 {strides = array<i32>} : memref<81x128xf32, #tpu.memory_space<vmem>>, vector<1x16xf32>,
      %get3A_133 = arith.index_cast %scan3A_33 : i32 to index
      %get3A_134 = arith.constant 48 : index
      %get3A_135 = tpu.vector_load %arg11[%get3A_133, %get3A_134] {strides = array<i32>} : memref<81x128xf32, #tpu.memory_space<vmem>>, vector<1x16xf32>,
      %get3A_136 = vector.shape_cast %get3A_135 : vector<1x16xf32> to vector<16xf32>
      %get3A_137 = arith.index_cast %scan3A_33 : i32 to index
      %get3A_138 = arith.constant 48 : index
      %get3A_139 = tpu.vector_load %arg12[%get3A_137, %get3A_138] {strides = array<i32>} : memref<81x128xf32, #tpu.memory_space<vmem>>, vector<1x16xf32>,
      %get3A_140 = vector.shape_cast %get3A_139 : vector<1x16xf32> to vector<16xf32>
      %add3A_141 = arith.addf %get3A_136, %get3A_140 : vector<16xf32>
      %gt3A_142 = arith.constant 0.000000e+00 : f32
      %gt3A_143 = vector.broadcast %gt3A_142 : f32 to vector<16xf32>
      %gt3A_144 = arith.cmpf ogt, %add3A_141, %gt3A_143 : vector<16xf32>
      %mul3A_145 = arith.constant 2.000000e-01 : f32
      %mul3A_146 = vector.broadcast %mul3A_145 : f32 to vector<16xf32>
      %mul3A_147 = arith.mulf %mul3A_146, %add3A_141 : vector<16xf32>
      %select_n3A_148 = arith.select %gt3A_144, %add3A_141, %mul3A_147 : vector<16xi1>, vector<16xf32>
      %exp3A_149 = math.exp %select_n3A_148 : vector<16xf32>
      %mul3A_150 = arith.constant 128 : i32
      %mul3A_151 = arith.muli %scan3A_33, %mul3A_150 : i32
      %add3A_152 = arith.addi %mul3A_15, %mul3A_151 : i32
      %add3A_153 = arith.constant 48 : i32
      %add3A_154 = arith.addi %add3A_152, %add3A_153 : i32
      %iota3A_155 = tpu.iota {dimensions = array<i32: 0>} : vector<16xi32>
      %add3A_156 = vector.broadcast %add3A_154 : i32 to vector<16xi32>
      %add3A_157 = arith.addi %add3A_156, %iota3A_155 : vector<16xi32>
      %lt3A_158 = arith.constant 330000 : i32
      %lt3A_159 = vector.broadcast %lt3A_158 : i32 to vector<16xi32>
      %lt3A_160 = arith.cmpi slt, %add3A_157, %lt3A_159 : vector<16xi32>
      %jit3A_161 = arith.constant 0.000000e+00 : f32
      %broadcast_in_dim3A_162 = vector.broadcast %jit3A_161 : f32 to vector<16xf32>
      %select_n3A_163 = arith.select %lt3A_160, %exp3A_149, %broadcast_in_dim3A_162 : vector<16xi1>, vector<16xf32>
      %swap3A_164 = arith.index_cast %scan3A_33 : i32 to index
      %swap3A_165 = arith.constant 48 : index
      %swap3A_166 = tpu.vector_load %arg13[%swap3A_164, %swap3A_165] {strides = array<i32>} : memref<81x128xf32, #tpu.memory_space<vmem>>, vector<1x16xf32>,
      %swap3A_167 = vector.shape_cast %swap3A_166 : vector<1x16xf32> to vector<16xf32>
      %swap3A_168 = vector.shape_cast %select_n3A_163 : vector<16xf32> to vector<1x16xf32>
      tpu.vector_store %arg13[%swap3A_164, %swap3A_165], %swap3A_168 {strides = array<i32>} : memref<81x128xf32, #tpu.memory_space<vmem>>, vector<1x16xf32>,
      %get3A_169 = arith.index_cast %scan3A_33 : i32 to index
      %get3A_170 = arith.constant 64 : index
      %get3A_171 = tpu.vector_load %arg11[%get3A_169, %get3A_170] {strides = array<i32>} : memref<81x128xf32, #tpu.memory_space<vmem>>, vector<1x16xf32>,
      %get3A_172 = vector.shape_cast %get3A_171 : vector<1x16xf32> to vector<16xf32>
      %get3A_173 = arith.index_cast %scan3A_33 : i32 to index
      %get3A_174 = arith.constant 64 : index
      %get3A_175 = tpu.vector_load %arg12[%get3A_173, %get3A_174] {strides = array<i32>} : memref<81x128xf32, #tpu.memory_space<vmem>>, vector<1x16xf32>,
      %get3A_176 = vector.shape_cast %get3A_175 : vector<1x16xf32> to vector<16xf32>
      %add3A_177 = arith.addf %get3A_172, %get3A_176 : vector<16xf32>
      %gt3A_178 = arith.constant 0.000000e+00 : f32
      %gt3A_179 = vector.broadcast %gt3A_178 : f32 to vector<16xf32>
      %gt3A_180 = arith.cmpf ogt, %add3A_177, %gt3A_179 : vector<16xf32>
      %mul3A_181 = arith.constant 2.000000e-01 : f32
      %mul3A_182 = vector.broadcast %mul3A_181 : f32 to vector<16xf32>
      %mul3A_183 = arith.mulf %mul3A_182, %add3A_177 : vector<16xf32>
      %select_n3A_184 = arith.select %gt3A_180, %add3A_177, %mul3A_183 : vector<16xi1>, vector<16xf32>
      %exp3A_185 = math.exp %select_n3A_184 : vector<16xf32>
      %mul3A_186 = arith.constant 128 : i32
      %mul3A_187 = arith.muli %scan3A_33, %mul3A_186 : i32
      %add3A_188 = arith.addi %mul3A_15, %mul3A_187 : i32
      %add3A_189 = arith.constant 64 : i32
      %add3A_190 = arith.addi %add3A_188, %add3A_189 : i32
      %iota3A_191 = tpu.iota {dimensions = array<i32: 0>} : vector<16xi32>
      %add3A_192 = vector.broadcast %add3A_190 : i32 to vector<16xi32>
      %add3A_193 = arith.addi %add3A_192, %iota3A_191 : vector<16xi32>
      %lt3A_194 = arith.constant 330000 : i32
      %lt3A_195 = vector.broadcast %lt3A_194 : i32 to vector<16xi32>
      %lt3A_196 = arith.cmpi slt, %add3A_193, %lt3A_195 : vector<16xi32>
      %jit3A_197 = arith.constant 0.000000e+00 : f32
      %broadcast_in_dim3A_198 = vector.broadcast %jit3A_197 : f32 to vector<16xf32>
      %select_n3A_199 = arith.select %lt3A_196, %exp3A_185, %broadcast_in_dim3A_198 : vector<16xi1>, vector<16xf32>
      %swap3A_200 = arith.index_cast %scan3A_33 : i32 to index
      %swap3A_201 = arith.constant 64 : index
      %swap3A_202 = tpu.vector_load %arg13[%swap3A_200, %swap3A_201] {strides = array<i32>} : memref<81x128xf32, #tpu.memory_space<vmem>>, vector<1x16xf32>,
      %swap3A_203 = vector.shape_cast %swap3A_202 : vector<1x16xf32> to vector<16xf32>
      %swap3A_204 = vector.shape_cast %select_n3A_199 : vector<16xf32> to vector<1x16xf32>
      tpu.vector_store %arg13[%swap3A_200, %swap3A_201], %swap3A_204 {strides = array<i32>} : memref<81x128xf32, #tpu.memory_space<vmem>>, vector<1x16xf32>,
      %get3A_205 = arith.index_cast %scan3A_33 : i32 to index
      %get3A_206 = arith.constant 80 : index
      %get3A_207 = tpu.vector_load %arg11[%get3A_205, %get3A_206] {strides = array<i32>} : memref<81x128xf32, #tpu.memory_space<vmem>>, vector<1x16xf32>,
      %get3A_208 = vector.shape_cast %get3A_207 : vector<1x16xf32> to vector<16xf32>
      %get3A_209 = arith.index_cast %scan3A_33 : i32 to index
      %get3A_210 = arith.constant 80 : index
      %get3A_211 = tpu.vector_load %arg12[%get3A_209, %get3A_210] {strides = array<i32>} : memref<81x128xf32, #tpu.memory_space<vmem>>, vector<1x16xf32>,
      %get3A_212 = vector.shape_cast %get3A_211 : vector<1x16xf32> to vector<16xf32>
      %add3A_213 = arith.addf %get3A_208, %get3A_212 : vector<16xf32>
      %gt3A_214 = arith.constant 0.000000e+00 : f32
      %gt3A_215 = vector.broadcast %gt3A_214 : f32 to vector<16xf32>
      %gt3A_216 = arith.cmpf ogt, %add3A_213, %gt3A_215 : vector<16xf32>
      %mul3A_217 = arith.constant 2.000000e-01 : f32
      %mul3A_218 = vector.broadcast %mul3A_217 : f32 to vector<16xf32>
      %mul3A_219 = arith.mulf %mul3A_218, %add3A_213 : vector<16xf32>
      %select_n3A_220 = arith.select %gt3A_216, %add3A_213, %mul3A_219 : vector<16xi1>, vector<16xf32>
      %exp3A_221 = math.exp %select_n3A_220 : vector<16xf32>
      %mul3A_222 = arith.constant 128 : i32
      %mul3A_223 = arith.muli %scan3A_33, %mul3A_222 : i32
      %add3A_224 = arith.addi %mul3A_15, %mul3A_223 : i32
      %add3A_225 = arith.constant 80 : i32
      %add3A_226 = arith.addi %add3A_224, %add3A_225 : i32
      %iota3A_227 = tpu.iota {dimensions = array<i32: 0>} : vector<16xi32>
      %add3A_228 = vector.broadcast %add3A_226 : i32 to vector<16xi32>
      %add3A_229 = arith.addi %add3A_228, %iota3A_227 : vector<16xi32>
      %lt3A_230 = arith.constant 330000 : i32
      %lt3A_231 = vector.broadcast %lt3A_230 : i32 to vector<16xi32>
      %lt3A_232 = arith.cmpi slt, %add3A_229, %lt3A_231 : vector<16xi32>
      %jit3A_233 = arith.constant 0.000000e+00 : f32
      %broadcast_in_dim3A_234 = vector.broadcast %jit3A_233 : f32 to vector<16xf32>
      %select_n3A_235 = arith.select %lt3A_232, %exp3A_221, %broadcast_in_dim3A_234 : vector<16xi1>, vector<16xf32>
      %swap3A_236 = arith.index_cast %scan3A_33 : i32 to index
      %swap3A_237 = arith.constant 80 : index
      %swap3A_238 = tpu.vector_load %arg13[%swap3A_236, %swap3A_237] {strides = array<i32>} : memref<81x128xf32, #tpu.memory_space<vmem>>, vector<1x16xf32>,
      %swap3A_239 = vector.shape_cast %swap3A_238 : vector<1x16xf32> to vector<16xf32>
      %swap3A_240 = vector.shape_cast %select_n3A_235 : vector<16xf32> to vector<1x16xf32>
      tpu.vector_store %arg13[%swap3A_236, %swap3A_237], %swap3A_240 {strides = array<i32>} : memref<81x128xf32, #tpu.memory_space<vmem>>, vector<1x16xf32>,
      %get3A_241 = arith.index_cast %scan3A_33 : i32 to index
      %get3A_242 = arith.constant 96 : index
      %get3A_243 = tpu.vector_load %arg11[%get3A_241, %get3A_242] {strides = array<i32>} : memref<81x128xf32, #tpu.memory_space<vmem>>, vector<1x16xf32>,
      %get3A_244 = vector.shape_cast %get3A_243 : vector<1x16xf32> to vector<16xf32>
      %get3A_245 = arith.index_cast %scan3A_33 : i32 to index
      %get3A_246 = arith.constant 96 : index
      %get3A_247 = tpu.vector_load %arg12[%get3A_245, %get3A_246] {strides = array<i32>} : memref<81x128xf32, #tpu.memory_space<vmem>>, vector<1x16xf32>,
      %get3A_248 = vector.shape_cast %get3A_247 : vector<1x16xf32> to vector<16xf32>
      %add3A_249 = arith.addf %get3A_244, %get3A_248 : vector<16xf32>
      %gt3A_250 = arith.constant 0.000000e+00 : f32
      %gt3A_251 = vector.broadcast %gt3A_250 : f32 to vector<16xf32>
      %gt3A_252 = arith.cmpf ogt, %add3A_249, %gt3A_251 : vector<16xf32>
      %mul3A_253 = arith.constant 2.000000e-01 : f32
      %mul3A_254 = vector.broadcast %mul3A_253 : f32 to vector<16xf32>
      %mul3A_255 = arith.mulf %mul3A_254, %add3A_249 : vector<16xf32>
      %select_n3A_256 = arith.select %gt3A_252, %add3A_249, %mul3A_255 : vector<16xi1>, vector<16xf32>
      %exp3A_257 = math.exp %select_n3A_256 : vector<16xf32>
      %mul3A_258 = arith.constant 128 : i32
      %mul3A_259 = arith.muli %scan3A_33, %mul3A_258 : i32
      %add3A_260 = arith.addi %mul3A_15, %mul3A_259 : i32
      %add3A_261 = arith.constant 96 : i32
      %add3A_262 = arith.addi %add3A_260, %add3A_261 : i32
      %iota3A_263 = tpu.iota {dimensions = array<i32: 0>} : vector<16xi32>
      %add3A_264 = vector.broadcast %add3A_262 : i32 to vector<16xi32>
      %add3A_265 = arith.addi %add3A_264, %iota3A_263 : vector<16xi32>
      %lt3A_266 = arith.constant 330000 : i32
      %lt3A_267 = vector.broadcast %lt3A_266 : i32 to vector<16xi32>
      %lt3A_268 = arith.cmpi slt, %add3A_265, %lt3A_267 : vector<16xi32>
      %jit3A_269 = arith.constant 0.000000e+00 : f32
      %broadcast_in_dim3A_270 = vector.broadcast %jit3A_269 : f32 to vector<16xf32>
      %select_n3A_271 = arith.select %lt3A_268, %exp3A_257, %broadcast_in_dim3A_270 : vector<16xi1>, vector<16xf32>
      %swap3A_272 = arith.index_cast %scan3A_33 : i32 to index
      %swap3A_273 = arith.constant 96 : index
      %swap3A_274 = tpu.vector_load %arg13[%swap3A_272, %swap3A_273] {strides = array<i32>} : memref<81x128xf32, #tpu.memory_space<vmem>>, vector<1x16xf32>,
      %swap3A_275 = vector.shape_cast %swap3A_274 : vector<1x16xf32> to vector<16xf32>
      %swap3A_276 = vector.shape_cast %select_n3A_271 : vector<16xf32> to vector<1x16xf32>
      tpu.vector_store %arg13[%swap3A_272, %swap3A_273], %swap3A_276 {strides = array<i32>} : memref<81x128xf32, #tpu.memory_space<vmem>>, vector<1x16xf32>,
      %get3A_277 = arith.index_cast %scan3A_33 : i32 to index
      %get3A_278 = arith.constant 112 : index
      %get3A_279 = tpu.vector_load %arg11[%get3A_277, %get3A_278] {strides = array<i32>} : memref<81x128xf32, #tpu.memory_space<vmem>>, vector<1x16xf32>,
      %get3A_280 = vector.shape_cast %get3A_279 : vector<1x16xf32> to vector<16xf32>
      %get3A_281 = arith.index_cast %scan3A_33 : i32 to index
      %get3A_282 = arith.constant 112 : index
      %get3A_283 = tpu.vector_load %arg12[%get3A_281, %get3A_282] {strides = array<i32>} : memref<81x128xf32, #tpu.memory_space<vmem>>, vector<1x16xf32>,
      %get3A_284 = vector.shape_cast %get3A_283 : vector<1x16xf32> to vector<16xf32>
      %add3A_285 = arith.addf %get3A_280, %get3A_284 : vector<16xf32>
      %gt3A_286 = arith.constant 0.000000e+00 : f32
      %gt3A_287 = vector.broadcast %gt3A_286 : f32 to vector<16xf32>
      %gt3A_288 = arith.cmpf ogt, %add3A_285, %gt3A_287 : vector<16xf32>
      %mul3A_289 = arith.constant 2.000000e-01 : f32
      %mul3A_290 = vector.broadcast %mul3A_289 : f32 to vector<16xf32>
      %mul3A_291 = arith.mulf %mul3A_290, %add3A_285 : vector<16xf32>
      %select_n3A_292 = arith.select %gt3A_288, %add3A_285, %mul3A_291 : vector<16xi1>, vector<16xf32>
      %exp3A_293 = math.exp %select_n3A_292 : vector<16xf32>
      %mul3A_294 = arith.constant 128 : i32
      %mul3A_295 = arith.muli %scan3A_33, %mul3A_294 : i32
      %add3A_296 = arith.addi %mul3A_15, %mul3A_295 : i32
      %add3A_297 = arith.constant 112 : i32
      %add3A_298 = arith.addi %add3A_296, %add3A_297 : i32
      %iota3A_299 = tpu.iota {dimensions = array<i32: 0>} : vector<16xi32>
      %add3A_300 = vector.broadcast %add3A_298 : i32 to vector<16xi32>
      %add3A_301 = arith.addi %add3A_300, %iota3A_299 : vector<16xi32>
      %lt3A_302 = arith.constant 330000 : i32
      %lt3A_303 = vector.broadcast %lt3A_302 : i32 to vector<16xi32>
      %lt3A_304 = arith.cmpi slt, %add3A_301, %lt3A_303 : vector<16xi32>
      %jit3A_305 = arith.constant 0.000000e+00 : f32
      %broadcast_in_dim3A_306 = vector.broadcast %jit3A_305 : f32 to vector<16xf32>
      %select_n3A_307 = arith.select %lt3A_304, %exp3A_293, %broadcast_in_dim3A_306 : vector<16xi1>, vector<16xf32>
      %swap3A_308 = arith.index_cast %scan3A_33 : i32 to index
      %swap3A_309 = arith.constant 112 : index
      %swap3A_310 = tpu.vector_load %arg13[%swap3A_308, %swap3A_309] {strides = array<i32>} : memref<81x128xf32, #tpu.memory_space<vmem>>, vector<1x16xf32>,
      %swap3A_311 = vector.shape_cast %swap3A_310 : vector<1x16xf32> to vector<16xf32>
      %swap3A_312 = vector.shape_cast %select_n3A_307 : vector<16xf32> to vector<1x16xf32>
      tpu.vector_store %arg13[%swap3A_308, %swap3A_309], %swap3A_312 {strides = array<i32>} : memref<81x128xf32, #tpu.memory_space<vmem>>, vector<1x16xf32>,
    }
    %scan3A_21 = arith.constant 81 : i32
    "tpu.region"() ({
      %run_scoped3A = tpu.sem_alloc : memref<!tpu.dma_semaphore, #tpu.memory_space<semaphore_mem>>
      %dma_start3A = arith.constant 0 : i32
      %dma_start3A_33 = arith.constant 0 : i32
      %dma_start3A_34 = tpu.memref_slice %arg7[%add3A, %dma_start3A, %dma_start3A_33] : memref<32x81x128xf32, #tpu.memory_space<hbm>> -> memref<1x81x128xf32, #tpu.memory_space<hbm>>
      %dma_start3A_35 = tpu.memref_squeeze %dma_start3A_34 : memref<1x81x128xf32, #tpu.memory_space<hbm>> -> memref<81x128xf32, #tpu.memory_space<hbm>>
      %dma_start3A_36 = arith.constant 0 : i32
      %dma_start3A_37 = arith.constant 0 : i32
      %dma_start3A_38 = tpu.memref_slice %arg7[%add3A, %dma_start3A_36, %dma_start3A_37] : memref<32x81x128xf32, #tpu.memory_space<hbm>> -> memref<1x81x128xf32, #tpu.memory_space<hbm>>
      %dma_start3A_39 = tpu.memref_squeeze %dma_start3A_38 : memref<1x81x128xf32, #tpu.memory_space<hbm>> -> memref<81x128xf32, #tpu.memory_space<hbm>>
      tpu.enqueue_dma source(%arg13 : memref<81x128xf32, #tpu.memory_space<vmem>>) target(%dma_start3A_39 : memref<81x128xf32, #tpu.memory_space<hbm>>) target_semaphore(%run_scoped3A : memref<!tpu.dma_semaphore, #tpu.memory_space<semaphore_mem>>)
      %dma_wait3A = arith.constant 0 : i32
      %dma_wait3A_40 = arith.constant 0 : i32
      %dma_wait3A_41 = tpu.memref_slice %arg7[%add3A, %dma_wait3A, %dma_wait3A_40] : memref<32x81x128xf32, #tpu.memory_space<hbm>> -> memref<1x81x128xf32, #tpu.memory_space<hbm>>
      %dma_wait3A_42 = tpu.memref_squeeze %dma_wait3A_41 : memref<1x81x128xf32, #tpu.memory_space<hbm>> -> memref<81x128xf32, #tpu.memory_space<hbm>>
      %dma_wait3A_43 = arith.constant 0 : i32
      %dma_wait3A_44 = arith.constant 0 : i32
      %dma_wait3A_45 = tpu.memref_slice %arg7[%add3A, %dma_wait3A_43, %dma_wait3A_44] : memref<32x81x128xf32, #tpu.memory_space<hbm>> -> memref<1x81x128xf32, #tpu.memory_space<hbm>>
      %dma_wait3A_46 = tpu.memref_squeeze %dma_wait3A_45 : memref<1x81x128xf32, #tpu.memory_space<hbm>> -> memref<81x128xf32, #tpu.memory_space<hbm>>
      tpu.wait_dma2 semaphore(%run_scoped3A : memref<!tpu.dma_semaphore, #tpu.memory_space<semaphore_mem>>) src(%arg13 : memref<81x128xf32, #tpu.memory_space<vmem>>) dst(%dma_wait3A_46 : memref<81x128xf32, #tpu.memory_space<hbm>>)
      tpu.yield
    }) : () -> ()
    %barrier3A = arith.constant 0 : index
    tpu.barrier barrier_id(%barrier3A)
    %scan3A_22 = arith.constant 0 : i32
    %scan3A_23 = arith.constant 0 : i32
    %scan3A_24 = arith.constant 81 : i32
    %scan3A_25 = arith.addi %scan3A_23, %scan3A_24 : i32
    %scan3A_26 = arith.constant 1 : i32
    scf.for %scan3A_33 = %scan3A_23 to %scan3A_25 step %scan3A_26  : i32 {
      "tpu.region"() ({
        %run_scoped3A = tpu.sem_alloc : memref<!tpu.dma_semaphore, #tpu.memory_space<semaphore_mem>>
        %dma_start3A = arith.constant 0 : i32
        %dma_start3A_34 = tpu.memref_slice %arg13[%scan3A_33, %dma_start3A] : memref<81x128xf32, #tpu.memory_space<vmem>> -> memref<1x128xf32, #tpu.memory_space<vmem>>
        %dma_start3A_35 = tpu.memref_squeeze %dma_start3A_34 : memref<1x128xf32, #tpu.memory_space<vmem>> -> memref<128xf32, #tpu.memory_space<vmem>>
        %dma_start3A_36 = arith.constant 0 : i32
        %dma_start3A_37 = tpu.memref_slice %arg10[%scan3A_33, %dma_start3A_36] : memref<81x128xi32, #tpu.memory_space<vmem>> -> memref<1x128xi32, #tpu.memory_space<vmem>>
        %dma_start3A_38 = tpu.memref_squeeze %dma_start3A_37 : memref<1x128xi32, #tpu.memory_space<vmem>> -> memref<128xi32, #tpu.memory_space<vmem>>
        %dma_start3A_39 = arith.constant 0 : i32
        %dma_start3A_40 = tpu.memref_slice %arg14[%dma_start3A_39] : memref<10240xf32, #tpu.memory_space<vmem_shared>> -> memref<10240xf32, #tpu.memory_space<vmem_shared>>
        tpu.enqueue_indirect_dma source(%dma_start3A_35 : memref<128xf32, #tpu.memory_space<vmem>>) target(%dma_start3A_40 : memref<10240xf32, #tpu.memory_space<vmem_shared>>) offsets(%dma_start3A_38 : memref<128xi32, #tpu.memory_space<vmem>>) semaphore(%run_scoped3A : memref<!tpu.dma_semaphore, #tpu.memory_space<semaphore_mem>>) {add = true}
        %dma_wait3A = arith.constant 0 : i32
        %dma_wait3A_41 = tpu.memref_slice %arg13[%scan3A_33, %dma_wait3A] : memref<81x128xf32, #tpu.memory_space<vmem>> -> memref<1x128xf32, #tpu.memory_space<vmem>>
        %dma_wait3A_42 = tpu.memref_squeeze %dma_wait3A_41 : memref<1x128xf32, #tpu.memory_space<vmem>> -> memref<128xf32, #tpu.memory_space<vmem>>
        %dma_wait3A_43 = arith.constant 0 : i32
        %dma_wait3A_44 = tpu.memref_slice %arg10[%scan3A_33, %dma_wait3A_43] : memref<81x128xi32, #tpu.memory_space<vmem>> -> memref<1x128xi32, #tpu.memory_space<vmem>>
        %dma_wait3A_45 = tpu.memref_squeeze %dma_wait3A_44 : memref<1x128xi32, #tpu.memory_space<vmem>> -> memref<128xi32, #tpu.memory_space<vmem>>
        %dma_wait3A_46 = arith.constant 0 : i32
        %dma_wait3A_47 = tpu.memref_slice %arg14[%dma_wait3A_46] : memref<10240xf32, #tpu.memory_space<vmem_shared>> -> memref<10240xf32, #tpu.memory_space<vmem_shared>>
        tpu.wait_indirect_dma semaphore(%run_scoped3A : memref<!tpu.dma_semaphore, #tpu.memory_space<semaphore_mem>>) src(%dma_wait3A_42 : memref<128xf32, #tpu.memory_space<vmem>>) dst(%dma_wait3A_47 : memref<10240xf32, #tpu.memory_space<vmem_shared>>)
        tpu.yield
      }) : () -> ()
    }
    %scan3A_27 = arith.constant 81 : i32
    %barrier3A_28 = arith.constant 0 : index
    tpu.barrier barrier_id(%barrier3A_28)
    %mul3A_29 = arith.constant 640 : i32
    %mul3A_30 = arith.muli %arg1, %mul3A_29 : i32
    %mul3A_31 = arith.constant 640 : i32
    %mul3A_32 = arith.muli %arg1, %mul3A_31 : i32
    "tpu.region"() ({
      %run_scoped3A = tpu.sem_alloc : memref<!tpu.dma_semaphore, #tpu.memory_space<semaphore_mem>>
      %dma_start3A = tpu.memref_slice %arg8[%arg0, %mul3A_32] : memref<2x10240xf32, #tpu.memory_space<hbm>> -> memref<1x640xf32, #tpu.memory_space<hbm>>
      %dma_start3A_33 = tpu.memref_squeeze %dma_start3A : memref<1x640xf32, #tpu.memory_space<hbm>> -> memref<640xf32, #tpu.memory_space<hbm>>
      %dma_start3A_34 = tpu.memref_slice %arg14[%mul3A_30] : memref<10240xf32, #tpu.memory_space<vmem_shared>> -> memref<640xf32, #tpu.memory_space<vmem_shared>>
      tpu.enqueue_dma source(%dma_start3A_34 : memref<640xf32, #tpu.memory_space<vmem_shared>>) target(%dma_start3A_33 : memref<640xf32, #tpu.memory_space<hbm>>) target_semaphore(%run_scoped3A : memref<!tpu.dma_semaphore, #tpu.memory_space<semaphore_mem>>)
      %dma_wait3A = tpu.memref_slice %arg8[%arg0, %mul3A_32] : memref<2x10240xf32, #tpu.memory_space<hbm>> -> memref<1x640xf32, #tpu.memory_space<hbm>>
      %dma_wait3A_35 = tpu.memref_squeeze %dma_wait3A : memref<1x640xf32, #tpu.memory_space<hbm>> -> memref<640xf32, #tpu.memory_space<hbm>>
      %dma_wait3A_36 = tpu.memref_slice %arg14[%mul3A_30] : memref<10240xf32, #tpu.memory_space<vmem_shared>> -> memref<640xf32, #tpu.memory_space<vmem_shared>>
      tpu.wait_dma2 semaphore(%run_scoped3A : memref<!tpu.dma_semaphore, #tpu.memory_space<semaphore_mem>>) src(%dma_wait3A_36 : memref<640xf32, #tpu.memory_space<vmem_shared>>) dst(%dma_wait3A_35 : memref<640xf32, #tpu.memory_space<hbm>>)
      tpu.yield
    }) : () -> ()
    return
  }
}

#map = affine_map<(d0, d1) -> (0, 0, 0)>
#map1 = affine_map<(d0, d1) -> (0)>
#map2 = affine_map<(d0, d1) -> (0, 0)>
module attributes {stable_mosaic.version = 14 : i64} {
  func.func @k(%arg0: i32, %arg1: i32, %arg2: memref<32x81x128xi32, #tpu.memory_space<hbm>>, %arg3: memref<32x81x128xi32, #tpu.memory_space<hbm>>, %arg4: memref<10000xf32, #tpu.memory_space<hbm>>, %arg5: memref<10000xf32, #tpu.memory_space<hbm>>, %arg6: memref<10240xf32, #tpu.memory_space<hbm>>, %arg7: memref<32x81x128xf32, #tpu.memory_space<hbm>>, %arg8: memref<2x10240xf32, #tpu.memory_space<hbm>>, %arg9: memref<81x128xi32, #tpu.memory_space<vmem>>, %arg10: memref<81x128xi32, #tpu.memory_space<vmem>>, %arg11: memref<81x128xf32, #tpu.memory_space<vmem>>, %arg12: memref<81x128xf32, #tpu.memory_space<vmem>>, %arg13: memref<81x128xf32, #tpu.memory_space<vmem>>, %arg14: memref<10240xf32, #tpu.memory_space<vmem_shared>>, %arg15: memref<!tpu.dma_semaphore, #tpu.memory_space<semaphore_mem>>, %arg16: memref<!tpu.dma_semaphore, #tpu.memory_space<semaphore_mem>>) attributes {dimension_semantics = [#tpu.dimension_semantics<core_parallel>, #tpu.dimension_semantics<subcore_parallel>], iteration_bounds = array<i64: 2, 16>, scalar_prefetch = 0 : i64, scratch_operands = 8 : i64, tpu.core_type = #tpu.core_type<sc_vector_subcore>, window_params = [{transform_indices = #map}, {transform_indices = #map}, {transform_indices = #map1}, {transform_indices = #map1}, {transform_indices = #map1}, {transform_indices = #map}, {transform_indices = #map2}]} {
    %mul3A = arith.constant 2 : i32
    %mul3A_0 = arith.muli %arg1, %mul3A : i32
    %add3A = arith.addi %mul3A_0, %arg0 : i32
    "tpu.region"() ({
      %run_scoped3A = tpu.sem_alloc : memref<!tpu.dma_semaphore, #tpu.memory_space<semaphore_mem>>
      %dma_start3A = arith.constant 0 : i32
      %dma_start3A_33 = arith.constant 0 : i32
      %dma_start3A_34 = tpu.memref_slice %arg2[%add3A, %dma_start3A, %dma_start3A_33] : memref<32x81x128xi32, #tpu.memory_space<hbm>> -> memref<1x81x128xi32, #tpu.memory_space<hbm>>
      %dma_start3A_35 = tpu.memref_squeeze %dma_start3A_34 : memref<1x81x128xi32, #tpu.memory_space<hbm>> -> memref<81x128xi32, #tpu.memory_space<hbm>>
      %dma_start3A_36 = arith.constant 0 : i32
      %dma_start3A_37 = arith.constant 0 : i32
      %dma_start3A_38 = tpu.memref_slice %arg2[%add3A, %dma_start3A_36, %dma_start3A_37] : memref<32x81x128xi32, #tpu.memory_space<hbm>> -> memref<1x81x128xi32, #tpu.memory_space<hbm>>
      %dma_start3A_39 = tpu.memref_squeeze %dma_start3A_38 : memref<1x81x128xi32, #tpu.memory_space<hbm>> -> memref<81x128xi32, #tpu.memory_space<hbm>>
      tpu.enqueue_dma source(%dma_start3A_39 : memref<81x128xi32, #tpu.memory_space<hbm>>) target(%arg9 : memref<81x128xi32, #tpu.memory_space<vmem>>) target_semaphore(%run_scoped3A : memref<!tpu.dma_semaphore, #tpu.memory_space<semaphore_mem>>)
      %dma_wait3A = arith.constant 0 : i32
      %dma_wait3A_40 = arith.constant 0 : i32
      %dma_wait3A_41 = tpu.memref_slice %arg2[%add3A, %dma_wait3A, %dma_wait3A_40] : memref<32x81x128xi32, #tpu.memory_space<hbm>> -> memref<1x81x128xi32, #tpu.memory_space<hbm>>
      %dma_wait3A_42 = tpu.memref_squeeze %dma_wait3A_41 : memref<1x81x128xi32, #tpu.memory_space<hbm>> -> memref<81x128xi32, #tpu.memory_space<hbm>>
      %dma_wait3A_43 = arith.constant 0 : i32
      %dma_wait3A_44 = arith.constant 0 : i32
      %dma_wait3A_45 = tpu.memref_slice %arg2[%add3A, %dma_wait3A_43, %dma_wait3A_44] : memref<32x81x128xi32, #tpu.memory_space<hbm>> -> memref<1x81x128xi32, #tpu.memory_space<hbm>>
      %dma_wait3A_46 = tpu.memref_squeeze %dma_wait3A_45 : memref<1x81x128xi32, #tpu.memory_space<hbm>> -> memref<81x128xi32, #tpu.memory_space<hbm>>
      tpu.wait_dma2 semaphore(%run_scoped3A : memref<!tpu.dma_semaphore, #tpu.memory_space<semaphore_mem>>) src(%dma_wait3A_46 : memref<81x128xi32, #tpu.memory_space<hbm>>) dst(%arg9 : memref<81x128xi32, #tpu.memory_space<vmem>>)
      tpu.yield
    }) : () -> ()
    "tpu.region"() ({
      %run_scoped3A = tpu.sem_alloc : memref<!tpu.dma_semaphore, #tpu.memory_space<semaphore_mem>>
      %dma_start3A = arith.constant 0 : i32
      %dma_start3A_33 = arith.constant 0 : i32
      %dma_start3A_34 = tpu.memref_slice %arg3[%add3A, %dma_start3A, %dma_start3A_33] : memref<32x81x128xi32, #tpu.memory_space<hbm>> -> memref<1x81x128xi32, #tpu.memory_space<hbm>>
      %dma_start3A_35 = tpu.memref_squeeze %dma_start3A_34 : memref<1x81x128xi32, #tpu.memory_space<hbm>> -> memref<81x128xi32, #tpu.memory_space<hbm>>
      %dma_start3A_36 = arith.constant 0 : i32
      %dma_start3A_37 = arith.constant 0 : i32
      %dma_start3A_38 = tpu.memref_slice %arg3[%add3A, %dma_start3A_36, %dma_start3A_37] : memref<32x81x128xi32, #tpu.memory_space<hbm>> -> memref<1x81x128xi32, #tpu.memory_space<hbm>>
      %dma_start3A_39 = tpu.memref_squeeze %dma_start3A_38 : memref<1x81x128xi32, #tpu.memory_space<hbm>> -> memref<81x128xi32, #tpu.memory_space<hbm>>
      tpu.enqueue_dma source(%dma_start3A_39 : memref<81x128xi32, #tpu.memory_space<hbm>>) target(%arg10 : memref<81x128xi32, #tpu.memory_space<vmem>>) target_semaphore(%run_scoped3A : memref<!tpu.dma_semaphore, #tpu.memory_space<semaphore_mem>>)
      %dma_wait3A = arith.constant 0 : i32
      %dma_wait3A_40 = arith.constant 0 : i32
      %dma_wait3A_41 = tpu.memref_slice %arg3[%add3A, %dma_wait3A, %dma_wait3A_40] : memref<32x81x128xi32, #tpu.memory_space<hbm>> -> memref<1x81x128xi32, #tpu.memory_space<hbm>>
      %dma_wait3A_42 = tpu.memref_squeeze %dma_wait3A_41 : memref<1x81x128xi32, #tpu.memory_space<hbm>> -> memref<81x128xi32, #tpu.memory_space<hbm>>
      %dma_wait3A_43 = arith.constant 0 : i32
      %dma_wait3A_44 = arith.constant 0 : i32
      %dma_wait3A_45 = tpu.memref_slice %arg3[%add3A, %dma_wait3A_43, %dma_wait3A_44] : memref<32x81x128xi32, #tpu.memory_space<hbm>> -> memref<1x81x128xi32, #tpu.memory_space<hbm>>
      %dma_wait3A_46 = tpu.memref_squeeze %dma_wait3A_45 : memref<1x81x128xi32, #tpu.memory_space<hbm>> -> memref<81x128xi32, #tpu.memory_space<hbm>>
      tpu.wait_dma2 semaphore(%run_scoped3A : memref<!tpu.dma_semaphore, #tpu.memory_space<semaphore_mem>>) src(%dma_wait3A_46 : memref<81x128xi32, #tpu.memory_space<hbm>>) dst(%arg10 : memref<81x128xi32, #tpu.memory_space<vmem>>)
      tpu.yield
    }) : () -> ()
    %eq3A = arith.constant 0 : i32
    %eq3A_1 = arith.cmpi eq, %arg1, %eq3A : i32
    %convert_element_type3A = arith.extui %eq3A_1 : i1 to i32
    %cond3A = arith.constant 0 : i32
    %cond3A_2 = arith.cmpi ne, %convert_element_type3A, %cond3A : i32
    scf.if %cond3A_2 {
      "tpu.region"() ({
        %run_scoped3A = tpu.sem_alloc : memref<!tpu.dma_semaphore, #tpu.memory_space<semaphore_mem>>
        tpu.enqueue_dma source(%arg6 : memref<10240xf32, #tpu.memory_space<hbm>>) target(%arg14 : memref<10240xf32, #tpu.memory_space<vmem_shared>>) target_semaphore(%run_scoped3A : memref<!tpu.dma_semaphore, #tpu.memory_space<semaphore_mem>>)
        tpu.wait_dma2 semaphore(%run_scoped3A : memref<!tpu.dma_semaphore, #tpu.memory_space<semaphore_mem>>) src(%arg6 : memref<10240xf32, #tpu.memory_space<hbm>>) dst(%arg14 : memref<10240xf32, #tpu.memory_space<vmem_shared>>)
        tpu.yield
      }) : () -> ()
    } else {
    }
    %scan3A = arith.constant 0 : i32
    %scan3A_3 = arith.constant 0 : i32
    %scan3A_4 = arith.constant 81 : i32
    %scan3A_5 = arith.addi %scan3A_3, %scan3A_4 : i32
    %scan3A_6 = arith.constant 1 : i32
    scf.for %scan3A_33 = %scan3A_3 to %scan3A_5 step %scan3A_6  : i32 {
      %dma_start3A = arith.constant 0 : i32
      %dma_start3A_34 = tpu.memref_slice %arg11[%scan3A_33, %dma_start3A] : memref<81x128xf32, #tpu.memory_space<vmem>> -> memref<1x128xf32, #tpu.memory_space<vmem>>
      %dma_start3A_35 = tpu.memref_squeeze %dma_start3A_34 : memref<1x128xf32, #tpu.memory_space<vmem>> -> memref<128xf32, #tpu.memory_space<vmem>>
      %dma_start3A_36 = arith.constant 0 : i32
      %dma_start3A_37 = tpu.memref_slice %arg9[%scan3A_33, %dma_start3A_36] : memref<81x128xi32, #tpu.memory_space<vmem>> -> memref<1x128xi32, #tpu.memory_space<vmem>>
      %dma_start3A_38 = tpu.memref_squeeze %dma_start3A_37 : memref<1x128xi32, #tpu.memory_space<vmem>> -> memref<128xi32, #tpu.memory_space<vmem>>
      %dma_start3A_39 = arith.constant 0 : i32
      %dma_start3A_40 = tpu.memref_slice %arg4[%dma_start3A_39] : memref<10000xf32, #tpu.memory_space<hbm>> -> memref<10000xf32, #tpu.memory_space<hbm>>
      tpu.enqueue_indirect_dma source(%dma_start3A_40 : memref<10000xf32, #tpu.memory_space<hbm>>) target(%dma_start3A_35 : memref<128xf32, #tpu.memory_space<vmem>>) offsets(%dma_start3A_38 : memref<128xi32, #tpu.memory_space<vmem>>) semaphore(%arg15 : memref<!tpu.dma_semaphore, #tpu.memory_space<semaphore_mem>>)
      %dma_start3A_41 = arith.constant 0 : i32
      %dma_start3A_42 = tpu.memref_slice %arg12[%scan3A_33, %dma_start3A_41] : memref<81x128xf32, #tpu.memory_space<vmem>> -> memref<1x128xf32, #tpu.memory_space<vmem>>
      %dma_start3A_43 = tpu.memref_squeeze %dma_start3A_42 : memref<1x128xf32, #tpu.memory_space<vmem>> -> memref<128xf32, #tpu.memory_space<vmem>>
      %dma_start3A_44 = arith.constant 0 : i32
      %dma_start3A_45 = tpu.memref_slice %arg10[%scan3A_33, %dma_start3A_44] : memref<81x128xi32, #tpu.memory_space<vmem>> -> memref<1x128xi32, #tpu.memory_space<vmem>>
      %dma_start3A_46 = tpu.memref_squeeze %dma_start3A_45 : memref<1x128xi32, #tpu.memory_space<vmem>> -> memref<128xi32, #tpu.memory_space<vmem>>
      %dma_start3A_47 = arith.constant 0 : i32
      %dma_start3A_48 = tpu.memref_slice %arg5[%dma_start3A_47] : memref<10000xf32, #tpu.memory_space<hbm>> -> memref<10000xf32, #tpu.memory_space<hbm>>
      tpu.enqueue_indirect_dma source(%dma_start3A_48 : memref<10000xf32, #tpu.memory_space<hbm>>) target(%dma_start3A_43 : memref<128xf32, #tpu.memory_space<vmem>>) offsets(%dma_start3A_46 : memref<128xi32, #tpu.memory_space<vmem>>) semaphore(%arg16 : memref<!tpu.dma_semaphore, #tpu.memory_space<semaphore_mem>>)
    }
    %scan3A_7 = arith.constant 81 : i32
    %scan3A_8 = arith.constant 0 : i32
    %scan3A_9 = arith.constant 0 : i32
    %scan3A_10 = arith.constant 81 : i32
    %scan3A_11 = arith.addi %scan3A_9, %scan3A_10 : i32
    %scan3A_12 = arith.constant 1 : i32
    scf.for %scan3A_33 = %scan3A_9 to %scan3A_11 step %scan3A_12  : i32 {
      %dma_wait3A = arith.constant 0 : i32
      %dma_wait3A_34 = tpu.memref_slice %arg11[%scan3A_33, %dma_wait3A] : memref<81x128xf32, #tpu.memory_space<vmem>> -> memref<1x128xf32, #tpu.memory_space<vmem>>
      %dma_wait3A_35 = tpu.memref_squeeze %dma_wait3A_34 : memref<1x128xf32, #tpu.memory_space<vmem>> -> memref<128xf32, #tpu.memory_space<vmem>>
      %dma_wait3A_36 = arith.constant 0 : i32
      %dma_wait3A_37 = tpu.memref_slice %arg9[%scan3A_33, %dma_wait3A_36] : memref<81x128xi32, #tpu.memory_space<vmem>> -> memref<1x128xi32, #tpu.memory_space<vmem>>
      %dma_wait3A_38 = tpu.memref_squeeze %dma_wait3A_37 : memref<1x128xi32, #tpu.memory_space<vmem>> -> memref<128xi32, #tpu.memory_space<vmem>>
      %dma_wait3A_39 = arith.constant 0 : i32
      %dma_wait3A_40 = tpu.memref_slice %arg4[%dma_wait3A_39] : memref<10000xf32, #tpu.memory_space<hbm>> -> memref<10000xf32, #tpu.memory_space<hbm>>
      tpu.wait_indirect_dma semaphore(%arg15 : memref<!tpu.dma_semaphore, #tpu.memory_space<semaphore_mem>>) src(%dma_wait3A_40 : memref<10000xf32, #tpu.memory_space<hbm>>) dst(%dma_wait3A_35 : memref<128xf32, #tpu.memory_space<vmem>>)
      %dma_wait3A_41 = arith.constant 0 : i32
      %dma_wait3A_42 = tpu.memref_slice %arg12[%scan3A_33, %dma_wait3A_41] : memref<81x128xf32, #tpu.memory_space<vmem>> -> memref<1x128xf32, #tpu.memory_space<vmem>>
      %dma_wait3A_43 = tpu.memref_squeeze %dma_wait3A_42 : memref<1x128xf32, #tpu.memory_space<vmem>> -> memref<128xf32, #tpu.memory_space<vmem>>
      %dma_wait3A_44 = arith.constant 0 : i32
      %dma_wait3A_45 = tpu.memref_slice %arg10[%scan3A_33, %dma_wait3A_44] : memref<81x128xi32, #tpu.memory_space<vmem>> -> memref<1x128xi32, #tpu.memory_space<vmem>>
      %dma_wait3A_46 = tpu.memref_squeeze %dma_wait3A_45 : memref<1x128xi32, #tpu.memory_space<vmem>> -> memref<128xi32, #tpu.memory_space<vmem>>
      %dma_wait3A_47 = arith.constant 0 : i32
      %dma_wait3A_48 = tpu.memref_slice %arg5[%dma_wait3A_47] : memref<10000xf32, #tpu.memory_space<hbm>> -> memref<10000xf32, #tpu.memory_space<hbm>>
      tpu.wait_indirect_dma semaphore(%arg16 : memref<!tpu.dma_semaphore, #tpu.memory_space<semaphore_mem>>) src(%dma_wait3A_48 : memref<10000xf32, #tpu.memory_space<hbm>>) dst(%dma_wait3A_43 : memref<128xf32, #tpu.memory_space<vmem>>)
    }
    %scan3A_13 = arith.constant 81 : i32
    %mul3A_14 = arith.constant 10368 : i32
    %mul3A_15 = arith.muli %add3A, %mul3A_14 : i32
    %scan3A_16 = arith.constant 0 : i32
    %scan3A_17 = arith.constant 0 : i32
    %scan3A_18 = arith.constant 81 : i32
    %scan3A_19 = arith.addi %scan3A_17, %scan3A_18 : i32
    %scan3A_20 = arith.constant 1 : i32
    scf.for %scan3A_33 = %scan3A_17 to %scan3A_19 step %scan3A_20  : i32 {
      %get3A = arith.index_cast %scan3A_33 : i32 to index
      %get3A_34 = arith.constant 0 : index
      %get3A_35 = tpu.vector_load %arg11[%get3A, %get3A_34] {strides = array<i32>} : memref<81x128xf32, #tpu.memory_space<vmem>>, vector<1x16xf32>,
      %get3A_36 = vector.shape_cast %get3A_35 : vector<1x16xf32> to vector<16xf32>
      %get3A_37 = arith.index_cast %scan3A_33 : i32 to index
      %get3A_38 = arith.constant 0 : index
      %get3A_39 = tpu.vector_load %arg12[%get3A_37, %get3A_38] {strides = array<i32>} : memref<81x128xf32, #tpu.memory_space<vmem>>, vector<1x16xf32>,
      %get3A_40 = vector.shape_cast %get3A_39 : vector<1x16xf32> to vector<16xf32>
      %add3A_41 = arith.addf %get3A_36, %get3A_40 : vector<16xf32>
      %gt3A = arith.constant 0.000000e+00 : f32
      %gt3A_42 = vector.broadcast %gt3A : f32 to vector<16xf32>
      %gt3A_43 = arith.cmpf ogt, %add3A_41, %gt3A_42 : vector<16xf32>
      %mul3A_44 = arith.constant 2.000000e-01 : f32
      %mul3A_45 = vector.broadcast %mul3A_44 : f32 to vector<16xf32>
      %mul3A_46 = arith.mulf %mul3A_45, %add3A_41 : vector<16xf32>
      %select_n3A = arith.select %gt3A_43, %add3A_41, %mul3A_46 : vector<16xi1>, vector<16xf32>
      %exp3A = math.exp %select_n3A : vector<16xf32>
      %mul3A_47 = arith.constant 128 : i32
      %mul3A_48 = arith.muli %scan3A_33, %mul3A_47 : i32
      %add3A_49 = arith.addi %mul3A_15, %mul3A_48 : i32
      %add3A_50 = arith.constant 0 : i32
      %add3A_51 = arith.addi %add3A_49, %add3A_50 : i32
      %iota3A = tpu.iota {dimensions = array<i32: 0>} : vector<16xi32>
      %add3A_52 = vector.broadcast %add3A_51 : i32 to vector<16xi32>
      %add3A_53 = arith.addi %add3A_52, %iota3A : vector<16xi32>
      %lt3A = arith.constant 330000 : i32
      %lt3A_54 = vector.broadcast %lt3A : i32 to vector<16xi32>
      %lt3A_55 = arith.cmpi slt, %add3A_53, %lt3A_54 : vector<16xi32>
      %jit3A = arith.constant 0.000000e+00 : f32
      %broadcast_in_dim3A = vector.broadcast %jit3A : f32 to vector<16xf32>
      %select_n3A_56 = arith.select %lt3A_55, %exp3A, %broadcast_in_dim3A : vector<16xi1>, vector<16xf32>
      %swap3A = arith.index_cast %scan3A_33 : i32 to index
      %swap3A_57 = arith.constant 0 : index
      %swap3A_58 = tpu.vector_load %arg13[%swap3A, %swap3A_57] {strides = array<i32>} : memref<81x128xf32, #tpu.memory_space<vmem>>, vector<1x16xf32>,
      %swap3A_59 = vector.shape_cast %swap3A_58 : vector<1x16xf32> to vector<16xf32>
      %swap3A_60 = vector.shape_cast %select_n3A_56 : vector<16xf32> to vector<1x16xf32>
      tpu.vector_store %arg13[%swap3A, %swap3A_57], %swap3A_60 {strides = array<i32>} : memref<81x128xf32, #tpu.memory_space<vmem>>, vector<1x16xf32>,
      %get3A_61 = arith.index_cast %scan3A_33 : i32 to index
      %get3A_62 = arith.constant 16 : index
      %get3A_63 = tpu.vector_load %arg11[%get3A_61, %get3A_62] {strides = array<i32>} : memref<81x128xf32, #tpu.memory_space<vmem>>, vector<1x16xf32>,
      %get3A_64 = vector.shape_cast %get3A_63 : vector<1x16xf32> to vector<16xf32>
      %get3A_65 = arith.index_cast %scan3A_33 : i32 to index
      %get3A_66 = arith.constant 16 : index
      %get3A_67 = tpu.vector_load %arg12[%get3A_65, %get3A_66] {strides = array<i32>} : memref<81x128xf32, #tpu.memory_space<vmem>>, vector<1x16xf32>,
      %get3A_68 = vector.shape_cast %get3A_67 : vector<1x16xf32> to vector<16xf32>
      %add3A_69 = arith.addf %get3A_64, %get3A_68 : vector<16xf32>
      %gt3A_70 = arith.constant 0.000000e+00 : f32
      %gt3A_71 = vector.broadcast %gt3A_70 : f32 to vector<16xf32>
      %gt3A_72 = arith.cmpf ogt, %add3A_69, %gt3A_71 : vector<16xf32>
      %mul3A_73 = arith.constant 2.000000e-01 : f32
      %mul3A_74 = vector.broadcast %mul3A_73 : f32 to vector<16xf32>
      %mul3A_75 = arith.mulf %mul3A_74, %add3A_69 : vector<16xf32>
      %select_n3A_76 = arith.select %gt3A_72, %add3A_69, %mul3A_75 : vector<16xi1>, vector<16xf32>
      %exp3A_77 = math.exp %select_n3A_76 : vector<16xf32>
      %mul3A_78 = arith.constant 128 : i32
      %mul3A_79 = arith.muli %scan3A_33, %mul3A_78 : i32
      %add3A_80 = arith.addi %mul3A_15, %mul3A_79 : i32
      %add3A_81 = arith.constant 16 : i32
      %add3A_82 = arith.addi %add3A_80, %add3A_81 : i32
      %iota3A_83 = tpu.iota {dimensions = array<i32: 0>} : vector<16xi32>
      %add3A_84 = vector.broadcast %add3A_82 : i32 to vector<16xi32>
      %add3A_85 = arith.addi %add3A_84, %iota3A_83 : vector<16xi32>
      %lt3A_86 = arith.constant 330000 : i32
      %lt3A_87 = vector.broadcast %lt3A_86 : i32 to vector<16xi32>
      %lt3A_88 = arith.cmpi slt, %add3A_85, %lt3A_87 : vector<16xi32>
      %jit3A_89 = arith.constant 0.000000e+00 : f32
      %broadcast_in_dim3A_90 = vector.broadcast %jit3A_89 : f32 to vector<16xf32>
      %select_n3A_91 = arith.select %lt3A_88, %exp3A_77, %broadcast_in_dim3A_90 : vector<16xi1>, vector<16xf32>
      %swap3A_92 = arith.index_cast %scan3A_33 : i32 to index
      %swap3A_93 = arith.constant 16 : index
      %swap3A_94 = tpu.vector_load %arg13[%swap3A_92, %swap3A_93] {strides = array<i32>} : memref<81x128xf32, #tpu.memory_space<vmem>>, vector<1x16xf32>,
      %swap3A_95 = vector.shape_cast %swap3A_94 : vector<1x16xf32> to vector<16xf32>
      %swap3A_96 = vector.shape_cast %select_n3A_91 : vector<16xf32> to vector<1x16xf32>
      tpu.vector_store %arg13[%swap3A_92, %swap3A_93], %swap3A_96 {strides = array<i32>} : memref<81x128xf32, #tpu.memory_space<vmem>>, vector<1x16xf32>,
      %get3A_97 = arith.index_cast %scan3A_33 : i32 to index
      %get3A_98 = arith.constant 32 : index
      %get3A_99 = tpu.vector_load %arg11[%get3A_97, %get3A_98] {strides = array<i32>} : memref<81x128xf32, #tpu.memory_space<vmem>>, vector<1x16xf32>,
      %get3A_100 = vector.shape_cast %get3A_99 : vector<1x16xf32> to vector<16xf32>
      %get3A_101 = arith.index_cast %scan3A_33 : i32 to index
      %get3A_102 = arith.constant 32 : index
      %get3A_103 = tpu.vector_load %arg12[%get3A_101, %get3A_102] {strides = array<i32>} : memref<81x128xf32, #tpu.memory_space<vmem>>, vector<1x16xf32>,
      %get3A_104 = vector.shape_cast %get3A_103 : vector<1x16xf32> to vector<16xf32>
      %add3A_105 = arith.addf %get3A_100, %get3A_104 : vector<16xf32>
      %gt3A_106 = arith.constant 0.000000e+00 : f32
      %gt3A_107 = vector.broadcast %gt3A_106 : f32 to vector<16xf32>
      %gt3A_108 = arith.cmpf ogt, %add3A_105, %gt3A_107 : vector<16xf32>
      %mul3A_109 = arith.constant 2.000000e-01 : f32
      %mul3A_110 = vector.broadcast %mul3A_109 : f32 to vector<16xf32>
      %mul3A_111 = arith.mulf %mul3A_110, %add3A_105 : vector<16xf32>
      %select_n3A_112 = arith.select %gt3A_108, %add3A_105, %mul3A_111 : vector<16xi1>, vector<16xf32>
      %exp3A_113 = math.exp %select_n3A_112 : vector<16xf32>
      %mul3A_114 = arith.constant 128 : i32
      %mul3A_115 = arith.muli %scan3A_33, %mul3A_114 : i32
      %add3A_116 = arith.addi %mul3A_15, %mul3A_115 : i32
      %add3A_117 = arith.constant 32 : i32
      %add3A_118 = arith.addi %add3A_116, %add3A_117 : i32
      %iota3A_119 = tpu.iota {dimensions = array<i32: 0>} : vector<16xi32>
      %add3A_120 = vector.broadcast %add3A_118 : i32 to vector<16xi32>
      %add3A_121 = arith.addi %add3A_120, %iota3A_119 : vector<16xi32>
      %lt3A_122 = arith.constant 330000 : i32
      %lt3A_123 = vector.broadcast %lt3A_122 : i32 to vector<16xi32>
      %lt3A_124 = arith.cmpi slt, %add3A_121, %lt3A_123 : vector<16xi32>
      %jit3A_125 = arith.constant 0.000000e+00 : f32
      %broadcast_in_dim3A_126 = vector.broadcast %jit3A_125 : f32 to vector<16xf32>
      %select_n3A_127 = arith.select %lt3A_124, %exp3A_113, %broadcast_in_dim3A_126 : vector<16xi1>, vector<16xf32>
      %swap3A_128 = arith.index_cast %scan3A_33 : i32 to index
      %swap3A_129 = arith.constant 32 : index
      %swap3A_130 = tpu.vector_load %arg13[%swap3A_128, %swap3A_129] {strides = array<i32>} : memref<81x128xf32, #tpu.memory_space<vmem>>, vector<1x16xf32>,
      %swap3A_131 = vector.shape_cast %swap3A_130 : vector<1x16xf32> to vector<16xf32>
      %swap3A_132 = vector.shape_cast %select_n3A_127 : vector<16xf32> to vector<1x16xf32>
      tpu.vector_store %arg13[%swap3A_128, %swap3A_129], %swap3A_132 {strides = array<i32>} : memref<81x128xf32, #tpu.memory_space<vmem>>, vector<1x16xf32>,
      %get3A_133 = arith.index_cast %scan3A_33 : i32 to index
      %get3A_134 = arith.constant 48 : index
      %get3A_135 = tpu.vector_load %arg11[%get3A_133, %get3A_134] {strides = array<i32>} : memref<81x128xf32, #tpu.memory_space<vmem>>, vector<1x16xf32>,
      %get3A_136 = vector.shape_cast %get3A_135 : vector<1x16xf32> to vector<16xf32>
      %get3A_137 = arith.index_cast %scan3A_33 : i32 to index
      %get3A_138 = arith.constant 48 : index
      %get3A_139 = tpu.vector_load %arg12[%get3A_137, %get3A_138] {strides = array<i32>} : memref<81x128xf32, #tpu.memory_space<vmem>>, vector<1x16xf32>,
      %get3A_140 = vector.shape_cast %get3A_139 : vector<1x16xf32> to vector<16xf32>
      %add3A_141 = arith.addf %get3A_136, %get3A_140 : vector<16xf32>
      %gt3A_142 = arith.constant 0.000000e+00 : f32
      %gt3A_143 = vector.broadcast %gt3A_142 : f32 to vector<16xf32>
      %gt3A_144 = arith.cmpf ogt, %add3A_141, %gt3A_143 : vector<16xf32>
      %mul3A_145 = arith.constant 2.000000e-01 : f32
      %mul3A_146 = vector.broadcast %mul3A_145 : f32 to vector<16xf32>
      %mul3A_147 = arith.mulf %mul3A_146, %add3A_141 : vector<16xf32>
      %select_n3A_148 = arith.select %gt3A_144, %add3A_141, %mul3A_147 : vector<16xi1>, vector<16xf32>
      %exp3A_149 = math.exp %select_n3A_148 : vector<16xf32>
      %mul3A_150 = arith.constant 128 : i32
      %mul3A_151 = arith.muli %scan3A_33, %mul3A_150 : i32
      %add3A_152 = arith.addi %mul3A_15, %mul3A_151 : i32
      %add3A_153 = arith.constant 48 : i32
      %add3A_154 = arith.addi %add3A_152, %add3A_153 : i32
      %iota3A_155 = tpu.iota {dimensions = array<i32: 0>} : vector<16xi32>
      %add3A_156 = vector.broadcast %add3A_154 : i32 to vector<16xi32>
      %add3A_157 = arith.addi %add3A_156, %iota3A_155 : vector<16xi32>
      %lt3A_158 = arith.constant 330000 : i32
      %lt3A_159 = vector.broadcast %lt3A_158 : i32 to vector<16xi32>
      %lt3A_160 = arith.cmpi slt, %add3A_157, %lt3A_159 : vector<16xi32>
      %jit3A_161 = arith.constant 0.000000e+00 : f32
      %broadcast_in_dim3A_162 = vector.broadcast %jit3A_161 : f32 to vector<16xf32>
      %select_n3A_163 = arith.select %lt3A_160, %exp3A_149, %broadcast_in_dim3A_162 : vector<16xi1>, vector<16xf32>
      %swap3A_164 = arith.index_cast %scan3A_33 : i32 to index
      %swap3A_165 = arith.constant 48 : index
      %swap3A_166 = tpu.vector_load %arg13[%swap3A_164, %swap3A_165] {strides = array<i32>} : memref<81x128xf32, #tpu.memory_space<vmem>>, vector<1x16xf32>,
      %swap3A_167 = vector.shape_cast %swap3A_166 : vector<1x16xf32> to vector<16xf32>
      %swap3A_168 = vector.shape_cast %select_n3A_163 : vector<16xf32> to vector<1x16xf32>
      tpu.vector_store %arg13[%swap3A_164, %swap3A_165], %swap3A_168 {strides = array<i32>} : memref<81x128xf32, #tpu.memory_space<vmem>>, vector<1x16xf32>,
      %get3A_169 = arith.index_cast %scan3A_33 : i32 to index
      %get3A_170 = arith.constant 64 : index
      %get3A_171 = tpu.vector_load %arg11[%get3A_169, %get3A_170] {strides = array<i32>} : memref<81x128xf32, #tpu.memory_space<vmem>>, vector<1x16xf32>,
      %get3A_172 = vector.shape_cast %get3A_171 : vector<1x16xf32> to vector<16xf32>
      %get3A_173 = arith.index_cast %scan3A_33 : i32 to index
      %get3A_174 = arith.constant 64 : index
      %get3A_175 = tpu.vector_load %arg12[%get3A_173, %get3A_174] {strides = array<i32>} : memref<81x128xf32, #tpu.memory_space<vmem>>, vector<1x16xf32>,
      %get3A_176 = vector.shape_cast %get3A_175 : vector<1x16xf32> to vector<16xf32>
      %add3A_177 = arith.addf %get3A_172, %get3A_176 : vector<16xf32>
      %gt3A_178 = arith.constant 0.000000e+00 : f32
      %gt3A_179 = vector.broadcast %gt3A_178 : f32 to vector<16xf32>
      %gt3A_180 = arith.cmpf ogt, %add3A_177, %gt3A_179 : vector<16xf32>
      %mul3A_181 = arith.constant 2.000000e-01 : f32
      %mul3A_182 = vector.broadcast %mul3A_181 : f32 to vector<16xf32>
      %mul3A_183 = arith.mulf %mul3A_182, %add3A_177 : vector<16xf32>
      %select_n3A_184 = arith.select %gt3A_180, %add3A_177, %mul3A_183 : vector<16xi1>, vector<16xf32>
      %exp3A_185 = math.exp %select_n3A_184 : vector<16xf32>
      %mul3A_186 = arith.constant 128 : i32
      %mul3A_187 = arith.muli %scan3A_33, %mul3A_186 : i32
      %add3A_188 = arith.addi %mul3A_15, %mul3A_187 : i32
      %add3A_189 = arith.constant 64 : i32
      %add3A_190 = arith.addi %add3A_188, %add3A_189 : i32
      %iota3A_191 = tpu.iota {dimensions = array<i32: 0>} : vector<16xi32>
      %add3A_192 = vector.broadcast %add3A_190 : i32 to vector<16xi32>
      %add3A_193 = arith.addi %add3A_192, %iota3A_191 : vector<16xi32>
      %lt3A_194 = arith.constant 330000 : i32
      %lt3A_195 = vector.broadcast %lt3A_194 : i32 to vector<16xi32>
      %lt3A_196 = arith.cmpi slt, %add3A_193, %lt3A_195 : vector<16xi32>
      %jit3A_197 = arith.constant 0.000000e+00 : f32
      %broadcast_in_dim3A_198 = vector.broadcast %jit3A_197 : f32 to vector<16xf32>
      %select_n3A_199 = arith.select %lt3A_196, %exp3A_185, %broadcast_in_dim3A_198 : vector<16xi1>, vector<16xf32>
      %swap3A_200 = arith.index_cast %scan3A_33 : i32 to index
      %swap3A_201 = arith.constant 64 : index
      %swap3A_202 = tpu.vector_load %arg13[%swap3A_200, %swap3A_201] {strides = array<i32>} : memref<81x128xf32, #tpu.memory_space<vmem>>, vector<1x16xf32>,
      %swap3A_203 = vector.shape_cast %swap3A_202 : vector<1x16xf32> to vector<16xf32>
      %swap3A_204 = vector.shape_cast %select_n3A_199 : vector<16xf32> to vector<1x16xf32>
      tpu.vector_store %arg13[%swap3A_200, %swap3A_201], %swap3A_204 {strides = array<i32>} : memref<81x128xf32, #tpu.memory_space<vmem>>, vector<1x16xf32>,
      %get3A_205 = arith.index_cast %scan3A_33 : i32 to index
      %get3A_206 = arith.constant 80 : index
      %get3A_207 = tpu.vector_load %arg11[%get3A_205, %get3A_206] {strides = array<i32>} : memref<81x128xf32, #tpu.memory_space<vmem>>, vector<1x16xf32>,
      %get3A_208 = vector.shape_cast %get3A_207 : vector<1x16xf32> to vector<16xf32>
      %get3A_209 = arith.index_cast %scan3A_33 : i32 to index
      %get3A_210 = arith.constant 80 : index
      %get3A_211 = tpu.vector_load %arg12[%get3A_209, %get3A_210] {strides = array<i32>} : memref<81x128xf32, #tpu.memory_space<vmem>>, vector<1x16xf32>,
      %get3A_212 = vector.shape_cast %get3A_211 : vector<1x16xf32> to vector<16xf32>
      %add3A_213 = arith.addf %get3A_208, %get3A_212 : vector<16xf32>
      %gt3A_214 = arith.constant 0.000000e+00 : f32
      %gt3A_215 = vector.broadcast %gt3A_214 : f32 to vector<16xf32>
      %gt3A_216 = arith.cmpf ogt, %add3A_213, %gt3A_215 : vector<16xf32>
      %mul3A_217 = arith.constant 2.000000e-01 : f32
      %mul3A_218 = vector.broadcast %mul3A_217 : f32 to vector<16xf32>
      %mul3A_219 = arith.mulf %mul3A_218, %add3A_213 : vector<16xf32>
      %select_n3A_220 = arith.select %gt3A_216, %add3A_213, %mul3A_219 : vector<16xi1>, vector<16xf32>
      %exp3A_221 = math.exp %select_n3A_220 : vector<16xf32>
      %mul3A_222 = arith.constant 128 : i32
      %mul3A_223 = arith.muli %scan3A_33, %mul3A_222 : i32
      %add3A_224 = arith.addi %mul3A_15, %mul3A_223 : i32
      %add3A_225 = arith.constant 80 : i32
      %add3A_226 = arith.addi %add3A_224, %add3A_225 : i32
      %iota3A_227 = tpu.iota {dimensions = array<i32: 0>} : vector<16xi32>
      %add3A_228 = vector.broadcast %add3A_226 : i32 to vector<16xi32>
      %add3A_229 = arith.addi %add3A_228, %iota3A_227 : vector<16xi32>
      %lt3A_230 = arith.constant 330000 : i32
      %lt3A_231 = vector.broadcast %lt3A_230 : i32 to vector<16xi32>
      %lt3A_232 = arith.cmpi slt, %add3A_229, %lt3A_231 : vector<16xi32>
      %jit3A_233 = arith.constant 0.000000e+00 : f32
      %broadcast_in_dim3A_234 = vector.broadcast %jit3A_233 : f32 to vector<16xf32>
      %select_n3A_235 = arith.select %lt3A_232, %exp3A_221, %broadcast_in_dim3A_234 : vector<16xi1>, vector<16xf32>
      %swap3A_236 = arith.index_cast %scan3A_33 : i32 to index
      %swap3A_237 = arith.constant 80 : index
      %swap3A_238 = tpu.vector_load %arg13[%swap3A_236, %swap3A_237] {strides = array<i32>} : memref<81x128xf32, #tpu.memory_space<vmem>>, vector<1x16xf32>,
      %swap3A_239 = vector.shape_cast %swap3A_238 : vector<1x16xf32> to vector<16xf32>
      %swap3A_240 = vector.shape_cast %select_n3A_235 : vector<16xf32> to vector<1x16xf32>
      tpu.vector_store %arg13[%swap3A_236, %swap3A_237], %swap3A_240 {strides = array<i32>} : memref<81x128xf32, #tpu.memory_space<vmem>>, vector<1x16xf32>,
      %get3A_241 = arith.index_cast %scan3A_33 : i32 to index
      %get3A_242 = arith.constant 96 : index
      %get3A_243 = tpu.vector_load %arg11[%get3A_241, %get3A_242] {strides = array<i32>} : memref<81x128xf32, #tpu.memory_space<vmem>>, vector<1x16xf32>,
      %get3A_244 = vector.shape_cast %get3A_243 : vector<1x16xf32> to vector<16xf32>
      %get3A_245 = arith.index_cast %scan3A_33 : i32 to index
      %get3A_246 = arith.constant 96 : index
      %get3A_247 = tpu.vector_load %arg12[%get3A_245, %get3A_246] {strides = array<i32>} : memref<81x128xf32, #tpu.memory_space<vmem>>, vector<1x16xf32>,
      %get3A_248 = vector.shape_cast %get3A_247 : vector<1x16xf32> to vector<16xf32>
      %add3A_249 = arith.addf %get3A_244, %get3A_248 : vector<16xf32>
      %gt3A_250 = arith.constant 0.000000e+00 : f32
      %gt3A_251 = vector.broadcast %gt3A_250 : f32 to vector<16xf32>
      %gt3A_252 = arith.cmpf ogt, %add3A_249, %gt3A_251 : vector<16xf32>
      %mul3A_253 = arith.constant 2.000000e-01 : f32
      %mul3A_254 = vector.broadcast %mul3A_253 : f32 to vector<16xf32>
      %mul3A_255 = arith.mulf %mul3A_254, %add3A_249 : vector<16xf32>
      %select_n3A_256 = arith.select %gt3A_252, %add3A_249, %mul3A_255 : vector<16xi1>, vector<16xf32>
      %exp3A_257 = math.exp %select_n3A_256 : vector<16xf32>
      %mul3A_258 = arith.constant 128 : i32
      %mul3A_259 = arith.muli %scan3A_33, %mul3A_258 : i32
      %add3A_260 = arith.addi %mul3A_15, %mul3A_259 : i32
      %add3A_261 = arith.constant 96 : i32
      %add3A_262 = arith.addi %add3A_260, %add3A_261 : i32
      %iota3A_263 = tpu.iota {dimensions = array<i32: 0>} : vector<16xi32>
      %add3A_264 = vector.broadcast %add3A_262 : i32 to vector<16xi32>
      %add3A_265 = arith.addi %add3A_264, %iota3A_263 : vector<16xi32>
      %lt3A_266 = arith.constant 330000 : i32
      %lt3A_267 = vector.broadcast %lt3A_266 : i32 to vector<16xi32>
      %lt3A_268 = arith.cmpi slt, %add3A_265, %lt3A_267 : vector<16xi32>
      %jit3A_269 = arith.constant 0.000000e+00 : f32
      %broadcast_in_dim3A_270 = vector.broadcast %jit3A_269 : f32 to vector<16xf32>
      %select_n3A_271 = arith.select %lt3A_268, %exp3A_257, %broadcast_in_dim3A_270 : vector<16xi1>, vector<16xf32>
      %swap3A_272 = arith.index_cast %scan3A_33 : i32 to index
      %swap3A_273 = arith.constant 96 : index
      %swap3A_274 = tpu.vector_load %arg13[%swap3A_272, %swap3A_273] {strides = array<i32>} : memref<81x128xf32, #tpu.memory_space<vmem>>, vector<1x16xf32>,
      %swap3A_275 = vector.shape_cast %swap3A_274 : vector<1x16xf32> to vector<16xf32>
      %swap3A_276 = vector.shape_cast %select_n3A_271 : vector<16xf32> to vector<1x16xf32>
      tpu.vector_store %arg13[%swap3A_272, %swap3A_273], %swap3A_276 {strides = array<i32>} : memref<81x128xf32, #tpu.memory_space<vmem>>, vector<1x16xf32>,
      %get3A_277 = arith.index_cast %scan3A_33 : i32 to index
      %get3A_278 = arith.constant 112 : index
      %get3A_279 = tpu.vector_load %arg11[%get3A_277, %get3A_278] {strides = array<i32>} : memref<81x128xf32, #tpu.memory_space<vmem>>, vector<1x16xf32>,
      %get3A_280 = vector.shape_cast %get3A_279 : vector<1x16xf32> to vector<16xf32>
      %get3A_281 = arith.index_cast %scan3A_33 : i32 to index
      %get3A_282 = arith.constant 112 : index
      %get3A_283 = tpu.vector_load %arg12[%get3A_281, %get3A_282] {strides = array<i32>} : memref<81x128xf32, #tpu.memory_space<vmem>>, vector<1x16xf32>,
      %get3A_284 = vector.shape_cast %get3A_283 : vector<1x16xf32> to vector<16xf32>
      %add3A_285 = arith.addf %get3A_280, %get3A_284 : vector<16xf32>
      %gt3A_286 = arith.constant 0.000000e+00 : f32
      %gt3A_287 = vector.broadcast %gt3A_286 : f32 to vector<16xf32>
      %gt3A_288 = arith.cmpf ogt, %add3A_285, %gt3A_287 : vector<16xf32>
      %mul3A_289 = arith.constant 2.000000e-01 : f32
      %mul3A_290 = vector.broadcast %mul3A_289 : f32 to vector<16xf32>
      %mul3A_291 = arith.mulf %mul3A_290, %add3A_285 : vector<16xf32>
      %select_n3A_292 = arith.select %gt3A_288, %add3A_285, %mul3A_291 : vector<16xi1>, vector<16xf32>
      %exp3A_293 = math.exp %select_n3A_292 : vector<16xf32>
      %mul3A_294 = arith.constant 128 : i32
      %mul3A_295 = arith.muli %scan3A_33, %mul3A_294 : i32
      %add3A_296 = arith.addi %mul3A_15, %mul3A_295 : i32
      %add3A_297 = arith.constant 112 : i32
      %add3A_298 = arith.addi %add3A_296, %add3A_297 : i32
      %iota3A_299 = tpu.iota {dimensions = array<i32: 0>} : vector<16xi32>
      %add3A_300 = vector.broadcast %add3A_298 : i32 to vector<16xi32>
      %add3A_301 = arith.addi %add3A_300, %iota3A_299 : vector<16xi32>
      %lt3A_302 = arith.constant 330000 : i32
      %lt3A_303 = vector.broadcast %lt3A_302 : i32 to vector<16xi32>
      %lt3A_304 = arith.cmpi slt, %add3A_301, %lt3A_303 : vector<16xi32>
      %jit3A_305 = arith.constant 0.000000e+00 : f32
      %broadcast_in_dim3A_306 = vector.broadcast %jit3A_305 : f32 to vector<16xf32>
      %select_n3A_307 = arith.select %lt3A_304, %exp3A_293, %broadcast_in_dim3A_306 : vector<16xi1>, vector<16xf32>
      %swap3A_308 = arith.index_cast %scan3A_33 : i32 to index
      %swap3A_309 = arith.constant 112 : index
      %swap3A_310 = tpu.vector_load %arg13[%swap3A_308, %swap3A_309] {strides = array<i32>} : memref<81x128xf32, #tpu.memory_space<vmem>>, vector<1x16xf32>,
      %swap3A_311 = vector.shape_cast %swap3A_310 : vector<1x16xf32> to vector<16xf32>
      %swap3A_312 = vector.shape_cast %select_n3A_307 : vector<16xf32> to vector<1x16xf32>
      tpu.vector_store %arg13[%swap3A_308, %swap3A_309], %swap3A_312 {strides = array<i32>} : memref<81x128xf32, #tpu.memory_space<vmem>>, vector<1x16xf32>,
    }
    %scan3A_21 = arith.constant 81 : i32
    "tpu.region"() ({
      %run_scoped3A = tpu.sem_alloc : memref<!tpu.dma_semaphore, #tpu.memory_space<semaphore_mem>>
      %dma_start3A = arith.constant 0 : i32
      %dma_start3A_33 = arith.constant 0 : i32
      %dma_start3A_34 = tpu.memref_slice %arg7[%add3A, %dma_start3A, %dma_start3A_33] : memref<32x81x128xf32, #tpu.memory_space<hbm>> -> memref<1x81x128xf32, #tpu.memory_space<hbm>>
      %dma_start3A_35 = tpu.memref_squeeze %dma_start3A_34 : memref<1x81x128xf32, #tpu.memory_space<hbm>> -> memref<81x128xf32, #tpu.memory_space<hbm>>
      %dma_start3A_36 = arith.constant 0 : i32
      %dma_start3A_37 = arith.constant 0 : i32
      %dma_start3A_38 = tpu.memref_slice %arg7[%add3A, %dma_start3A_36, %dma_start3A_37] : memref<32x81x128xf32, #tpu.memory_space<hbm>> -> memref<1x81x128xf32, #tpu.memory_space<hbm>>
      %dma_start3A_39 = tpu.memref_squeeze %dma_start3A_38 : memref<1x81x128xf32, #tpu.memory_space<hbm>> -> memref<81x128xf32, #tpu.memory_space<hbm>>
      tpu.enqueue_dma source(%arg13 : memref<81x128xf32, #tpu.memory_space<vmem>>) target(%dma_start3A_39 : memref<81x128xf32, #tpu.memory_space<hbm>>) target_semaphore(%run_scoped3A : memref<!tpu.dma_semaphore, #tpu.memory_space<semaphore_mem>>)
      %dma_wait3A = arith.constant 0 : i32
      %dma_wait3A_40 = arith.constant 0 : i32
      %dma_wait3A_41 = tpu.memref_slice %arg7[%add3A, %dma_wait3A, %dma_wait3A_40] : memref<32x81x128xf32, #tpu.memory_space<hbm>> -> memref<1x81x128xf32, #tpu.memory_space<hbm>>
      %dma_wait3A_42 = tpu.memref_squeeze %dma_wait3A_41 : memref<1x81x128xf32, #tpu.memory_space<hbm>> -> memref<81x128xf32, #tpu.memory_space<hbm>>
      %dma_wait3A_43 = arith.constant 0 : i32
      %dma_wait3A_44 = arith.constant 0 : i32
      %dma_wait3A_45 = tpu.memref_slice %arg7[%add3A, %dma_wait3A_43, %dma_wait3A_44] : memref<32x81x128xf32, #tpu.memory_space<hbm>> -> memref<1x81x128xf32, #tpu.memory_space<hbm>>
      %dma_wait3A_46 = tpu.memref_squeeze %dma_wait3A_45 : memref<1x81x128xf32, #tpu.memory_space<hbm>> -> memref<81x128xf32, #tpu.memory_space<hbm>>
      tpu.wait_dma2 semaphore(%run_scoped3A : memref<!tpu.dma_semaphore, #tpu.memory_space<semaphore_mem>>) src(%arg13 : memref<81x128xf32, #tpu.memory_space<vmem>>) dst(%dma_wait3A_46 : memref<81x128xf32, #tpu.memory_space<hbm>>)
      tpu.yield
    }) : () -> ()
    %barrier3A = arith.constant 0 : index
    tpu.barrier barrier_id(%barrier3A)
    %scan3A_22 = arith.constant 0 : i32
    %scan3A_23 = arith.constant 0 : i32
    %scan3A_24 = arith.constant 81 : i32
    %scan3A_25 = arith.addi %scan3A_23, %scan3A_24 : i32
    %scan3A_26 = arith.constant 1 : i32
    scf.for %scan3A_33 = %scan3A_23 to %scan3A_25 step %scan3A_26  : i32 {
      "tpu.region"() ({
        %run_scoped3A = tpu.sem_alloc : memref<!tpu.dma_semaphore, #tpu.memory_space<semaphore_mem>>
        %dma_start3A = arith.constant 0 : i32
        %dma_start3A_34 = tpu.memref_slice %arg13[%scan3A_33, %dma_start3A] : memref<81x128xf32, #tpu.memory_space<vmem>> -> memref<1x128xf32, #tpu.memory_space<vmem>>
        %dma_start3A_35 = tpu.memref_squeeze %dma_start3A_34 : memref<1x128xf32, #tpu.memory_space<vmem>> -> memref<128xf32, #tpu.memory_space<vmem>>
        %dma_start3A_36 = arith.constant 0 : i32
        %dma_start3A_37 = tpu.memref_slice %arg10[%scan3A_33, %dma_start3A_36] : memref<81x128xi32, #tpu.memory_space<vmem>> -> memref<1x128xi32, #tpu.memory_space<vmem>>
        %dma_start3A_38 = tpu.memref_squeeze %dma_start3A_37 : memref<1x128xi32, #tpu.memory_space<vmem>> -> memref<128xi32, #tpu.memory_space<vmem>>
        %dma_start3A_39 = arith.constant 0 : i32
        %dma_start3A_40 = tpu.memref_slice %arg14[%dma_start3A_39] : memref<10240xf32, #tpu.memory_space<vmem_shared>> -> memref<10240xf32, #tpu.memory_space<vmem_shared>>
        tpu.enqueue_indirect_dma source(%dma_start3A_35 : memref<128xf32, #tpu.memory_space<vmem>>) target(%dma_start3A_40 : memref<10240xf32, #tpu.memory_space<vmem_shared>>) offsets(%dma_start3A_38 : memref<128xi32, #tpu.memory_space<vmem>>) semaphore(%run_scoped3A : memref<!tpu.dma_semaphore, #tpu.memory_space<semaphore_mem>>) {add = true}
        %dma_wait3A = arith.constant 0 : i32
        %dma_wait3A_41 = tpu.memref_slice %arg13[%scan3A_33, %dma_wait3A] : memref<81x128xf32, #tpu.memory_space<vmem>> -> memref<1x128xf32, #tpu.memory_space<vmem>>
        %dma_wait3A_42 = tpu.memref_squeeze %dma_wait3A_41 : memref<1x128xf32, #tpu.memory_space<vmem>> -> memref<128xf32, #tpu.memory_space<vmem>>
        %dma_wait3A_43 = arith.constant 0 : i32
        %dma_wait3A_44 = tpu.memref_slice %arg10[%scan3A_33, %dma_wait3A_43] : memref<81x128xi32, #tpu.memory_space<vmem>> -> memref<1x128xi32, #tpu.memory_space<vmem>>
        %dma_wait3A_45 = tpu.memref_squeeze %dma_wait3A_44 : memref<1x128xi32, #tpu.memory_space<vmem>> -> memref<128xi32, #tpu.memory_space<vmem>>
        %dma_wait3A_46 = arith.constant 0 : i32
        %dma_wait3A_47 = tpu.memref_slice %arg14[%dma_wait3A_46] : memref<10240xf32, #tpu.memory_space<vmem_shared>> -> memref<10240xf32, #tpu.memory_space<vmem_shared>>
        tpu.wait_indirect_dma semaphore(%run_scoped3A : memref<!tpu.dma_semaphore, #tpu.memory_space<semaphore_mem>>) src(%dma_wait3A_42 : memref<128xf32, #tpu.memory_space<vmem>>) dst(%dma_wait3A_47 : memref<10240xf32, #tpu.memory_space<vmem_shared>>)
        tpu.yield
      }) : () -> ()
    }
    %scan3A_27 = arith.constant 81 : i32
    %barrier3A_28 = arith.constant 0 : index
    tpu.barrier barrier_id(%barrier3A_28)
    %mul3A_29 = arith.constant 640 : i32
    %mul3A_30 = arith.muli %arg1, %mul3A_29 : i32
    %mul3A_31 = arith.constant 640 : i32
    %mul3A_32 = arith.muli %arg1, %mul3A_31 : i32
    "tpu.region"() ({
      %run_scoped3A = tpu.sem_alloc : memref<!tpu.dma_semaphore, #tpu.memory_space<semaphore_mem>>
      %dma_start3A = tpu.memref_slice %arg8[%arg0, %mul3A_32] : memref<2x10240xf32, #tpu.memory_space<hbm>> -> memref<1x640xf32, #tpu.memory_space<hbm>>
      %dma_start3A_33 = tpu.memref_squeeze %dma_start3A : memref<1x640xf32, #tpu.memory_space<hbm>> -> memref<640xf32, #tpu.memory_space<hbm>>
      %dma_start3A_34 = tpu.memref_slice %arg14[%mul3A_30] : memref<10240xf32, #tpu.memory_space<vmem_shared>> -> memref<640xf32, #tpu.memory_space<vmem_shared>>
      tpu.enqueue_dma source(%dma_start3A_34 : memref<640xf32, #tpu.memory_space<vmem_shared>>) target(%dma_start3A_33 : memref<640xf32, #tpu.memory_space<hbm>>) target_semaphore(%run_scoped3A : memref<!tpu.dma_semaphore, #tpu.memory_space<semaphore_mem>>)
      %dma_wait3A = tpu.memref_slice %arg8[%arg0, %mul3A_32] : memref<2x10240xf32, #tpu.memory_space<hbm>> -> memref<1x640xf32, #tpu.memory_space<hbm>>
      %dma_wait3A_35 = tpu.memref_squeeze %dma_wait3A : memref<1x640xf32, #tpu.memory_space<hbm>> -> memref<640xf32, #tpu.memory_space<hbm>>
      %dma_wait3A_36 = tpu.memref_slice %arg14[%mul3A_30] : memref<10240xf32, #tpu.memory_space<vmem_shared>> -> memref<640xf32, #tpu.memory_space<vmem_shared>>
      tpu.wait_dma2 semaphore(%run_scoped3A : memref<!tpu.dma_semaphore, #tpu.memory_space<semaphore_mem>>) src(%dma_wait3A_36 : memref<640xf32, #tpu.memory_space<vmem_shared>>) dst(%dma_wait3A_35 : memref<640xf32, #tpu.memory_space<hbm>>)
      tpu.yield
    }) : () -> ()
    return
  }
}

module attributes {stable_mosaic.version = 14 : i64} {
  func.func @_mm_body(%arg0: i32, %arg1: memref<1000x1024xf32, #tpu.memory_space<vmem>>, %arg2: memref<1024x128xf32, #tpu.memory_space<vmem>>, %arg3: memref<1000x128xf32, #tpu.memory_space<vmem>>) attributes {dimension_semantics = [#tpu.dimension_semantics<arbitrary>], iteration_bounds = array<i64: 10>, scalar_prefetch = 0 : i64, scratch_operands = 0 : i64, tpu.core_type = #tpu.core_type<tc>, window_params = [{transform_indices = @transform_0, window_bounds = array<i64: 1000, 1024>}, {pipeline_mode = #tpu.pipeline_mode<synchronous>, transform_indices = @transform_1, window_bounds = array<i64: 1024, 128>}, {transform_indices = @transform_2, window_bounds = array<i64: 1000, 128>}]} {
    %get3A = arith.constant 0 : index
    %get3A_0 = arith.constant 0 : index
    %get3A_1 = vector.load %arg1[%get3A, %get3A_0] : memref<1000x1024xf32, #tpu.memory_space<vmem>>, vector<1000x1024xf32>
    %get3A_2 = arith.constant 0 : index
    %get3A_3 = arith.constant 0 : index
    %get3A_4 = vector.load %arg2[%get3A_2, %get3A_3] : memref<1024x128xf32, #tpu.memory_space<vmem>>, vector<1024x128xf32>
    %dot_general3A = arith.constant dense<0.000000e+00> : vector<1000x128xf32>
    %dot_general3A_5 = tpu.matmul %get3A_1, %get3A_4, %dot_general3A {dimension_numbers = #tpu.dot_dimension_numbers<[1], [0], [0], [1], [0, 0, 1, 1], [], []>, transpose_lhs_hint = false} : vector<1000x1024xf32>, vector<1024x128xf32>, vector<1000x128xf32> -> vector<1000x128xf32>
    %swap3A = arith.constant 0 : index
    %swap3A_6 = arith.constant 0 : index
    %swap3A_7 = vector.load %arg3[%swap3A, %swap3A_6] : memref<1000x128xf32, #tpu.memory_space<vmem>>, vector<1000x128xf32>
    tpu.vector_store %arg3[%swap3A, %swap3A_6], %dot_general3A_5 {strides = array<i32>} : memref<1000x128xf32, #tpu.memory_space<vmem>>, vector<1000x128xf32>,
    return
  }
  func.func @transform_0(%arg0: i32) -> (i32, i32) {
    %c0_i32 = arith.constant 0 : i32
    %c0_i32_0 = arith.constant 0 : i32
    return %arg0, %c0_i32 : i32, i32
  }
  func.func @transform_1(%arg0: i32) -> (i32, i32) {
    %c0_i32 = arith.constant 0 : i32
    %c0_i32_0 = arith.constant 0 : i32
    %c0_i32_1 = arith.constant 0 : i32
    return %c0_i32, %c0_i32_0 : i32, i32
  }
  func.func @transform_2(%arg0: i32) -> (i32, i32) {
    %c0_i32 = arith.constant 0 : i32
    %c0_i32_0 = arith.constant 0 : i32
    return %arg0, %c0_i32 : i32, i32
  }
}

module attributes {stable_mosaic.version = 14 : i64} {
  func.func @_mm_body(%arg0: i32, %arg1: memref<1000x128xf32, #tpu.memory_space<vmem>>, %arg2: memref<128x1024xf32, #tpu.memory_space<vmem>>, %arg3: memref<1000x1024xf32, #tpu.memory_space<vmem>>) attributes {dimension_semantics = [#tpu.dimension_semantics<arbitrary>], iteration_bounds = array<i64: 10>, scalar_prefetch = 0 : i64, scratch_operands = 0 : i64, tpu.core_type = #tpu.core_type<tc>, window_params = [{transform_indices = @transform_0, window_bounds = array<i64: 1000, 128>}, {pipeline_mode = #tpu.pipeline_mode<synchronous>, transform_indices = @transform_1, window_bounds = array<i64: 128, 1024>}, {transform_indices = @transform_2, window_bounds = array<i64: 1000, 1024>}]} {
    %get3A = arith.constant 0 : index
    %get3A_0 = arith.constant 0 : index
    %get3A_1 = vector.load %arg1[%get3A, %get3A_0] : memref<1000x128xf32, #tpu.memory_space<vmem>>, vector<1000x128xf32>
    %get3A_2 = arith.constant 0 : index
    %get3A_3 = arith.constant 0 : index
    %get3A_4 = vector.load %arg2[%get3A_2, %get3A_3] : memref<128x1024xf32, #tpu.memory_space<vmem>>, vector<128x1024xf32>
    %dot_general3A = arith.constant dense<0.000000e+00> : vector<1000x1024xf32>
    %dot_general3A_5 = tpu.matmul %get3A_1, %get3A_4, %dot_general3A {dimension_numbers = #tpu.dot_dimension_numbers<[1], [0], [0], [1], [0, 0, 1, 1], [], []>, transpose_lhs_hint = false} : vector<1000x128xf32>, vector<128x1024xf32>, vector<1000x1024xf32> -> vector<1000x1024xf32>
    %swap3A = arith.constant 0 : index
    %swap3A_6 = arith.constant 0 : index
    %swap3A_7 = vector.load %arg3[%swap3A, %swap3A_6] : memref<1000x1024xf32, #tpu.memory_space<vmem>>, vector<1000x1024xf32>
    tpu.vector_store %arg3[%swap3A, %swap3A_6], %dot_general3A_5 {strides = array<i32>} : memref<1000x1024xf32, #tpu.memory_space<vmem>>, vector<1000x1024xf32>,
    return
  }
  func.func @transform_0(%arg0: i32) -> (i32, i32) {
    %c0_i32 = arith.constant 0 : i32
    %c0_i32_0 = arith.constant 0 : i32
    return %arg0, %c0_i32 : i32, i32
  }
  func.func @transform_1(%arg0: i32) -> (i32, i32) {
    %c0_i32 = arith.constant 0 : i32
    %c0_i32_0 = arith.constant 0 : i32
    %c0_i32_1 = arith.constant 0 : i32
    return %c0_i32, %c0_i32_0 : i32, i32
  }
  func.func @transform_2(%arg0: i32) -> (i32, i32) {
    %c0_i32 = arith.constant 0 : i32
    %c0_i32_0 = arith.constant 0 : i32
    return %arg0, %c0_i32 : i32, i32
  }
}

module attributes {stable_mosaic.version = 14 : i64} {
  func.func @_mm_body(%arg0: i32, %arg1: memref<1000x1024xf32, #tpu.memory_space<vmem>>, %arg2: memref<1024x1024xf32, #tpu.memory_space<vmem>>, %arg3: memref<1000x1024xf32, #tpu.memory_space<vmem>>) attributes {dimension_semantics = [#tpu.dimension_semantics<arbitrary>], iteration_bounds = array<i64: 10>, scalar_prefetch = 0 : i64, scratch_operands = 0 : i64, tpu.core_type = #tpu.core_type<tc>, window_params = [{transform_indices = @transform_0, window_bounds = array<i64: 1000, 1024>}, {pipeline_mode = #tpu.pipeline_mode<synchronous>, transform_indices = @transform_1, window_bounds = array<i64: 1024, 1024>}, {transform_indices = @transform_2, window_bounds = array<i64: 1000, 1024>}]} {
    %get3A = arith.constant 0 : index
    %get3A_0 = arith.constant 0 : index
    %get3A_1 = vector.load %arg1[%get3A, %get3A_0] : memref<1000x1024xf32, #tpu.memory_space<vmem>>, vector<1000x1024xf32>
    %get3A_2 = arith.constant 0 : index
    %get3A_3 = arith.constant 0 : index
    %get3A_4 = vector.load %arg2[%get3A_2, %get3A_3] : memref<1024x1024xf32, #tpu.memory_space<vmem>>, vector<1024x1024xf32>
    %dot_general3A = arith.constant dense<0.000000e+00> : vector<1000x1024xf32>
    %dot_general3A_5 = tpu.matmul %get3A_1, %get3A_4, %dot_general3A {dimension_numbers = #tpu.dot_dimension_numbers<[1], [0], [0], [1], [0, 0, 1, 1], [], []>, transpose_lhs_hint = false} : vector<1000x1024xf32>, vector<1024x1024xf32>, vector<1000x1024xf32> -> vector<1000x1024xf32>
    %swap3A = arith.constant 0 : index
    %swap3A_6 = arith.constant 0 : index
    %swap3A_7 = vector.load %arg3[%swap3A, %swap3A_6] : memref<1000x1024xf32, #tpu.memory_space<vmem>>, vector<1000x1024xf32>
    tpu.vector_store %arg3[%swap3A, %swap3A_6], %dot_general3A_5 {strides = array<i32>} : memref<1000x1024xf32, #tpu.memory_space<vmem>>, vector<1000x1024xf32>,
    return
  }
  func.func @transform_0(%arg0: i32) -> (i32, i32) {
    %c0_i32 = arith.constant 0 : i32
    %c0_i32_0 = arith.constant 0 : i32
    return %arg0, %c0_i32 : i32, i32
  }
  func.func @transform_1(%arg0: i32) -> (i32, i32) {
    %c0_i32 = arith.constant 0 : i32
    %c0_i32_0 = arith.constant 0 : i32
    %c0_i32_1 = arith.constant 0 : i32
    return %c0_i32, %c0_i32_0 : i32, i32
  }
  func.func @transform_2(%arg0: i32) -> (i32, i32) {
    %c0_i32 = arith.constant 0 : i32
    %c0_i32_0 = arith.constant 0 : i32
    return %arg0, %c0_i32 : i32, i32
  }
}

module attributes {stable_mosaic.version = 14 : i64} {
  func.func @_mm_body(%arg0: i32, %arg1: memref<1000x1024xf32, #tpu.memory_space<vmem>>, %arg2: memref<1024x512xf32, #tpu.memory_space<vmem>>, %arg3: memref<1000x512xf32, #tpu.memory_space<vmem>>) attributes {dimension_semantics = [#tpu.dimension_semantics<arbitrary>], iteration_bounds = array<i64: 10>, scalar_prefetch = 0 : i64, scratch_operands = 0 : i64, tpu.core_type = #tpu.core_type<tc>, window_params = [{transform_indices = @transform_0, window_bounds = array<i64: 1000, 1024>}, {pipeline_mode = #tpu.pipeline_mode<synchronous>, transform_indices = @transform_1, window_bounds = array<i64: 1024, 512>}, {transform_indices = @transform_2, window_bounds = array<i64: 1000, 512>}]} {
    %get3A = arith.constant 0 : index
    %get3A_0 = arith.constant 0 : index
    %get3A_1 = vector.load %arg1[%get3A, %get3A_0] : memref<1000x1024xf32, #tpu.memory_space<vmem>>, vector<1000x1024xf32>
    %get3A_2 = arith.constant 0 : index
    %get3A_3 = arith.constant 0 : index
    %get3A_4 = vector.load %arg2[%get3A_2, %get3A_3] : memref<1024x512xf32, #tpu.memory_space<vmem>>, vector<1024x512xf32>
    %dot_general3A = arith.constant dense<0.000000e+00> : vector<1000x512xf32>
    %dot_general3A_5 = tpu.matmul %get3A_1, %get3A_4, %dot_general3A {dimension_numbers = #tpu.dot_dimension_numbers<[1], [0], [0], [1], [0, 0, 1, 1], [], []>, transpose_lhs_hint = false} : vector<1000x1024xf32>, vector<1024x512xf32>, vector<1000x512xf32> -> vector<1000x512xf32>
    %swap3A = arith.constant 0 : index
    %swap3A_6 = arith.constant 0 : index
    %swap3A_7 = vector.load %arg3[%swap3A, %swap3A_6] : memref<1000x512xf32, #tpu.memory_space<vmem>>, vector<1000x512xf32>
    tpu.vector_store %arg3[%swap3A, %swap3A_6], %dot_general3A_5 {strides = array<i32>} : memref<1000x512xf32, #tpu.memory_space<vmem>>, vector<1000x512xf32>,
    return
  }
  func.func @transform_0(%arg0: i32) -> (i32, i32) {
    %c0_i32 = arith.constant 0 : i32
    %c0_i32_0 = arith.constant 0 : i32
    return %arg0, %c0_i32 : i32, i32
  }
  func.func @transform_1(%arg0: i32) -> (i32, i32) {
    %c0_i32 = arith.constant 0 : i32
    %c0_i32_0 = arith.constant 0 : i32
    %c0_i32_1 = arith.constant 0 : i32
    return %c0_i32, %c0_i32_0 : i32, i32
  }
  func.func @transform_2(%arg0: i32) -> (i32, i32) {
    %c0_i32 = arith.constant 0 : i32
    %c0_i32_0 = arith.constant 0 : i32
    return %arg0, %c0_i32 : i32, i32
  }
}

module attributes {stable_mosaic.version = 14 : i64} {
  func.func @_mm_body(%arg0: i32, %arg1: memref<1000x512xf32, #tpu.memory_space<vmem>>, %arg2: memref<512x128xf32, #tpu.memory_space<vmem>>, %arg3: memref<1000x128xf32, #tpu.memory_space<vmem>>) attributes {dimension_semantics = [#tpu.dimension_semantics<arbitrary>], iteration_bounds = array<i64: 10>, scalar_prefetch = 0 : i64, scratch_operands = 0 : i64, tpu.core_type = #tpu.core_type<tc>, window_params = [{transform_indices = @transform_0, window_bounds = array<i64: 1000, 512>}, {pipeline_mode = #tpu.pipeline_mode<synchronous>, transform_indices = @transform_1, window_bounds = array<i64: 512, 128>}, {transform_indices = @transform_2, window_bounds = array<i64: 1000, 128>}]} {
    %get3A = arith.constant 0 : index
    %get3A_0 = arith.constant 0 : index
    %get3A_1 = vector.load %arg1[%get3A, %get3A_0] : memref<1000x512xf32, #tpu.memory_space<vmem>>, vector<1000x512xf32>
    %get3A_2 = arith.constant 0 : index
    %get3A_3 = arith.constant 0 : index
    %get3A_4 = vector.load %arg2[%get3A_2, %get3A_3] : memref<512x128xf32, #tpu.memory_space<vmem>>, vector<512x128xf32>
    %dot_general3A = arith.constant dense<0.000000e+00> : vector<1000x128xf32>
    %dot_general3A_5 = tpu.matmul %get3A_1, %get3A_4, %dot_general3A {dimension_numbers = #tpu.dot_dimension_numbers<[1], [0], [0], [1], [0, 0, 1, 1], [], []>, transpose_lhs_hint = false} : vector<1000x512xf32>, vector<512x128xf32>, vector<1000x128xf32> -> vector<1000x128xf32>
    %swap3A = arith.constant 0 : index
    %swap3A_6 = arith.constant 0 : index
    %swap3A_7 = vector.load %arg3[%swap3A, %swap3A_6] : memref<1000x128xf32, #tpu.memory_space<vmem>>, vector<1000x128xf32>
    tpu.vector_store %arg3[%swap3A, %swap3A_6], %dot_general3A_5 {strides = array<i32>} : memref<1000x128xf32, #tpu.memory_space<vmem>>, vector<1000x128xf32>,
    return
  }
  func.func @transform_0(%arg0: i32) -> (i32, i32) {
    %c0_i32 = arith.constant 0 : i32
    %c0_i32_0 = arith.constant 0 : i32
    return %arg0, %c0_i32 : i32, i32
  }
  func.func @transform_1(%arg0: i32) -> (i32, i32) {
    %c0_i32 = arith.constant 0 : i32
    %c0_i32_0 = arith.constant 0 : i32
    %c0_i32_1 = arith.constant 0 : i32
    return %c0_i32, %c0_i32_0 : i32, i32
  }
  func.func @transform_2(%arg0: i32) -> (i32, i32) {
    %c0_i32 = arith.constant 0 : i32
    %c0_i32_0 = arith.constant 0 : i32
    return %arg0, %c0_i32 : i32, i32
  }
}

</mosaic_0001>

<sc_bundles>
// kernel: gather_offload_async_start.1
scs
__scs_entry_jumppad:
0x0: {  	(pc) =	sbr.rel $0x88, $3  }
0x1: {  	(tag) =	ssettag $0x0;
	lr =	simm.s32 $0x1  }
0x2: {  	[smem:$0x3F8F] =	sst lr;
	_ =	strace $0xD0000000  }
0x3: {  	_ = 	snop  }
0x4: {  	_ = 	snop  }
0x5: {  	_ = 	snop  }
0x6: {  	_ = 	snop  }
0x7: {  	_ = 	snop  }
__scs_overlays_trampoline_lowered:
0x8: {  	[smem:$0x3F9E] =	sst s0  }
0x9: {  	[smem:$0x3F9F] =	sst s1  }
0xa: {  	[smem:$0x3FA0] =	sst s2  }
0xb: {  	[smem:$0x3FA1] =	sst s3  }
0xc: {  	[smem:$0x3FA2] =	sst s4  }
0xd: {  	[smem:$0x3FA3] =	sst s5  }
0xe: {  	[smem:$0x3FA4] =	sst s6  }
0xf: {  	[smem:$0x3FA5] =	sst s7  }
0x10: {  	[smem:$0x3FA6] =	sst s8  }
0x11: {  	[smem:$0x3FA7] =	sst s9;
	s0 =	simm.s32 @!p0 $0x0  }
0x12: {  	s1 =	sld [smem:$0x3F8D];
	s0 =	simm.s32 @p0 $0x1  }
0x13: {  	[smem:$0x3FA8] =	sst s0;
	s0 =	simm.s32 @!p1 $0x0  }
0x14: {  	s2 =	sld [smem:$0x3F8C];
	s0 =	simm.s32 @p1 $0x1  }
0x15: {  	[smem:$0x3FA9] =	sst s0;
	s0 =	simm.s32 @!p2 $0x0  }
0x16: {  	s3 =	sld [smem:$0x3FDB];
	s0 =	simm.s32 @p2 $0x1  }
0x17: {  	s4 =	simm.s32 $0x1BF5;
	[smem:$0x3FAB] =	sst s0  }
0x18: {  	s0 =	sld [smem:$0x3F8E];
	_ =	swait.ge [sflag:s4], $0x0  }
0x19: {  	s7 =	sld [smem:$0x3F8F]  }
0x1a: {  	s8 =	sadd.s32 $0xFFFFE003, lr  }
0x1b: {  	s9 =	sadd.s32 $0xFFFFFEF7, lr;
	s5 =	simm.s32 $0xFFFFFFFF;
	p2 =	slt.u32 s8, $0xFFFFF086  }
0x1c: {  	p1 =	slt.u32 s9, $0xF7A;
	s5 =	simm.s32 @!p2 $0x0  }
0x1d: {  	s5 =	simm.s32 @p1 $0x1;
	p0 =	seq.s32 s7, s2  }
0x1e: {  	s7 =	smul.u32 @!p0 $0xF7A, s2;
	p2 =	seq.s32 @!p0 s5, $0x0  }
0x1f: {  	s9 =	smul.u32 $0xF7A, s1;
	s8 =	simm.s32 @!p0 $0x1BF5;
	p2 =	por !p2, p0  }
0x20: {  	[sflag:s8] =	ssyncset.s32 @!p0 $0xFFFFF086;
	s6 =	sadd.s32 @!p0 s3, s7;
	s7 =	simm.s32 @!p0 $0x108  }
0x21: {  	s3 =	sadd.s32 s3, s9;
	s6 =	sadd.s32 @!p0 $0x88, s6;
	s7 =	simm.s32 @p2 $0x1082  }
0x22: {  	[simem:s7], [sflag:s8] =	dma.local @!p0 [hbm:s6], $0xF7A  }
0x23: {  	s9 =	sor.u32 $0xD0000000, s2;
	s6 =	simm.s32 $0x108;
	_ =	swait.ge @!p0 [sflag:s8], $0x0  }
0x24: {  	s3 =	sadd.s32 $0x88, s3;
	s6 =	simm.s32 @!p1 $0x1082;
	[sflag:s4] =	ssyncset.s32 $0xFFFFF086  }
0x25: {  	[simem:s6], [sflag:s4] =	dma.local [hbm:s3], $0xF7A  }
0x26: {  	[smem:$0x3F8F] =	sst s1;
	(tag) =	ssettag s2;
	_ =	strace s9  }
0x27: {  	s1 =	sld [smem:$0x3F9F]  }
0x28: {  	s2 =	sld [smem:$0x3FA0]  }
0x29: {  	s4 =	sld [smem:$0x3FA2]  }
0x2a: {  	p0 =	seq.s32 s5, $0x0;
	s5 =	sld [smem:$0x3FA3]  }
0x2b: {  	s6 =	sld [smem:$0x3FA4]  }
0x2c: {  	s7 =	sld [smem:$0x3FA5]  }
0x2d: {  	s3 =	simm.s32 $0x108;
	s8 =	sld [smem:$0x3FA6]  }
0x2e: {  	s3 =	simm.s32 @!p0 $0x1082;
	s9 =	sld [smem:$0x3FA7]  }
0x2f: {  	lr =	sadd.s32 s0, s3;
	s0 =	sld [smem:$0x3F9E]  }
0x30: {  	s3 =	sld [smem:$0x3FA1]  }
0x31: {  	[smem:$0x3FAA] =	sst s10  }
0x32: {  	s10 =	sld [smem:$0x3FA8];
	_ =	sdelay $0x3  }
0x33: {  	p0 =	seq.s32 s10, $0x1;
	s10 =	sld [smem:$0x3FAA];
	_ =	sdelay $0x3  }
0x34: {  	[smem:$0x3FAA] =	sst s10  }
0x35: {  	s10 =	sld [smem:$0x3FA9];
	_ =	sdelay $0x3  }
0x36: {  	p1 =	seq.s32 s10, $0x1;
	s10 =	sld [smem:$0x3FAA];
	_ =	sdelay $0x3  }
0x37: {  	[smem:$0x3FAA] =	sst s10  }
0x38: {  	s10 =	sld [smem:$0x3FAB]  }
0x39: {  	_ = 	snop;
	(pc) =	sbr.ind lr, $3  }
0x3a: {  	_ = 	snop  }
0x3b: {  	_ = 	snop  }
0x3c: {  	p2 =	seq.s32 s10, $0x1;
	s10 =	sld [smem:$0x3FAA]  }
0x3d: {  	_ =	shalt  }
0x3e: {  	_ =	shalt  }
0x3f: {  	_ =	shalt  }
0x40: {  	_ =	shalt  }
0x41: {  	_ =	shalt  }
0x42: {  	_ =	shalt  }
0x43: {  	_ =	shalt  }
0x44: {  	_ =	shalt  }
0x45: {  	_ =	shalt  }
0x46: {  	_ =	shalt  }
0x47: {  	_ =	shalt  }
0x48: {  	_ =	shalt  }
0x49: {  	_ =	shalt  }
0x4a: {  	_ =	shalt  }
0x4b: {  	_ =	shalt  }
0x4c: {  	_ =	shalt  }
0x4d: {  	_ =	shalt  }
0x4e: {  	_ =	shalt  }
0x4f: {  	_ =	shalt  }
0x50: {  	_ =	shalt  }
0x51: {  	_ =	shalt  }
0x52: {  	_ =	shalt  }
0x53: {  	_ =	shalt  }
0x54: {  	_ =	shalt  }
0x55: {  	_ =	shalt  }
0x56: {  	_ =	shalt  }
0x57: {  	_ =	shalt  }
0x58: {  	_ =	shalt  }
0x59: {  	_ =	shalt  }
0x5a: {  	_ =	shalt  }
0x5b: {  	_ =	shalt  }
0x5c: {  	_ =	shalt  }
0x5d: {  	_ =	shalt  }
0x5e: {  	_ =	shalt  }
0x5f: {  	_ =	shalt  }
0x60: {  	_ =	shalt  }
0x61: {  	_ =	shalt  }
0x62: {  	_ =	shalt  }
0x63: {  	_ =	shalt  }
0x64: {  	_ =	shalt  }
0x65: {  	_ =	shalt  }
0x66: {  	_ =	shalt  }
0x67: {  	_ =	shalt  }
0x68: {  	_ =	shalt  }
0x69: {  	_ =	shalt  }
0x6a: {  	_ =	shalt  }
0x6b: {  	_ =	shalt  }
0x6c: {  	_ =	shalt  }
0x6d: {  	_ =	shalt  }
0x6e: {  	_ =	shalt  }
0x6f: {  	_ =	shalt  }
0x70: {  	_ =	shalt  }
0x71: {  	_ =	shalt  }
0x72: {  	_ =	shalt  }
0x73: {  	_ =	shalt  }
0x74: {  	_ =	shalt  }
0x75: {  	_ =	shalt  }
0x76: {  	_ =	shalt  }
0x77: {  	_ =	shalt  }
0x78: {  	_ =	shalt  }
0x79: {  	_ =	shalt  }
0x7a: {  	_ =	shalt  }
0x7b: {  	_ =	shalt  }
0x7c: {  	_ =	shalt  }
0x7d: {  	_ =	shalt  }
0x7e: {  	_ =	shalt  }
0x7f: {  	_ =	shalt  }
0x80: {  	_ =	shalt  }
0x81: {  	_ =	shalt  }
0x82: {  	_ =	shalt  }
0x83: {  	_ =	shalt  }
0x84: {  	_ =	shalt  }
0x85: {  	_ =	shalt  }
0x86: {  	_ =	shalt  }
0x87: {  	_ =	shalt  }
.Lfunc_end0:
.L_simem_size_0:
called_computation.1_lowered:
.L_overlay_start_0:
0x88: {  	s2 =	sld [smem:$0x3FD9]  }
0x89: {  	s3 =	sld [smem:$0x3FFE];
	_ =	sdelay $0x1  }
0x8a: {  	s1 =	srdreg.scid  }
0x8b: {  	s0 =	sand.u32 $0x1, s1  }
0x8c: {  	s17 =	sshll.u32 s0, $0xA;
	s2 =	sadd.s32 s3, s2  }
0x8d: {  	s2 =	sadd.s32 s2, s17  }
0x8e: {  	[smem:$0x3FB6] =	sst s2  }
0x8f: {  	_ = 	snop  }
0x90: {  	(tm) =	ssettm $0x1  }
0x91: {  	s18 =	sld [smem:$0x3FFB];
	_ =	sdelay $0x3  }
0x92: {  	_ =	strace s18  }
0x93: {  	s2 =	sld [smem:$0x3FFC];
	_ =	sdelay $0x3  }
0x94: {  	_ =	strace s2  }
0x95: {  	s2 =	sld [smem:$0x3FFD];
	_ =	sdelay $0x3  }
0x96: {  	_ =	strace s2  }
0x97: {  	_ =	strace $0x8FFFFFFF  }
0x98: {  	s19 =	sld [smem:$0x3FDB];
	_ =	sdelay $0x1  }
0x99: {  	s20 =	simm.s32 $_scs_section_size  }
0x9a: {  	s4 =	simm.s32 $_size__tile_overlayer_lowered;
	s5 =	simm.s32 $_tile_overlayer_lowered  }
0x9b: {  	s6 =	simm.s32 $0x1BFF;
	s21 =	sshll.u32 s5, $0x1;
	s3 =	sadd.s32 s20, s19  }
0x9c: {  	s22 =	simm.s32 $0x0;
	s4 =	sshll.u32 s4, $0x1;
	s5 =	sadd.s32 s21, s3  }
0x9d: {  	[timem:s22], [sflag:s6] =	dma.local [hbm:s5], s4  }
0x9e: {  	_ =	swait.ge [sflag:s6], s4  }
0x9f: {  	s4 =	ssub.s32 $0x0, s4;
	[sflag:s6] =	ssyncset.done $0x0  }
0xa0: {  	[sflag:s6] =	ssyncadd.s32 s4;
	_ =	sdelay $0x1  }
0xa1: {  	s23 =	simm.s32 $0x1B8B  }
0xa2: {  	_ =	swait.ge [sflag:s23], $0x1  }
0xa3: {  	[sflag:s23] =	ssyncset.done $0x0  }
0xa4: {  	[sflag:s23] =	ssyncadd.s32 $0xFFFFFFFF  }
0xa5: {  	s4 =	sld [smem:$0x0]  }
0xa6: {  	s5 =	sand.u32 $0xFFFFFFFE, s1  }
0xa7: {  	p0 =	sne.s32 s1, s5  }
0xa8: {  	s5 =	sshll.u32 @p0 s5, $0xE  }
0xa9: {  	s5 =	sadd.s32 @p0 $0x11B8D, s5;
	s6 =	sshll.u32 @p0 s4, $0x11  }
0xaa: {  	s5 =	sor.u32 @p0 s6, s5  }
0xab: {  	[sflag:s5] =	ssyncadd.remote.s32 @p0 $0x1;
	_ =	sdelay $0x1  }
0xac: {  	s5 =	simm.s32 @p0 $0x1B8D  }
0xad: {  	_ =	swait.eq @p0 [sflag:s5], $0x1  }
0xae: {  	[sflag:s5] =	ssyncadd.s32 @p0 $0xFFFFFFFF  }
0xaf: {  	s6 =	sshll.u32 @!p0 s1, $0xE  }
0xb0: {  	s6 =	sor.u32 @!p0 $0x4000, s6;
	s5 =	simm.s32 @!p0 $0x1B8D  }
0xb1: {  	s4 =	sshll.u32 @!p0 s4, $0x11;
	s6 =	sadd.s32 @!p0 $0x11B8D, s6;
	_ =	swait.eq @!p0 [sflag:s5], $0x1  }
0xb2: {  	s4 =	sor.u32 @!p0 s4, s6;
	[sflag:s5] =	ssyncadd.s32 @!p0 $0xFFFFFFFF  }
0xb3: {  	s25 =	simm.s32 $0x1B8E;
	s24 =	sld [smem:$0x3FFE];
	[sflag:s4] =	ssyncadd.remote.s32 @!p0 $0x1  }
0xb4: {  	s26 =	simm.s32 $execute0_lowered;
	[smem:$0x3FD2] =	sst s25  }
0xb5: {  	s5 =	sshll.u32 s26, $0x1;
	_ =	strace $0x8000004F;
	[dreg:$0x1] =	wrdreg $0xFFFFFFFF  }
0xb6: {  	s28 =	simm.s32 $_size_execute0_lowered;
	s3 =	sadd.s32 s3, s5;
	[dreg:$0x0] =	wrdreg $0x0  }
0xb7: {  	s5 =	sshll.u32 s28, $0x1;
	[dreg:$0x2] =	wrdreg s3  }
0xb8: {  	[dreg:$0x3] =	wrdreg s5  }
0xb9: {  	[dreg:$0x4] =	wrdreg $0xC0  }
0xba: {  	_ =	task [dreg:s22], $0x5FFFF  }
0xbb: {  	[dreg:$0x1] =	wrdreg $0xFFFFFFFF  }
0xbc: {  	[dreg:$0x0] =	wrdreg $0x60  }
0xbd: {  	[dreg:$0x2] =	wrdreg s24  }
0xbe: {  	[dreg:$0x3] =	wrdreg $0x9  }
0xbf: {  	_ =	task.clear_ibuf [dreg:s22], $0x4FFFF;
	_ =	strace $0x9000004F  }
0xc0: {  	s29 =	simm.s32 $0x9;
	_ =	strace $0x80000051  }
0xc1: {  	_ =	swait.ge [sflag:s29], $0x1  }
0xc2: {  	[sflag:s29] =	ssyncadd.s32 $0xFFFFFFFF  }
0xc3: {  	_ =	strace $0x90000051  }
0xc4: {  	_ =	sfence  }
0xc5: {  	s30 =	sld [smem:$0x0];
	_ =	sdelay $0x2  }
0xc6: {  	s31 =	sshll.u32 s1, $0xD;
	s1 =	sshrl.u32 s1, $0x2  }
0xc7: {  	s4 =	sand.u32 $0x4000, s31;
	s1 =	sadd.s32 s1, s30  }
0xc8: {  	s0 =	sor.u32 s4, s0;
	s1 =	sshll.u32 s1, $0x11  }
0xc9: {  	s0 =	sor.u32 s1, s0  }
0xca: {  	s0 =	sadd.s32 $0x8F2B, s0  }
0xcb: {  	[sflag:s0] =	ssyncadd.remote.s32 $0x1  }
0xcc: {  	_ =	sfence.sel $0xFFFF  }
0xcd: {  	[dreg:$0x0] =	wrdreg $0xFFFFFFFF;
	(pc) =	sbr.abs _section_cstart, $3  }
0xce: {  	[dreg:$0x1] =	wrdreg $0xFFFFFFFF  }
0xcf: {  	_ =	task.clear_ibuf [dreg:s22], $0x2FFFF;
	_ =	strace $0x9FFFFFFF  }
0xd0: {  	(tm) =	ssettm $0x7FFFFFFF  }
0xd1: {  	_ =	shalt  }
tec
execute0_lowered:
.L_overlay_start_1:
0x0: {  	(tag) =	ssettag $0x1  }
0x1: {  	s8 =	rddreg [dreg:$0x0]  }
0x2: {  	s0 =	rddreg [dreg:$0x1];
	s1 =	srdreg.scid;
	_ =	strace $0x80000050  }
0x3: {  	s4 =	simm.s32 $0x1;
	s6 =	simm.s32 $0x2;
	s10 =	simm.s32 $0x3  }
0x4: {  	p3 =	por $0x0, $0x0;
	s11 =	simm.s32 $0x80;
	s3 =	sshll.u32 s1, $0x4  }
.Ltmp0:
0x5: {  	s1 =	stileid.u32;
	s5 =	sand.u32 $0x10, s3;
	(pc) =	sbr.rel .LBB2_1-.Ltmp0, $4  }
0x6: {  	s2 =	sadd.s32 $0x164E00, s8;
	[sflag:s4] =	ssyncpa.u1 $0x0;
	s5 =	sor.u32 s1, s5  }
0x7: {  	s7 =	sadd.s32 $0x2A07400, s8;
	[sflag:s6] =	ssyncpa.u1 $0x0;
	s5 =	smul.u32 $0x2880, s5  }
0x8: {  	s3 =	sadd.s32 $0x150800, s8;
	s8 =	sadd.s32 $0x15AA00, s8;
	[sflag:s10] =	ssyncpa.u1 $0x0  }
0x9: {  	v0 =	vlaneseq.u32;
	s10 =	simm.s32 $0x0;
	s9 =	sadd.s32 $0x2880, s5;
	s12 =	smov.u32 s5  }
.LBB2_6:
0xa: {  	s15 =	sadd.s32 s17, s15  }
0xb: {  	v2 =	vld.msk [tilespmem:s15+$0x0 ss:$0x1], $0x1;
	_ =	sdelay $0x2  }
0xc: {  	(v2sf) =	vpush v1, $0x1  }
0xd: {  	(v2sf) =	vpush v1, $0x0  }
0xe: {  	(v2sf) =	vpush v2, $0x0;
	_ =	sdelay $0xc  }
0xf: {  	p0 =	seq.s32 s18, $0xBC;
	s15 =	simm.s32 $0x1;
	s18 =	spop (v2sf)  }
0x10: {  	s15 =	simm.s32 @!p0 $0x2;
	s18 =	simm.s32 @p1 $0xFFFFFFFF;
	s19 =	spop (v2sf)  }
0x11: {  	v1 =	vmov s15;
	p0 =	sne.s32 s19, s18;
	s18 =	simm.s32 $0x1;
	s28 =	spop (v2sf)  }
0x12: {  	vm0 =	vgt.u32 v1, v0;
	s18 =	simm.s32 @!p0 $0x0;
	s29 =	sshll.u32 s28, $0xA;
	s15 =	sshll.u32 s28, $0x7  }
0x13: {  	s16 =	sadd.s32 s18, s16;
	s19 =	sand.u32 $0xFFFFE000, s29;
	s15 =	sand.u32 $0x380, s15  }
0x14: {  	s16 =	sshll.u32 s16, $0xC;
	s15 =	sor.u32 s15, s19  }
0x15: {  	s16 =	sshra.s32 s16, $0x2;
	s15 =	sshrl.u32 s15, $0x3  }
0x16: {  	s13 =	sadd.s32 s17, s13;
	s14 =	sadd.s32 s16, s14;
	s15 =	sadd.s32 s7, s15  }
0x17: {  	[hbm:s15] =	stream.strided.scatter [tilespmem:s14], [sflag:$0x3], $0x400, s11, s11, $0x38;
	[tilespmem:$0x180C0] =	vst v63  }
0x18: {  	v1 =	vld.msk [tilespmem:s13+$0x0 ss:$0x1], vm0;
	_ =	sdelay $0x4  }
0x19: {  	(v2sf) =	vpush v1, $0x1  }
0x1a: {  	(v2sf) =	vpush v1, $0x0;
	_ =	sdelay $0xb  }
0x1b: {  	s13 =	sld [smem:$0x7FC];
	_ =	sdelay $0x1  }
0x1c: {  	s30 =	spop (v2sf)  }
0x1d: {  	p3 =	seq.s32 s13, $0x1;
	s31 =	spop (v2sf)  }
.LBB2_7:
0x1e: {  	p0 =	slt.u32 s10, $0x2;
	s10 =	sadd.s32 $0x1, s10  }
0x1f: {  	p2 =	sne.s32 s10, $0xDA  }
.Ltmp1:
0x20: {  	_ = 	snop;
	(pc) =	sbr.rel @!p2 .LBB2_8-.Ltmp1, $4  }
0x21: {  	s13 =	simm.s32 @!p0 $0x3  }
0x22: {  	s14 =	sadd.s32 $0x30, s12;
	_ =	swait.ge @!p0 [sflag:s13], $0xC000  }
0x23: {  	s12 =	smov.u32 s5;
	p1 =	slt.s32 s14, s9;
	[sflag:s13] =	ssyncset.done @!p0 $0x0  }
0x24: {  	p3 =	por !p3, !p3;
	s12 =	smov.u32 @p1 s14;
	[sflag:s13] =	ssyncadd.s32 @!p0 $0xFFFF4000  }
.LBB2_1:
0x25: {  	p0 =	sgt.u32 s10, $0xD7  }
0x26: {  	s13 =	sxor.u32 @!p0 $0xFFFFFFFF, s10  }
0x27: {  	s13 =	sand.u32 @!p0 $0x1, s13  }
0x28: {  	s14 =	sshrl.u32 @!p0 s12, $0x3;
	s13 =	smul.u32 @!p0 $0x30, s13  }
0x29: {  	s16 =	sand.u32 @!p0 $0x7, s12;
	s15 =	sadd.s32 @!p0 s3, s14  }
0x2a: {  	[tilespmem:s13], [sflag:$0x2] =	stream.linear.gather @!p0 [hbm4b:s15+s16], $0x30, $0x38;
	[tilespmem:$0x180C0] =	vst v63  }
0x2b: {  	s31 =	sadd.s32 $0xFFFFFFFF, s10;
	s14 =	sadd.s32 @!p0 s8, s14;
	s13 =	sadd.s32 @!p0 $0x60, s13  }
0x2c: {  	[tilespmem:s13], [sflag:$0x2] =	stream.linear.gather @!p0 [hbm4b:s14+s16], $0x30, $0x38;
	[tilespmem:$0x180C0] =	vst v63  }
0x2d: {  	p0 =	sgt.u32 s31, $0xD7  }
.Ltmp2:
0x2e: {  	_ = 	snop;
	(pc) =	sbr.rel @p0 .LBB2_7-.Ltmp2, $1  }
0x2f: {  	_ =	sdelay $0x3  }
0x30: {  	p0 =	por $0x0, $0x0;
	s13 =	simm.s32 $0x1  }
0x31: {  	s13 =	simm.s32 @!p0 $0x2  }
0x32: {  	v1 =	vmov s13  }
0x33: {  	s14 =	simm.s32 @!p3 $0x0;
	s13 =	simm.s32 $0x1;
	vm0 =	vgt.u32 v1, v0  }
0x34: {  	s14 =	simm.s32 @p3 $0x1;
	s13 =	simm.s32 @!p3 $0x0  }
0x35: {  	[smem:$0x7FC] =	sst s14;
	s13 =	smul.u32 $0xC0, s13  }
0x36: {  	_ =	swait.ge [sflag:s6], $0x60  }
0x37: {  	[sflag:s6] =	ssyncset.done $0x0;
	s13 =	sshrl.u32 s13, $0x2  }
0x38: {  	[sflag:s6] =	ssyncadd.s32 $0xFFFFFFA0;
	s26 =	sadd.s32 $0x0, s13  }
0x39: {  	v2 =	vld.msk [tilespmem:s26+$0x0 ss:$0x1], vm0;
	_ =	sdelay $0x4  }
0x3a: {  	(v2sf) =	vpush v2, $0x1  }
0x3b: {  	p1 =	por $0x0, $0x0;
	s14 =	simm.s32 $0x1;
	(v2sf) =	vpush v2, $0x0  }
0x3c: {  	s14 =	simm.s32 @!p1 $0x2  }
0x3d: {  	v1 =	vmov s14  }
0x3e: {  	vm12 =	vgt.u32 v1, v0;
	_ =	sdelay $0x3  }
0x3f: {  	p2 =	por $0x0, $0x0;
	s15 =	simm.s32 $0x1  }
0x40: {  	s15 =	simm.s32 @!p2 $0x2;
	s28 =	sadd.s32 $0x1, s13  }
0x41: {  	v1 =	vmov s15;
	v3 =	vld.msk [tilespmem:s28+$0x0 ss:$0x1], vm12  }
0x42: {  	vm13 =	vgt.u32 v1, v0;
	_ =	sdelay $0x2  }
0x43: {  	p0 =	por p0, p0  }
0x44: {  	p0 =	por p0, p0;
	(v2sf) =	vpush v3, $0x1;
	s14 =	spop (v2sf)  }
0x45: {  	s29 =	sadd.s32 $0x2, s13;
	s14 =	simm.s32 @p0 $0xFFFFFFFF;
	s16 =	spop (v2sf)  }
0x46: {  	v1 =	vld.msk [tilespmem:s29+$0x0 ss:$0x1], vm13;
	(v2sf) =	vpush v3, $0x0;
	p0 =	seq.s32 s16, s14  }
0x47: {  	vm0 =	vgt.s32 @!p0 v2, $0x0  }
0x48: {  	v2 =	vnsel @!p0 vm0, $0x0, v2  }
0x49: {  	v2 =	vmin.u32 @!p0 v2, $0x270F  }
0x4a: {  	(v2sf) =	vpush @!p0 v2, $0x0  }
0x4b: {  	(v2sf) =	vpush v1, $0x1  }
0x4c: {  	s30 =	sand.u32 $0x1, s10;
	(v2sf) =	vpush v1, $0x0  }
0x4d: {  	p4 =	por $0x0, $0x0;
	s17 =	simm.s32 $0x0;
	s21 =	simm.s32 $0x14  }
0x4e: {  	s19 =	simm.s32 $0x18;
	s22 =	simm.s32 $0x1;
	s16 =	simm.s32 $0x1  }
0x4f: {  	p2 =	por p2, p2;
	p1 =	por p1, p1;
	s16 =	simm.s32 @!p4 $0x2  }
0x50: {  	p2 =	por p2, p2;
	p1 =	por p1, p1;
	s15 =	sadd.s32 $0x60, s13;
	v2 =	vmov s16  }
0x51: {  	s24 =	sadd.s32 $0x3, s13;
	s31 =	sadd.s32 $0x4, s13;
	s14 =	smul.u32 $0x30000, s30;
	vm14 =	vgt.u32 v2, v0  }
0x52: {  	s20 =	simm.s32 @!p0 $0x1;
	p5 =	por p0, p0;
	p4 =	por p4, p4  }
0x53: {  	s14 =	sshrl.u32 s14, $0x2;
	s20 =	smov.u32 @p0 s17;
	s16 =	spop (v2sf)  }
0x54: {  	s17 =	simm.s32 @!p0 $0x80;
	s16 =	simm.s32 @p1 $0xFFFFFFFF;
	p1 =	por $0x0, $0x0  }
0x55: {  	s14 =	sor.u32 $0xC0, s14;
	s22 =	simm.s32 @!p1 $0x2;
	s23 =	spop (v2sf)  }
0x56: {  	p5 =	por p5, p5;
	s18 =	sadd.s32 @!p0 $0x0, s14;
	v4 =	vmov s22;
	p3 =	seq.s32 s23, s16  }
0x57: {  	vm15 =	vgt.u32 v4, v0;
	v2 =	vld.msk [tilespmem:s24+$0x0 ss:$0x1], vm14;
	s24 =	simm.s32 $0x1C;
	s16 =	sadd.s32 @!p3 $0x1, s20;
	s22 =	sshll.u32 @!p3 s20, $0xC  }
0x58: {  	vm1 =	vgt.s32 @!p3 v3, $0x0;
	s22 =	sshra.s32 @!p3 s22, $0x2;
	s16 =	smov.u32 @p3 s20;
	s20 =	simm.s32 @!p3 $0x80  }
0x59: {  	v3 =	vnsel @!p3 vm1, $0x0, v3;
	s23 =	sadd.s32 @!p3 s22, s14;
	s22 =	spop @!p0 (v2sf);
	p0 =	por p3, p3  }
0x5a: {  	v3 =	vmin.u32 @!p3 v3, $0x270F;
	s25 =	simm.s32 @!p0 $0x0;
	s26 =	spop (v2sf);
	s28 =	sshll.u32 @!p5 s22, $0x4  }
0x5b: {  	(v2sf) =	vpush @!p3 v3, $0x0;
	s25 =	simm.s32 @p0 $0x1;
	s26 =	simm.s32 @p2 $0xFFFFFFFF;
	s29 =	spop (v2sf)  }
0x5c: {  	(v2sf) =	vpush v2, $0x1;
	s28 =	sand.u32 @!p5 $0x70, s28;
	[smem:$0x7FD] =	sst s25;
	p6 =	seq.s32 s29, s26  }
0x5d: {  	(v2sf) =	vpush v2, $0x0;
	s26 =	sshll.u32 @!p5 s22, $0x7;
	s25 =	sadd.s32 @!p5 s2, s28;
	s22 =	smov.u32 s16;
	v3 =	vld.msk [tilespmem:s31+$0x0 ss:$0x1], vm15  }
.LBB2_3:
0x5e: {  	s28 =	simm.s32 @!p3 $0x0;
	s29 =	smov.u32 s19;
	s19 =	smov.u32 s24  }
0x5f: {  	s24 =	sadd.s32 $0x4, s24;
	s30 =	smov.u32 s23;
	p0 =	por p5, p5  }
0x60: {  	s31 =	sld [smem:$0x7FD];
	s28 =	simm.s32 @p3 $0x1;
	p3 =	por p6, p6  }
0x61: {  	p2 =	sne.s32 s24, $0xC0;
	[smem:$0x7FA] =	sst s28;
	s28 =	smov.u32 s16  }
0x62: {  	vm0 =	vgt.s32 @!p6 v1, $0x0;
	s16 =	sadd.s32 @!p6 $0x1, s16;
	p6 =	por p4, p4;
	s23 =	simm.s32 @!p2 $0x0  }
0x63: {  	p4 =	por p1, p1;
	p1 =	seq.s32 s21, $0xBC;
	s23 =	simm.s32 @p2 $0x1  }
0x64: {  	s22 =	sshll.u32 @!p3 s22, $0xC;
	[smem:$0x7FB] =	sst s23;
	s23 =	simm.s32 $0x1  }
0x65: {  	s16 =	smov.u32 @p3 s28;
	s28 =	simm.s32 @!p3 $0x80;
	s23 =	simm.s32 @!p1 $0x2  }
0x66: {  	p2 =	seq.s32 s31, $0x1;
	s31 =	sshra.s32 s21, $0x2;
	v5 =	vmov s23;
	s23 =	sand.u32 @!p0 $0x1FFC00, s26  }
0x67: {  	p5 =	por p2, p2;
	p2 =	por p3, p3;
	s25 =	sadd.s32 @!p0 s23, s25  }
0x68: {  	[tilespmem:s18], [sflag:$0x1] =	stream.strided.gather @!p0 [hbm:s25], $0x400, s17, s17, $0x38;
	[tilespmem:$0x180C0] =	vst v63  }
0x69: {  	s17 =	smov.u32 s20;
	s20 =	smov.u32 s28;
	s28 =	sld [smem:$0x7FA]  }
0x6a: {  	s26 =	sshra.s32 @!p3 s22, $0x2;
	s25 =	sadd.s32 s31, s13;
	s31 =	sld [smem:$0x7FB]  }
0x6b: {  	s23 =	sadd.s32 @!p3 s26, s14;
	s26 =	simm.s32 @!p2 $0x0  }
0x6c: {  	vm15 =	vgt.u32 v5, v0;
	s26 =	simm.s32 @p2 $0x1;
	p0 =	seq.s32 s28, $0x1  }
0x6d: {  	[smem:$0x7FD] =	sst s26;
	s26 =	spop @!p0 (v2sf);
	p0 =	seq.s32 s31, $0x1  }
.Ltmp3:
0x6e: {  	v4 =	vnsel @!p3 vm0, $0x0, v1;
	(pc) =	sbr.rel @p0 .LBB2_3-.Ltmp3, $4  }
0x6f: {  	v4 =	vmin.u32 @!p3 v4, $0x270F;
	s21 =	smov.u32 s29;
	s22 =	smov.u32 s16  }
0x70: {  	(v2sf) =	vpush @!p3 v4, $0x0;
	s18 =	smov.u32 s30;
	s28 =	spop (v2sf);
	s29 =	sshll.u32 @!p5 s26, $0x4  }
0x71: {  	v1 =	vmov v2;
	v2 =	vmov v3;
	(v2sf) =	vpush v3, $0x1;
	s28 =	simm.s32 @p6 $0xFFFFFFFF;
	s30 =	spop (v2sf);
	s29 =	sand.u32 @!p5 $0x70, s29  }
0x72: {  	(v2sf) =	vpush v2, $0x0;
	v3 =	vld.msk [tilespmem:s25+$0x0 ss:$0x1], vm15;
	s26 =	sshll.u32 @!p5 s26, $0x7;
	p6 =	seq.s32 s30, s28;
	s25 =	sadd.s32 @!p5 s2, s29  }
0x73: {  	_ = 	snop  }
0x74: {  	vm0 =	vgt.s32 @!p6 v1, $0x0  }
0x75: {  	v1 =	vnsel @!p6 vm0, $0x0, v1  }
0x76: {  	v1 =	vmin.u32 @!p6 v1, $0x270F  }
0x77: {  	(v2sf) =	vpush @!p6 v1, $0x0  }
0x78: {  	(v2sf) =	vpush v3, $0x1  }
0x79: {  	p0 =	seq.s32 s21, $0xBC;
	s24 =	simm.s32 $0x1;
	(v2sf) =	vpush v3, $0x0  }
0x7a: {  	s24 =	simm.s32 @!p0 $0x2  }
0x7b: {  	v1 =	vmov s24  }
0x7c: {  	vm14 =	vgt.u32 v1, v0;
	_ =	sdelay $0x1  }
0x7d: {  	p2 =	por p4, p4  }
0x7e: {  	s31 =	sshra.s32 s21, $0x2;
	p4 =	seq.s32 s19, $0xBC;
	s24 =	spop @!p3 (v2sf)  }
0x7f: {  	s29 =	simm.s32 $0x1;
	s21 =	sadd.s32 s31, s13;
	s28 =	spop (v2sf)  }
0x80: {  	s29 =	simm.s32 @!p4 $0x2;
	s28 =	simm.s32 @p2 $0xFFFFFFFF;
	s30 =	spop (v2sf)  }
0x81: {  	v4 =	vmov s29;
	v1 =	vld.msk [tilespmem:s21+$0x0 ss:$0x1], vm14;
	p3 =	seq.s32 s30, s28  }
0x82: {  	vm1 =	vgt.u32 v4, v0;
	vm0 =	vgt.s32 @!p3 v2, $0x0  }
0x83: {  	v2 =	vnsel @!p3 vm0, $0x0, v2  }
0x84: {  	v2 =	vmin.u32 @!p3 v2, $0x270F  }
0x85: {  	p1 =	por p1, p1;
	s21 =	spop @!p6 (v2sf);
	(v2sf) =	vpush @!p3 v2, $0x0  }
0x86: {  	p1 =	por p1, p1;
	s30 =	sshra.s32 s19, $0x2;
	s28 =	spop (v2sf);
	(v2sf) =	vpush v1, $0x1  }
0x87: {  	s19 =	sadd.s32 s30, s13;
	s28 =	simm.s32 @p1 $0xFFFFFFFF;
	s31 =	spop (v2sf);
	(v2sf) =	vpush v1, $0x0  }
0x88: {  	v2 =	vld.msk [tilespmem:s19+$0x0 ss:$0x1], vm1;
	p1 =	seq.s32 s31, s28  }
0x89: {  	s30 =	sld [smem:$0x7FD];
	vm0 =	vgt.s32 @!p1 v3, $0x0  }
0x8a: {  	v3 =	vnsel @!p1 vm0, $0x0, v3  }
0x8b: {  	p2 =	por p5, p5;
	v3 =	vmin.u32 @!p1 v3, $0x270F  }
0x8c: {  	s19 =	sand.u32 @!p2 $0x1FFC00, s26;
	p5 =	seq.s32 s30, $0x1;
	(v2sf) =	vpush @!p1 v3, $0x0  }
0x8d: {  	s19 =	sadd.s32 @!p2 s19, s25;
	p5 =	por p5, p5;
	(v2sf) =	vpush v2, $0x1  }
0x8e: {  	[tilespmem:s18], [sflag:$0x1] =	stream.strided.gather @!p2 [hbm:s19], $0x400, s17, s17, $0x38;
	(v2sf) =	vpush v2, $0x0;
	[tilespmem:$0x180C0] =	vst v63  }
0x8f: {  	p0 =	por p0, p0;
	s17 =	sshll.u32 @!p5 s24, $0x4  }
0x90: {  	s18 =	sshll.u32 @!p5 s24, $0x7;
	p2 =	por p5, p5;
	s17 =	sand.u32 @!p5 $0x70, s17  }
0x91: {  	p0 =	por p0, p0;
	s18 =	sand.u32 @!p2 $0x1FFC00, s18;
	s17 =	sadd.s32 @!p5 s2, s17  }
0x92: {  	p5 =	por p6, p6;
	s17 =	sadd.s32 @!p2 s18, s17;
	s18 =	sshll.u32 @!p6 s22, $0xC  }
0x93: {  	[tilespmem:s23], [sflag:$0x1] =	stream.strided.gather @!p2 [hbm:s17], $0x400, s20, s20, $0x38;
	[tilespmem:$0x180C0] =	vst v63  }
0x94: {  	s17 =	sadd.s32 @!p6 $0x1, s16;
	p2 =	por p5, p5;
	s20 =	spop @!p3 (v2sf)  }
0x95: {  	s19 =	sshll.u32 @!p2 s21, $0x4;
	s21 =	sshll.u32 @!p2 s21, $0x7;
	s22 =	spop (v2sf)  }
0x96: {  	s19 =	sand.u32 @!p2 $0x70, s19;
	s22 =	simm.s32 @p0 $0xFFFFFFFF;
	s31 =	spop (v2sf)  }
0x97: {  	s19 =	sadd.s32 @!p2 s2, s19;
	p0 =	por p2, p2;
	p2 =	seq.s32 s31, s22  }
0x98: {  	s17 =	smov.u32 @p6 s16;
	s16 =	sshra.s32 @!p6 s18, $0x2;
	s18 =	sand.u32 @!p0 $0x1FFC00, s21;
	vm0 =	vgt.s32 @!p2 v1, $0x0  }
0x99: {  	s16 =	sadd.s32 @!p6 s16, s14;
	s21 =	simm.s32 @!p6 $0x80;
	s18 =	sadd.s32 @!p0 s18, s19;
	v1 =	vnsel @!p2 vm0, $0x0, v1  }
0x9a: {  	[tilespmem:s16], [sflag:$0x1] =	stream.strided.gather @!p0 [hbm:s18], $0x400, s21, s21, $0x38;
	v1 =	vmin.u32 @!p2 v1, $0x270F;
	[tilespmem:$0x180C0] =	vst v63  }
0x9b: {  	p4 =	por p4, p4;
	p5 =	por p3, p3;
	s18 =	spop @!p1 (v2sf);
	(v2sf) =	vpush @!p2 v1, $0x0  }
0x9c: {  	s16 =	sadd.s32 @!p3 $0x1, s17;
	p0 =	por p4, p4;
	s19 =	spop (v2sf)  }
0x9d: {  	s16 =	smov.u32 @p3 s17;
	s19 =	simm.s32 @p0 $0xFFFFFFFF;
	s24 =	spop (v2sf)  }
0x9e: {  	s17 =	sshll.u32 @!p3 s17, $0xC;
	p0 =	por p5, p5;
	p4 =	seq.s32 s24, s19  }
0x9f: {  	p6 =	por p1, p1;
	s17 =	sshra.s32 @!p3 s17, $0x2;
	s21 =	sshll.u32 @!p0 s20, $0x4;
	vm0 =	vgt.s32 @!p4 v2, $0x0  }
0xa0: {  	s20 =	sshll.u32 @!p0 s20, $0x7;
	p5 =	por p0, p0;
	s21 =	sand.u32 @!p0 $0x70, s21;
	v1 =	vnsel @!p4 vm0, $0x0, v2  }
0xa1: {  	s17 =	sadd.s32 @!p3 s17, s14;
	s20 =	sand.u32 @!p5 $0x1FFC00, s20;
	s21 =	sadd.s32 @!p0 s2, s21;
	v1 =	vmin.u32 @!p4 v1, $0x270F  }
0xa2: {  	s19 =	simm.s32 @!p3 $0x80;
	p0 =	por p6, p6;
	s20 =	sadd.s32 @!p5 s20, s21;
	(v2sf) =	vpush @!p4 v1, $0x0  }
0xa3: {  	[tilespmem:s17], [sflag:$0x1] =	stream.strided.gather @!p5 [hbm:s20], $0x400, s19, s19, $0x38;
	[tilespmem:$0x180C0] =	vst v63  }
0xa4: {  	p3 =	por p0, p0;
	s19 =	sshll.u32 @!p0 s18, $0x4  }
0xa5: {  	s17 =	sshll.u32 @!p1 s16, $0xC;
	s18 =	sshll.u32 @!p0 s18, $0x7;
	s19 =	sand.u32 @!p0 $0x70, s19  }
0xa6: {  	s17 =	sshra.s32 @!p1 s17, $0x2;
	s18 =	sand.u32 @!p3 $0x1FFC00, s18;
	s19 =	sadd.s32 @!p0 s2, s19  }
0xa7: {  	s20 =	simm.s32 @!p1 $0x80;
	s17 =	sadd.s32 @!p1 s17, s14;
	s18 =	sadd.s32 @!p3 s18, s19  }
0xa8: {  	[tilespmem:s17], [sflag:$0x1] =	stream.strided.gather @!p3 [hbm:s18], $0x400, s20, s20, $0x38;
	[tilespmem:$0x180C0] =	vst v63  }
0xa9: {  	p5 =	por p2, p2;
	s17 =	sadd.s32 @!p1 $0x1, s16  }
0xaa: {  	p0 =	por p5, p5;
	s17 =	smov.u32 @p1 s16;
	s16 =	spop @!p2 (v2sf)  }
0xab: {  	p1 =	por p0, p0;
	s19 =	sshll.u32 @!p0 s16, $0x4  }
0xac: {  	s18 =	sshll.u32 @!p2 s17, $0xC;
	s16 =	sshll.u32 @!p0 s16, $0x7;
	s19 =	sand.u32 @!p0 $0x70, s19  }
0xad: {  	s18 =	sshra.s32 @!p2 s18, $0x2;
	s16 =	sand.u32 @!p1 $0x1FFC00, s16;
	s19 =	sadd.s32 @!p0 s2, s19  }
0xae: {  	s20 =	simm.s32 @!p2 $0x80;
	s18 =	sadd.s32 @!p2 s18, s14;
	s16 =	sadd.s32 @!p1 s16, s19  }
0xaf: {  	[tilespmem:s18], [sflag:$0x1] =	stream.strided.gather @!p1 [hbm:s16], $0x400, s20, s20, $0x38;
	[tilespmem:$0x180C0] =	vst v63  }
0xb0: {  	p6 =	por p4, p4;
	s16 =	sadd.s32 @!p2 $0x1, s17  }
0xb1: {  	p0 =	por p6, p6;
	s18 =	spop @!p4 (v2sf);
	s16 =	smov.u32 @p2 s17  }
0xb2: {  	s17 =	sshll.u32 @!p0 s18, $0x4;
	s19 =	sadd.s32 @!p4 $0x1, s16  }
0xb3: {  	s20 =	sshll.u32 @!p4 s16, $0xC;
	s18 =	sshll.u32 @!p0 s18, $0x7;
	s17 =	sand.u32 @!p0 $0x70, s17  }
0xb4: {  	s19 =	smov.u32 @p4 s16;
	s17 =	sadd.s32 @!p0 s2, s17;
	p0 =	por p0, p0  }
0xb5: {  	s16 =	sshra.s32 @!p4 s20, $0x2;
	s20 =	simm.s32 @!p4 $0x80;
	s18 =	sand.u32 @!p0 $0x1FFC00, s18  }
0xb6: {  	s16 =	sadd.s32 @!p4 s16, s14;
	s25 =	sshll.u32 s19, $0xA;
	s17 =	sadd.s32 @!p0 s18, s17  }
0xb7: {  	[tilespmem:s16], [sflag:$0x1] =	stream.strided.gather @!p0 [hbm:s17], $0x400, s20, s20, $0x38;
	[tilespmem:$0x180C0] =	vst v63  }
0xb8: {  	s16 =	sand.u32 $0x3FFFFC00, s25  }
0xb9: {  	_ =	swait.ge [sflag:s4], s16  }
0xba: {  	s16 =	ssub.s32 $0x0, s16;
	[sflag:s4] =	ssyncset.done $0x0  }
0xbb: {  	s26 =	sadd.s32 $0x0, s15;
	[sflag:s4] =	ssyncadd.s32 s16  }
0xbc: {  	v1 =	vld.msk [tilespmem:s26+$0x0 ss:$0x1], $0x1;
	_ =	sdelay $0x4  }
0xbd: {  	(v2sf) =	vpush v1, $0x0;
	_ =	sdelay $0xc  }
0xbe: {  	p0 =	por $0x0, $0x0;
	s16 =	simm.s32 $0x1  }
0xbf: {  	s16 =	simm.s32 @!p0 $0x2  }
0xc0: {  	v1 =	vmov s16;
	s28 =	spop (v2sf)  }
0xc1: {  	vm15 =	vgt.u32 v1, v0;
	s29 =	sshll.u32 s28, $0xA;
	s17 =	sshll.u32 s28, $0x7  }
0xc2: {  	s16 =	sand.u32 $0xFFFFE000, s29;
	s17 =	sand.u32 $0x380, s17  }
0xc3: {  	s16 =	sor.u32 s17, s16  }
0xc4: {  	s30 =	sadd.s32 $0x0, s14;
	s31 =	sadd.s32 $0x0, s13;
	s16 =	sshrl.u32 s16, $0x3  }
0xc5: {  	s19 =	simm.s32 $0x8;
	s18 =	simm.s32 $0x4;
	s16 =	sadd.s32 s7, s16  }
0xc6: {  	[hbm:s16] =	stream.strided.scatter [tilespmem:s30], [sflag:$0x3], $0x400, s11, s11, $0x38;
	[tilespmem:$0x180C0] =	vst v63  }
0xc7: {  	p1 =	por p0, p0;
	s17 =	simm.s32 $0x1;
	s16 =	simm.s32 $0x0;
	v1 =	vld.msk [tilespmem:s31+$0x0 ss:$0x1], vm15  }
.LBB2_5:
0xc8: {  	p2 =	sne.s32 s19, $0xBC;
	s20 =	sadd.s32 s17, s15  }
0xc9: {  	v2 =	vld.msk [tilespmem:s20+$0x0 ss:$0x1], $0x1;
	_ =	sdelay $0x3  }
0xca: {  	(v2sf) =	vpush v1, $0x1  }
0xcb: {  	(v2sf) =	vpush v1, $0x0  }
0xcc: {  	(v2sf) =	vpush v2, $0x0;
	_ =	sdelay $0xb  }
0xcd: {  	p0 =	seq.s32 s18, $0xBC;
	s18 =	smov.u32 s19;
	s20 =	simm.s32 $0x1  }
0xce: {  	s20 =	simm.s32 @!p0 $0x2;
	s21 =	spop (v2sf)  }
0xcf: {  	s21 =	simm.s32 @p1 $0xFFFFFFFF;
	s22 =	spop (v2sf);
	p1 =	por p0, p0  }
0xd0: {  	v1 =	vmov s20;
	s20 =	spop (v2sf);
	p0 =	sne.s32 s22, s21;
	s22 =	simm.s32 $0x1  }
0xd1: {  	vm0 =	vgt.u32 v1, v0;
	s21 =	sshll.u32 s20, $0xA;
	s20 =	sshll.u32 s20, $0x7;
	s22 =	simm.s32 @!p0 $0x0  }
0xd2: {  	s21 =	sand.u32 $0xFFFFE000, s21;
	s20 =	sand.u32 $0x380, s20;
	s16 =	sadd.s32 s22, s16  }
.Ltmp4:
0xd3: {  	s20 =	sor.u32 s20, s21;
	s21 =	sshll.u32 s16, $0xC;
	(pc) =	sbr.rel @p2 .LBB2_5-.Ltmp4, $4  }
0xd4: {  	s20 =	sshrl.u32 s20, $0x3;
	s21 =	sshra.s32 s21, $0x2  }
0xd5: {  	s22 =	sadd.s32 s17, s13;
	s21 =	sadd.s32 s21, s14;
	s20 =	sadd.s32 s7, s20  }
0xd6: {  	[hbm:s20] =	stream.strided.scatter [tilespmem:s21], [sflag:$0x3], $0x400, s11, s11, $0x38;
	[tilespmem:$0x180C0] =	vst v63  }
0xd7: {  	s19 =	sadd.s32 $0x4, s19;
	s17 =	sshra.s32 s18, $0x2;
	v1 =	vld.msk [tilespmem:s22+$0x0 ss:$0x1], vm0  }
.Ltmp5:
0xd8: {  	_ = 	snop;
	(pc) =	sbr.rel .LBB2_6-.Ltmp5, $1  }
0xd9: {  	_ =	sdelay $0x3  }
.LBB2_8:
0xda: {  	_ =	sfence.sel $0x180000  }
0xdb: {  	s2 =	simm.s32 $0x2;
	[bflag:$0x0] =	sbarrier.arrive $0xFFFF  }
0xdc: {  	s30 =	simm.s32 $0x3;
	[sflag:s2] =	ssyncpa.u1 $0x1  }
0xdd: {  	s31 =	simm.s32 $0x1;
	[sflag:s30] =	ssyncpa.u1 $0x1  }
0xde: {  	[sflag:s31] =	ssyncpa.u1 $0x1  }
0xdf: {  	p0 =	sne.s32 s1, $0x0;
	_ =	strace $0x90000050  }
0xe0: {  	s0 =	sadd.s32 @!p0 $0x100000, s0;
	[bflag:$0x2] =	sbarrier.arrive $0xFFFF  }
0xe1: {  	[sflag:s0] =	ssyncadd.tile.s32 @!p0 $0x1;
	_ =	shalt  }
.Lfunc_end2:
_tile_overlayer_lowered:
.L_overlay_start_2:
0xe2: {  	(tag) =	ssettag $0x2  }
0xe3: {  	s0 =	rddreg [dreg:$0x0];
	s2 =	stileid.u32  }
0xe4: {  	s1 =	rddreg [dreg:$0x1];
	p0 =	sne.s32 s2, $0x0  }
0xe5: {  	s3 =	rddreg [dreg:$0x2];
	[bflag:$0x3] =	sbarrier.arrive $0xFFFF;
	s2 =	simm.s32 @!p0 $0x1C01  }
0xe6: {  	[timem:s3], [sflag:s2] =	dma.local @!p0 [hbm:s0], s1  }
0xe7: {  	s0 =	simm.s32 @!p0 $0x1  }
0xe8: {  	_ =	swait.ge @!p0 [sflag:s0], s1  }
0xe9: {  	s1 =	ssub.s32 @!p0 $0x0, s1;
	[sflag:s0] =	ssyncset.done @!p0 $0x0  }
0xea: {  	[sflag:s0] =	ssyncadd.s32 @!p0 s1  }
0xeb: {  	[bflag:$0x3] =	sbarrier.arrive $0xFFFF  }
0xec: {  	_ =	shalt  }

// kernel: gather_offload_async_start
scs
__scs_entry_jumppad:
0x0: {  	(pc) =	sbr.rel $0x88, $3  }
0x1: {  	(tag) =	ssettag $0x0;
	lr =	simm.s32 $0x1  }
0x2: {  	[smem:$0x3F8F] =	sst lr;
	_ =	strace $0xD0000000  }
0x3: {  	_ = 	snop  }
0x4: {  	_ = 	snop  }
0x5: {  	_ = 	snop  }
0x6: {  	_ = 	snop  }
0x7: {  	_ = 	snop  }
__scs_overlays_trampoline_lowered:
0x8: {  	[smem:$0x3F9E] =	sst s0  }
0x9: {  	[smem:$0x3F9F] =	sst s1  }
0xa: {  	[smem:$0x3FA0] =	sst s2  }
0xb: {  	[smem:$0x3FA1] =	sst s3  }
0xc: {  	[smem:$0x3FA2] =	sst s4  }
0xd: {  	[smem:$0x3FA3] =	sst s5  }
0xe: {  	[smem:$0x3FA4] =	sst s6  }
0xf: {  	[smem:$0x3FA5] =	sst s7  }
0x10: {  	[smem:$0x3FA6] =	sst s8  }
0x11: {  	[smem:$0x3FA7] =	sst s9;
	s0 =	simm.s32 @!p0 $0x0  }
0x12: {  	s1 =	sld [smem:$0x3F8D];
	s0 =	simm.s32 @p0 $0x1  }
0x13: {  	[smem:$0x3FA8] =	sst s0;
	s0 =	simm.s32 @!p1 $0x0  }
0x14: {  	s2 =	sld [smem:$0x3F8C];
	s0 =	simm.s32 @p1 $0x1  }
0x15: {  	[smem:$0x3FA9] =	sst s0;
	s0 =	simm.s32 @!p2 $0x0  }
0x16: {  	s3 =	sld [smem:$0x3FDB];
	s0 =	simm.s32 @p2 $0x1  }
0x17: {  	s4 =	simm.s32 $0x1BF5;
	[smem:$0x3FAB] =	sst s0  }
0x18: {  	s0 =	sld [smem:$0x3F8E];
	_ =	swait.ge [sflag:s4], $0x0  }
0x19: {  	s7 =	sld [smem:$0x3F8F]  }
0x1a: {  	s8 =	sadd.s32 $0xFFFFE003, lr  }
0x1b: {  	s9 =	sadd.s32 $0xFFFFFEF7, lr;
	s5 =	simm.s32 $0xFFFFFFFF;
	p2 =	slt.u32 s8, $0xFFFFF086  }
0x1c: {  	p1 =	slt.u32 s9, $0xF7A;
	s5 =	simm.s32 @!p2 $0x0  }
0x1d: {  	s5 =	simm.s32 @p1 $0x1;
	p0 =	seq.s32 s7, s2  }
0x1e: {  	s7 =	smul.u32 @!p0 $0xF7A, s2;
	p2 =	seq.s32 @!p0 s5, $0x0  }
0x1f: {  	s9 =	smul.u32 $0xF7A, s1;
	s8 =	simm.s32 @!p0 $0x1BF5;
	p2 =	por !p2, p0  }
0x20: {  	[sflag:s8] =	ssyncset.s32 @!p0 $0xFFFFF086;
	s6 =	sadd.s32 @!p0 s3, s7;
	s7 =	simm.s32 @!p0 $0x108  }
0x21: {  	s3 =	sadd.s32 s3, s9;
	s6 =	sadd.s32 @!p0 $0x88, s6;
	s7 =	simm.s32 @p2 $0x1082  }
0x22: {  	[simem:s7], [sflag:s8] =	dma.local @!p0 [hbm:s6], $0xF7A  }
0x23: {  	s9 =	sor.u32 $0xD0000000, s2;
	s6 =	simm.s32 $0x108;
	_ =	swait.ge @!p0 [sflag:s8], $0x0  }
0x24: {  	s3 =	sadd.s32 $0x88, s3;
	s6 =	simm.s32 @!p1 $0x1082;
	[sflag:s4] =	ssyncset.s32 $0xFFFFF086  }
0x25: {  	[simem:s6], [sflag:s4] =	dma.local [hbm:s3], $0xF7A  }
0x26: {  	[smem:$0x3F8F] =	sst s1;
	(tag) =	ssettag s2;
	_ =	strace s9  }
0x27: {  	s1 =	sld [smem:$0x3F9F]  }
0x28: {  	s2 =	sld [smem:$0x3FA0]  }
0x29: {  	s4 =	sld [smem:$0x3FA2]  }
0x2a: {  	p0 =	seq.s32 s5, $0x0;
	s5 =	sld [smem:$0x3FA3]  }
0x2b: {  	s6 =	sld [smem:$0x3FA4]  }
0x2c: {  	s7 =	sld [smem:$0x3FA5]  }
0x2d: {  	s3 =	simm.s32 $0x108;
	s8 =	sld [smem:$0x3FA6]  }
0x2e: {  	s3 =	simm.s32 @!p0 $0x1082;
	s9 =	sld [smem:$0x3FA7]  }
0x2f: {  	lr =	sadd.s32 s0, s3;
	s0 =	sld [smem:$0x3F9E]  }
0x30: {  	s3 =	sld [smem:$0x3FA1]  }
0x31: {  	[smem:$0x3FAA] =	sst s10  }
0x32: {  	s10 =	sld [smem:$0x3FA8];
	_ =	sdelay $0x3  }
0x33: {  	p0 =	seq.s32 s10, $0x1;
	s10 =	sld [smem:$0x3FAA];
	_ =	sdelay $0x3  }
0x34: {  	[smem:$0x3FAA] =	sst s10  }
0x35: {  	s10 =	sld [smem:$0x3FA9];
	_ =	sdelay $0x3  }
0x36: {  	p1 =	seq.s32 s10, $0x1;
	s10 =	sld [smem:$0x3FAA];
	_ =	sdelay $0x3  }
0x37: {  	[smem:$0x3FAA] =	sst s10  }
0x38: {  	s10 =	sld [smem:$0x3FAB]  }
0x39: {  	_ = 	snop;
	(pc) =	sbr.ind lr, $3  }
0x3a: {  	_ = 	snop  }
0x3b: {  	_ = 	snop  }
0x3c: {  	p2 =	seq.s32 s10, $0x1;
	s10 =	sld [smem:$0x3FAA]  }
0x3d: {  	_ =	shalt  }
0x3e: {  	_ =	shalt  }
0x3f: {  	_ =	shalt  }
0x40: {  	_ =	shalt  }
0x41: {  	_ =	shalt  }
0x42: {  	_ =	shalt  }
0x43: {  	_ =	shalt  }
0x44: {  	_ =	shalt  }
0x45: {  	_ =	shalt  }
0x46: {  	_ =	shalt  }
0x47: {  	_ =	shalt  }
0x48: {  	_ =	shalt  }
0x49: {  	_ =	shalt  }
0x4a: {  	_ =	shalt  }
0x4b: {  	_ =	shalt  }
0x4c: {  	_ =	shalt  }
0x4d: {  	_ =	shalt  }
0x4e: {  	_ =	shalt  }
0x4f: {  	_ =	shalt  }
0x50: {  	_ =	shalt  }
0x51: {  	_ =	shalt  }
0x52: {  	_ =	shalt  }
0x53: {  	_ =	shalt  }
0x54: {  	_ =	shalt  }
0x55: {  	_ =	shalt  }
0x56: {  	_ =	shalt  }
0x57: {  	_ =	shalt  }
0x58: {  	_ =	shalt  }
0x59: {  	_ =	shalt  }
0x5a: {  	_ =	shalt  }
0x5b: {  	_ =	shalt  }
0x5c: {  	_ =	shalt  }
0x5d: {  	_ =	shalt  }
0x5e: {  	_ =	shalt  }
0x5f: {  	_ =	shalt  }
0x60: {  	_ =	shalt  }
0x61: {  	_ =	shalt  }
0x62: {  	_ =	shalt  }
0x63: {  	_ =	shalt  }
0x64: {  	_ =	shalt  }
0x65: {  	_ =	shalt  }
0x66: {  	_ =	shalt  }
0x67: {  	_ =	shalt  }
0x68: {  	_ =	shalt  }
0x69: {  	_ =	shalt  }
0x6a: {  	_ =	shalt  }
0x6b: {  	_ =	shalt  }
0x6c: {  	_ =	shalt  }
0x6d: {  	_ =	shalt  }
0x6e: {  	_ =	shalt  }
0x6f: {  	_ =	shalt  }
0x70: {  	_ =	shalt  }
0x71: {  	_ =	shalt  }
0x72: {  	_ =	shalt  }
0x73: {  	_ =	shalt  }
0x74: {  	_ =	shalt  }
0x75: {  	_ =	shalt  }
0x76: {  	_ =	shalt  }
0x77: {  	_ =	shalt  }
0x78: {  	_ =	shalt  }
0x79: {  	_ =	shalt  }
0x7a: {  	_ =	shalt  }
0x7b: {  	_ =	shalt  }
0x7c: {  	_ =	shalt  }
0x7d: {  	_ =	shalt  }
0x7e: {  	_ =	shalt  }
0x7f: {  	_ =	shalt  }
0x80: {  	_ =	shalt  }
0x81: {  	_ =	shalt  }
0x82: {  	_ =	shalt  }
0x83: {  	_ =	shalt  }
0x84: {  	_ =	shalt  }
0x85: {  	_ =	shalt  }
0x86: {  	_ =	shalt  }
0x87: {  	_ =	shalt  }
.Lfunc_end0:
.L_simem_size_0:
called_computation_lowered:
.L_overlay_start_0:
0x88: {  	s2 =	sld [smem:$0x3FD9]  }
0x89: {  	s3 =	sld [smem:$0x3FFE];
	_ =	sdelay $0x1  }
0x8a: {  	s1 =	srdreg.scid  }
0x8b: {  	s0 =	sand.u32 $0x1, s1  }
0x8c: {  	s17 =	sshll.u32 s0, $0xA;
	s2 =	sadd.s32 s3, s2  }
0x8d: {  	s2 =	sadd.s32 s2, s17  }
0x8e: {  	[smem:$0x3FB6] =	sst s2  }
0x8f: {  	_ = 	snop  }
0x90: {  	(tm) =	ssettm $0x1  }
0x91: {  	s18 =	sld [smem:$0x3FFB];
	_ =	sdelay $0x3  }
0x92: {  	_ =	strace s18  }
0x93: {  	s2 =	sld [smem:$0x3FFC];
	_ =	sdelay $0x3  }
0x94: {  	_ =	strace s2  }
0x95: {  	s2 =	sld [smem:$0x3FFD];
	_ =	sdelay $0x3  }
0x96: {  	_ =	strace s2  }
0x97: {  	_ =	strace $0x8FFFFFFF  }
0x98: {  	s19 =	sld [smem:$0x3FDB];
	_ =	sdelay $0x1  }
0x99: {  	s20 =	simm.s32 $_scs_section_size  }
0x9a: {  	s4 =	simm.s32 $_size__tile_overlayer_lowered;
	s5 =	simm.s32 $_tile_overlayer_lowered  }
0x9b: {  	s6 =	simm.s32 $0x1BFF;
	s21 =	sshll.u32 s5, $0x1;
	s3 =	sadd.s32 s20, s19  }
0x9c: {  	s22 =	simm.s32 $0x0;
	s4 =	sshll.u32 s4, $0x1;
	s5 =	sadd.s32 s21, s3  }
0x9d: {  	[timem:s22], [sflag:s6] =	dma.local [hbm:s5], s4  }
0x9e: {  	_ =	swait.ge [sflag:s6], s4  }
0x9f: {  	s4 =	ssub.s32 $0x0, s4;
	[sflag:s6] =	ssyncset.done $0x0  }
0xa0: {  	[sflag:s6] =	ssyncadd.s32 s4;
	_ =	sdelay $0x1  }
0xa1: {  	s23 =	simm.s32 $0x1B8B  }
0xa2: {  	_ =	swait.ge [sflag:s23], $0x1  }
0xa3: {  	[sflag:s23] =	ssyncset.done $0x0  }
0xa4: {  	[sflag:s23] =	ssyncadd.s32 $0xFFFFFFFF  }
0xa5: {  	s4 =	sld [smem:$0x0]  }
0xa6: {  	s5 =	sand.u32 $0xFFFFFFFE, s1  }
0xa7: {  	p0 =	sne.s32 s1, s5  }
0xa8: {  	s5 =	sshll.u32 @p0 s5, $0xE  }
0xa9: {  	s5 =	sadd.s32 @p0 $0x11B8D, s5;
	s6 =	sshll.u32 @p0 s4, $0x11  }
0xaa: {  	s5 =	sor.u32 @p0 s6, s5  }
0xab: {  	[sflag:s5] =	ssyncadd.remote.s32 @p0 $0x1;
	_ =	sdelay $0x1  }
0xac: {  	s5 =	simm.s32 @p0 $0x1B8D  }
0xad: {  	_ =	swait.eq @p0 [sflag:s5], $0x1  }
0xae: {  	[sflag:s5] =	ssyncadd.s32 @p0 $0xFFFFFFFF  }
0xaf: {  	s6 =	sshll.u32 @!p0 s1, $0xE  }
0xb0: {  	s6 =	sor.u32 @!p0 $0x4000, s6;
	s5 =	simm.s32 @!p0 $0x1B8D  }
0xb1: {  	s4 =	sshll.u32 @!p0 s4, $0x11;
	s6 =	sadd.s32 @!p0 $0x11B8D, s6;
	_ =	swait.eq @!p0 [sflag:s5], $0x1  }
0xb2: {  	s4 =	sor.u32 @!p0 s4, s6;
	[sflag:s5] =	ssyncadd.s32 @!p0 $0xFFFFFFFF  }
0xb3: {  	s25 =	simm.s32 $0x1B8E;
	s24 =	sld [smem:$0x3FFE];
	[sflag:s4] =	ssyncadd.remote.s32 @!p0 $0x1  }
0xb4: {  	s26 =	simm.s32 $execute0_lowered;
	[smem:$0x3FD2] =	sst s25  }
0xb5: {  	s5 =	sshll.u32 s26, $0x1;
	_ =	strace $0x80000049;
	[dreg:$0x1] =	wrdreg $0xFFFFFFFF  }
0xb6: {  	s28 =	simm.s32 $_size_execute0_lowered;
	s3 =	sadd.s32 s3, s5;
	[dreg:$0x0] =	wrdreg $0x0  }
0xb7: {  	s5 =	sshll.u32 s28, $0x1;
	[dreg:$0x2] =	wrdreg s3  }
0xb8: {  	[dreg:$0x3] =	wrdreg s5  }
0xb9: {  	[dreg:$0x4] =	wrdreg $0xC0  }
0xba: {  	_ =	task [dreg:s22], $0x5FFFF  }
0xbb: {  	[dreg:$0x1] =	wrdreg $0xFFFFFFFF  }
0xbc: {  	[dreg:$0x0] =	wrdreg $0x60  }
0xbd: {  	[dreg:$0x2] =	wrdreg s24  }
0xbe: {  	[dreg:$0x3] =	wrdreg $0x9  }
0xbf: {  	_ =	task.clear_ibuf [dreg:s22], $0x4FFFF;
	_ =	strace $0x90000049  }
0xc0: {  	s29 =	simm.s32 $0x9;
	_ =	strace $0x8000004B  }
0xc1: {  	_ =	swait.ge [sflag:s29], $0x1  }
0xc2: {  	[sflag:s29] =	ssyncadd.s32 $0xFFFFFFFF  }
0xc3: {  	_ =	strace $0x9000004B  }
0xc4: {  	_ =	sfence  }
0xc5: {  	s30 =	sld [smem:$0x0];
	_ =	sdelay $0x2  }
0xc6: {  	s31 =	sshll.u32 s1, $0xD;
	s1 =	sshrl.u32 s1, $0x2  }
0xc7: {  	s4 =	sand.u32 $0x4000, s31;
	s1 =	sadd.s32 s1, s30  }
0xc8: {  	s0 =	sor.u32 s4, s0;
	s1 =	sshll.u32 s1, $0x11  }
0xc9: {  	s0 =	sor.u32 s1, s0  }
0xca: {  	s0 =	sadd.s32 $0x8F2B, s0  }
0xcb: {  	[sflag:s0] =	ssyncadd.remote.s32 $0x1  }
0xcc: {  	_ =	sfence.sel $0xFFFF  }
0xcd: {  	[dreg:$0x0] =	wrdreg $0xFFFFFFFF;
	(pc) =	sbr.abs _section_cstart, $3  }
0xce: {  	[dreg:$0x1] =	wrdreg $0xFFFFFFFF  }
0xcf: {  	_ =	task.clear_ibuf [dreg:s22], $0x2FFFF;
	_ =	strace $0x9FFFFFFF  }
0xd0: {  	(tm) =	ssettm $0x7FFFFFFF  }
0xd1: {  	_ =	shalt  }
tec
execute0_lowered:
.L_overlay_start_1:
0x0: {  	(tag) =	ssettag $0x1  }
0x1: {  	s8 =	rddreg [dreg:$0x0]  }
0x2: {  	s0 =	rddreg [dreg:$0x1];
	s1 =	srdreg.scid;
	_ =	strace $0x8000004A  }
0x3: {  	s4 =	simm.s32 $0x1;
	s6 =	simm.s32 $0x2;
	s10 =	simm.s32 $0x3  }
0x4: {  	p3 =	por $0x0, $0x0;
	s11 =	simm.s32 $0x80;
	s3 =	sshll.u32 s1, $0x4  }
.Ltmp0:
0x5: {  	s1 =	stileid.u32;
	s5 =	sand.u32 $0x10, s3;
	(pc) =	sbr.rel .LBB2_1-.Ltmp0, $4  }
0x6: {  	s2 =	sadd.s32 $0x600, s8;
	[sflag:s4] =	ssyncpa.u1 $0x0;
	s5 =	sor.u32 s1, s5  }
0x7: {  	s7 =	sadd.s32 $0x179200, s8;
	[sflag:s6] =	ssyncpa.u1 $0x0;
	s5 =	smul.u32 $0x2880, s5  }
0x8: {  	s3 =	sadd.s32 $0x164E00, s8;
	s8 =	sadd.s32 $0x16F000, s8;
	[sflag:s10] =	ssyncpa.u1 $0x0  }
0x9: {  	v0 =	vlaneseq.u32;
	s10 =	simm.s32 $0x0;
	s9 =	sadd.s32 $0x2880, s5;
	s12 =	smov.u32 s5  }
.LBB2_6:
0xa: {  	s15 =	sadd.s32 s17, s15  }
0xb: {  	v2 =	vld.msk [tilespmem:s15+$0x0 ss:$0x1], $0x1;
	_ =	sdelay $0x2  }
0xc: {  	(v2sf) =	vpush v1, $0x1  }
0xd: {  	(v2sf) =	vpush v1, $0x0  }
0xe: {  	(v2sf) =	vpush v2, $0x0;
	_ =	sdelay $0xc  }
0xf: {  	p0 =	seq.s32 s18, $0xBC;
	s15 =	simm.s32 $0x1;
	s18 =	spop (v2sf)  }
0x10: {  	s15 =	simm.s32 @!p0 $0x2;
	s18 =	simm.s32 @p1 $0xFFFFFFFF;
	s19 =	spop (v2sf)  }
0x11: {  	v1 =	vmov s15;
	p0 =	sne.s32 s19, s18;
	s18 =	simm.s32 $0x1;
	s28 =	spop (v2sf)  }
0x12: {  	vm0 =	vgt.u32 v1, v0;
	s18 =	simm.s32 @!p0 $0x0;
	s29 =	sshll.u32 s28, $0xA;
	s15 =	sshll.u32 s28, $0x7  }
0x13: {  	s16 =	sadd.s32 s18, s16;
	s19 =	sand.u32 $0xFFFFE000, s29;
	s15 =	sand.u32 $0x380, s15  }
0x14: {  	s16 =	sshll.u32 s16, $0xC;
	s15 =	sor.u32 s15, s19  }
0x15: {  	s16 =	sshra.s32 s16, $0x2;
	s15 =	sshrl.u32 s15, $0x3  }
0x16: {  	s13 =	sadd.s32 s17, s13;
	s14 =	sadd.s32 s16, s14;
	s15 =	sadd.s32 s7, s15  }
0x17: {  	[hbm:s15] =	stream.strided.scatter [tilespmem:s14], [sflag:$0x3], $0x400, s11, s11, $0x38;
	[tilespmem:$0x180C0] =	vst v63  }
0x18: {  	v1 =	vld.msk [tilespmem:s13+$0x0 ss:$0x1], vm0;
	_ =	sdelay $0x4  }
0x19: {  	(v2sf) =	vpush v1, $0x1  }
0x1a: {  	(v2sf) =	vpush v1, $0x0;
	_ =	sdelay $0xb  }
0x1b: {  	s13 =	sld [smem:$0x7FC];
	_ =	sdelay $0x1  }
0x1c: {  	s30 =	spop (v2sf)  }
0x1d: {  	p3 =	seq.s32 s13, $0x1;
	s31 =	spop (v2sf)  }
.LBB2_7:
0x1e: {  	p0 =	slt.u32 s10, $0x2;
	s10 =	sadd.s32 $0x1, s10  }
0x1f: {  	p2 =	sne.s32 s10, $0xDA  }
.Ltmp1:
0x20: {  	_ = 	snop;
	(pc) =	sbr.rel @!p2 .LBB2_8-.Ltmp1, $4  }
0x21: {  	s13 =	simm.s32 @!p0 $0x3  }
0x22: {  	s14 =	sadd.s32 $0x30, s12;
	_ =	swait.ge @!p0 [sflag:s13], $0xC000  }
0x23: {  	s12 =	smov.u32 s5;
	p1 =	slt.s32 s14, s9;
	[sflag:s13] =	ssyncset.done @!p0 $0x0  }
0x24: {  	p3 =	por !p3, !p3;
	s12 =	smov.u32 @p1 s14;
	[sflag:s13] =	ssyncadd.s32 @!p0 $0xFFFF4000  }
.LBB2_1:
0x25: {  	p0 =	sgt.u32 s10, $0xD7  }
0x26: {  	s13 =	sxor.u32 @!p0 $0xFFFFFFFF, s10  }
0x27: {  	s13 =	sand.u32 @!p0 $0x1, s13  }
0x28: {  	s14 =	sshrl.u32 @!p0 s12, $0x3;
	s13 =	smul.u32 @!p0 $0x30, s13  }
0x29: {  	s16 =	sand.u32 @!p0 $0x7, s12;
	s15 =	sadd.s32 @!p0 s3, s14  }
0x2a: {  	[tilespmem:s13], [sflag:$0x2] =	stream.linear.gather @!p0 [hbm4b:s15+s16], $0x30, $0x38;
	[tilespmem:$0x180C0] =	vst v63  }
0x2b: {  	s31 =	sadd.s32 $0xFFFFFFFF, s10;
	s14 =	sadd.s32 @!p0 s8, s14;
	s13 =	sadd.s32 @!p0 $0x60, s13  }
0x2c: {  	[tilespmem:s13], [sflag:$0x2] =	stream.linear.gather @!p0 [hbm4b:s14+s16], $0x30, $0x38;
	[tilespmem:$0x180C0] =	vst v63  }
0x2d: {  	p0 =	sgt.u32 s31, $0xD7  }
.Ltmp2:
0x2e: {  	_ = 	snop;
	(pc) =	sbr.rel @p0 .LBB2_7-.Ltmp2, $1  }
0x2f: {  	_ =	sdelay $0x3  }
0x30: {  	p0 =	por $0x0, $0x0;
	s13 =	simm.s32 $0x1  }
0x31: {  	s13 =	simm.s32 @!p0 $0x2  }
0x32: {  	v1 =	vmov s13  }
0x33: {  	s14 =	simm.s32 @!p3 $0x0;
	s13 =	simm.s32 $0x1;
	vm0 =	vgt.u32 v1, v0  }
0x34: {  	s14 =	simm.s32 @p3 $0x1;
	s13 =	simm.s32 @!p3 $0x0  }
0x35: {  	[smem:$0x7FC] =	sst s14;
	s13 =	smul.u32 $0xC0, s13  }
0x36: {  	_ =	swait.ge [sflag:s6], $0x60  }
0x37: {  	[sflag:s6] =	ssyncset.done $0x0;
	s13 =	sshrl.u32 s13, $0x2  }
0x38: {  	[sflag:s6] =	ssyncadd.s32 $0xFFFFFFA0;
	s26 =	sadd.s32 $0x0, s13  }
0x39: {  	v2 =	vld.msk [tilespmem:s26+$0x0 ss:$0x1], vm0;
	_ =	sdelay $0x4  }
0x3a: {  	(v2sf) =	vpush v2, $0x1  }
0x3b: {  	p1 =	por $0x0, $0x0;
	s14 =	simm.s32 $0x1;
	(v2sf) =	vpush v2, $0x0  }
0x3c: {  	s14 =	simm.s32 @!p1 $0x2  }
0x3d: {  	v1 =	vmov s14  }
0x3e: {  	vm12 =	vgt.u32 v1, v0;
	_ =	sdelay $0x3  }
0x3f: {  	p2 =	por $0x0, $0x0;
	s15 =	simm.s32 $0x1  }
0x40: {  	s15 =	simm.s32 @!p2 $0x2;
	s28 =	sadd.s32 $0x1, s13  }
0x41: {  	v1 =	vmov s15;
	v3 =	vld.msk [tilespmem:s28+$0x0 ss:$0x1], vm12  }
0x42: {  	vm13 =	vgt.u32 v1, v0;
	_ =	sdelay $0x2  }
0x43: {  	p0 =	por p0, p0  }
0x44: {  	p0 =	por p0, p0;
	(v2sf) =	vpush v3, $0x1;
	s14 =	spop (v2sf)  }
0x45: {  	s29 =	sadd.s32 $0x2, s13;
	s14 =	simm.s32 @p0 $0xFFFFFFFF;
	s16 =	spop (v2sf)  }
0x46: {  	v1 =	vld.msk [tilespmem:s29+$0x0 ss:$0x1], vm13;
	(v2sf) =	vpush v3, $0x0;
	p0 =	seq.s32 s16, s14  }
0x47: {  	vm0 =	vgt.s32 @!p0 v2, $0x0  }
0x48: {  	v2 =	vnsel @!p0 vm0, $0x0, v2  }
0x49: {  	v2 =	vmin.u32 @!p0 v2, $0x270F  }
0x4a: {  	(v2sf) =	vpush @!p0 v2, $0x0  }
0x4b: {  	(v2sf) =	vpush v1, $0x1  }
0x4c: {  	s30 =	sand.u32 $0x1, s10;
	(v2sf) =	vpush v1, $0x0  }
0x4d: {  	p4 =	por $0x0, $0x0;
	s17 =	simm.s32 $0x0;
	s21 =	simm.s32 $0x14  }
0x4e: {  	s19 =	simm.s32 $0x18;
	s22 =	simm.s32 $0x1;
	s16 =	simm.s32 $0x1  }
0x4f: {  	p2 =	por p2, p2;
	p1 =	por p1, p1;
	s16 =	simm.s32 @!p4 $0x2  }
0x50: {  	p2 =	por p2, p2;
	p1 =	por p1, p1;
	s15 =	sadd.s32 $0x60, s13;
	v2 =	vmov s16  }
0x51: {  	s24 =	sadd.s32 $0x3, s13;
	s31 =	sadd.s32 $0x4, s13;
	s14 =	smul.u32 $0x30000, s30;
	vm14 =	vgt.u32 v2, v0  }
0x52: {  	s20 =	simm.s32 @!p0 $0x1;
	p5 =	por p0, p0;
	p4 =	por p4, p4  }
0x53: {  	s14 =	sshrl.u32 s14, $0x2;
	s20 =	smov.u32 @p0 s17;
	s16 =	spop (v2sf)  }
0x54: {  	s17 =	simm.s32 @!p0 $0x80;
	s16 =	simm.s32 @p1 $0xFFFFFFFF;
	p1 =	por $0x0, $0x0  }
0x55: {  	s14 =	sor.u32 $0xC0, s14;
	s22 =	simm.s32 @!p1 $0x2;
	s23 =	spop (v2sf)  }
0x56: {  	p5 =	por p5, p5;
	s18 =	sadd.s32 @!p0 $0x0, s14;
	v4 =	vmov s22;
	p3 =	seq.s32 s23, s16  }
0x57: {  	vm15 =	vgt.u32 v4, v0;
	v2 =	vld.msk [tilespmem:s24+$0x0 ss:$0x1], vm14;
	s24 =	simm.s32 $0x1C;
	s16 =	sadd.s32 @!p3 $0x1, s20;
	s22 =	sshll.u32 @!p3 s20, $0xC  }
0x58: {  	vm1 =	vgt.s32 @!p3 v3, $0x0;
	s22 =	sshra.s32 @!p3 s22, $0x2;
	s16 =	smov.u32 @p3 s20;
	s20 =	simm.s32 @!p3 $0x80  }
0x59: {  	v3 =	vnsel @!p3 vm1, $0x0, v3;
	s23 =	sadd.s32 @!p3 s22, s14;
	s22 =	spop @!p0 (v2sf);
	p0 =	por p3, p3  }
0x5a: {  	v3 =	vmin.u32 @!p3 v3, $0x270F;
	s25 =	simm.s32 @!p0 $0x0;
	s26 =	spop (v2sf);
	s28 =	sshll.u32 @!p5 s22, $0x4  }
0x5b: {  	(v2sf) =	vpush @!p3 v3, $0x0;
	s25 =	simm.s32 @p0 $0x1;
	s26 =	simm.s32 @p2 $0xFFFFFFFF;
	s29 =	spop (v2sf)  }
0x5c: {  	(v2sf) =	vpush v2, $0x1;
	s28 =	sand.u32 @!p5 $0x70, s28;
	[smem:$0x7FD] =	sst s25;
	p6 =	seq.s32 s29, s26  }
0x5d: {  	(v2sf) =	vpush v2, $0x0;
	s26 =	sshll.u32 @!p5 s22, $0x7;
	s25 =	sadd.s32 @!p5 s2, s28;
	s22 =	smov.u32 s16;
	v3 =	vld.msk [tilespmem:s31+$0x0 ss:$0x1], vm15  }
.LBB2_3:
0x5e: {  	s28 =	simm.s32 @!p3 $0x0;
	s29 =	smov.u32 s19;
	s19 =	smov.u32 s24  }
0x5f: {  	s24 =	sadd.s32 $0x4, s24;
	s30 =	smov.u32 s23;
	p0 =	por p5, p5  }
0x60: {  	s31 =	sld [smem:$0x7FD];
	s28 =	simm.s32 @p3 $0x1;
	p3 =	por p6, p6  }
0x61: {  	p2 =	sne.s32 s24, $0xC0;
	[smem:$0x7FA] =	sst s28;
	s28 =	smov.u32 s16  }
0x62: {  	vm0 =	vgt.s32 @!p6 v1, $0x0;
	s16 =	sadd.s32 @!p6 $0x1, s16;
	p6 =	por p4, p4;
	s23 =	simm.s32 @!p2 $0x0  }
0x63: {  	p4 =	por p1, p1;
	p1 =	seq.s32 s21, $0xBC;
	s23 =	simm.s32 @p2 $0x1  }
0x64: {  	s22 =	sshll.u32 @!p3 s22, $0xC;
	[smem:$0x7FB] =	sst s23;
	s23 =	simm.s32 $0x1  }
0x65: {  	s16 =	smov.u32 @p3 s28;
	s28 =	simm.s32 @!p3 $0x80;
	s23 =	simm.s32 @!p1 $0x2  }
0x66: {  	p2 =	seq.s32 s31, $0x1;
	s31 =	sshra.s32 s21, $0x2;
	v5 =	vmov s23;
	s23 =	sand.u32 @!p0 $0x1FFC00, s26  }
0x67: {  	p5 =	por p2, p2;
	p2 =	por p3, p3;
	s25 =	sadd.s32 @!p0 s23, s25  }
0x68: {  	[tilespmem:s18], [sflag:$0x1] =	stream.strided.gather @!p0 [hbm:s25], $0x400, s17, s17, $0x38;
	[tilespmem:$0x180C0] =	vst v63  }
0x69: {  	s17 =	smov.u32 s20;
	s20 =	smov.u32 s28;
	s28 =	sld [smem:$0x7FA]  }
0x6a: {  	s26 =	sshra.s32 @!p3 s22, $0x2;
	s25 =	sadd.s32 s31, s13;
	s31 =	sld [smem:$0x7FB]  }
0x6b: {  	s23 =	sadd.s32 @!p3 s26, s14;
	s26 =	simm.s32 @!p2 $0x0  }
0x6c: {  	vm15 =	vgt.u32 v5, v0;
	s26 =	simm.s32 @p2 $0x1;
	p0 =	seq.s32 s28, $0x1  }
0x6d: {  	[smem:$0x7FD] =	sst s26;
	s26 =	spop @!p0 (v2sf);
	p0 =	seq.s32 s31, $0x1  }
.Ltmp3:
0x6e: {  	v4 =	vnsel @!p3 vm0, $0x0, v1;
	(pc) =	sbr.rel @p0 .LBB2_3-.Ltmp3, $4  }
0x6f: {  	v4 =	vmin.u32 @!p3 v4, $0x270F;
	s21 =	smov.u32 s29;
	s22 =	smov.u32 s16  }
0x70: {  	(v2sf) =	vpush @!p3 v4, $0x0;
	s18 =	smov.u32 s30;
	s28 =	spop (v2sf);
	s29 =	sshll.u32 @!p5 s26, $0x4  }
0x71: {  	v1 =	vmov v2;
	v2 =	vmov v3;
	(v2sf) =	vpush v3, $0x1;
	s28 =	simm.s32 @p6 $0xFFFFFFFF;
	s30 =	spop (v2sf);
	s29 =	sand.u32 @!p5 $0x70, s29  }
0x72: {  	(v2sf) =	vpush v2, $0x0;
	v3 =	vld.msk [tilespmem:s25+$0x0 ss:$0x1], vm15;
	s26 =	sshll.u32 @!p5 s26, $0x7;
	p6 =	seq.s32 s30, s28;
	s25 =	sadd.s32 @!p5 s2, s29  }
0x73: {  	_ = 	snop  }
0x74: {  	vm0 =	vgt.s32 @!p6 v1, $0x0  }
0x75: {  	v1 =	vnsel @!p6 vm0, $0x0, v1  }
0x76: {  	v1 =	vmin.u32 @!p6 v1, $0x270F  }
0x77: {  	(v2sf) =	vpush @!p6 v1, $0x0  }
0x78: {  	(v2sf) =	vpush v3, $0x1  }
0x79: {  	p0 =	seq.s32 s21, $0xBC;
	s24 =	simm.s32 $0x1;
	(v2sf) =	vpush v3, $0x0  }
0x7a: {  	s24 =	simm.s32 @!p0 $0x2  }
0x7b: {  	v1 =	vmov s24  }
0x7c: {  	vm14 =	vgt.u32 v1, v0;
	_ =	sdelay $0x1  }
0x7d: {  	p2 =	por p4, p4  }
0x7e: {  	s31 =	sshra.s32 s21, $0x2;
	p4 =	seq.s32 s19, $0xBC;
	s24 =	spop @!p3 (v2sf)  }
0x7f: {  	s29 =	simm.s32 $0x1;
	s21 =	sadd.s32 s31, s13;
	s28 =	spop (v2sf)  }
0x80: {  	s29 =	simm.s32 @!p4 $0x2;
	s28 =	simm.s32 @p2 $0xFFFFFFFF;
	s30 =	spop (v2sf)  }
0x81: {  	v4 =	vmov s29;
	v1 =	vld.msk [tilespmem:s21+$0x0 ss:$0x1], vm14;
	p3 =	seq.s32 s30, s28  }
0x82: {  	vm1 =	vgt.u32 v4, v0;
	vm0 =	vgt.s32 @!p3 v2, $0x0  }
0x83: {  	v2 =	vnsel @!p3 vm0, $0x0, v2  }
0x84: {  	v2 =	vmin.u32 @!p3 v2, $0x270F  }
0x85: {  	p1 =	por p1, p1;
	s21 =	spop @!p6 (v2sf);
	(v2sf) =	vpush @!p3 v2, $0x0  }
0x86: {  	p1 =	por p1, p1;
	s30 =	sshra.s32 s19, $0x2;
	s28 =	spop (v2sf);
	(v2sf) =	vpush v1, $0x1  }
0x87: {  	s19 =	sadd.s32 s30, s13;
	s28 =	simm.s32 @p1 $0xFFFFFFFF;
	s31 =	spop (v2sf);
	(v2sf) =	vpush v1, $0x0  }
0x88: {  	v2 =	vld.msk [tilespmem:s19+$0x0 ss:$0x1], vm1;
	p1 =	seq.s32 s31, s28  }
0x89: {  	s30 =	sld [smem:$0x7FD];
	vm0 =	vgt.s32 @!p1 v3, $0x0  }
0x8a: {  	v3 =	vnsel @!p1 vm0, $0x0, v3  }
0x8b: {  	p2 =	por p5, p5;
	v3 =	vmin.u32 @!p1 v3, $0x270F  }
0x8c: {  	s19 =	sand.u32 @!p2 $0x1FFC00, s26;
	p5 =	seq.s32 s30, $0x1;
	(v2sf) =	vpush @!p1 v3, $0x0  }
0x8d: {  	s19 =	sadd.s32 @!p2 s19, s25;
	p5 =	por p5, p5;
	(v2sf) =	vpush v2, $0x1  }
0x8e: {  	[tilespmem:s18], [sflag:$0x1] =	stream.strided.gather @!p2 [hbm:s19], $0x400, s17, s17, $0x38;
	(v2sf) =	vpush v2, $0x0;
	[tilespmem:$0x180C0] =	vst v63  }
0x8f: {  	p0 =	por p0, p0;
	s17 =	sshll.u32 @!p5 s24, $0x4  }
0x90: {  	s18 =	sshll.u32 @!p5 s24, $0x7;
	p2 =	por p5, p5;
	s17 =	sand.u32 @!p5 $0x70, s17  }
0x91: {  	p0 =	por p0, p0;
	s18 =	sand.u32 @!p2 $0x1FFC00, s18;
	s17 =	sadd.s32 @!p5 s2, s17  }
0x92: {  	p5 =	por p6, p6;
	s17 =	sadd.s32 @!p2 s18, s17;
	s18 =	sshll.u32 @!p6 s22, $0xC  }
0x93: {  	[tilespmem:s23], [sflag:$0x1] =	stream.strided.gather @!p2 [hbm:s17], $0x400, s20, s20, $0x38;
	[tilespmem:$0x180C0] =	vst v63  }
0x94: {  	s17 =	sadd.s32 @!p6 $0x1, s16;
	p2 =	por p5, p5;
	s20 =	spop @!p3 (v2sf)  }
0x95: {  	s19 =	sshll.u32 @!p2 s21, $0x4;
	s21 =	sshll.u32 @!p2 s21, $0x7;
	s22 =	spop (v2sf)  }
0x96: {  	s19 =	sand.u32 @!p2 $0x70, s19;
	s22 =	simm.s32 @p0 $0xFFFFFFFF;
	s31 =	spop (v2sf)  }
0x97: {  	s19 =	sadd.s32 @!p2 s2, s19;
	p0 =	por p2, p2;
	p2 =	seq.s32 s31, s22  }
0x98: {  	s17 =	smov.u32 @p6 s16;
	s16 =	sshra.s32 @!p6 s18, $0x2;
	s18 =	sand.u32 @!p0 $0x1FFC00, s21;
	vm0 =	vgt.s32 @!p2 v1, $0x0  }
0x99: {  	s16 =	sadd.s32 @!p6 s16, s14;
	s21 =	simm.s32 @!p6 $0x80;
	s18 =	sadd.s32 @!p0 s18, s19;
	v1 =	vnsel @!p2 vm0, $0x0, v1  }
0x9a: {  	[tilespmem:s16], [sflag:$0x1] =	stream.strided.gather @!p0 [hbm:s18], $0x400, s21, s21, $0x38;
	v1 =	vmin.u32 @!p2 v1, $0x270F;
	[tilespmem:$0x180C0] =	vst v63  }
0x9b: {  	p4 =	por p4, p4;
	p5 =	por p3, p3;
	s18 =	spop @!p1 (v2sf);
	(v2sf) =	vpush @!p2 v1, $0x0  }
0x9c: {  	s16 =	sadd.s32 @!p3 $0x1, s17;
	p0 =	por p4, p4;
	s19 =	spop (v2sf)  }
0x9d: {  	s16 =	smov.u32 @p3 s17;
	s19 =	simm.s32 @p0 $0xFFFFFFFF;
	s24 =	spop (v2sf)  }
0x9e: {  	s17 =	sshll.u32 @!p3 s17, $0xC;
	p0 =	por p5, p5;
	p4 =	seq.s32 s24, s19  }
0x9f: {  	p6 =	por p1, p1;
	s17 =	sshra.s32 @!p3 s17, $0x2;
	s21 =	sshll.u32 @!p0 s20, $0x4;
	vm0 =	vgt.s32 @!p4 v2, $0x0  }
0xa0: {  	s20 =	sshll.u32 @!p0 s20, $0x7;
	p5 =	por p0, p0;
	s21 =	sand.u32 @!p0 $0x70, s21;
	v1 =	vnsel @!p4 vm0, $0x0, v2  }
0xa1: {  	s17 =	sadd.s32 @!p3 s17, s14;
	s20 =	sand.u32 @!p5 $0x1FFC00, s20;
	s21 =	sadd.s32 @!p0 s2, s21;
	v1 =	vmin.u32 @!p4 v1, $0x270F  }
0xa2: {  	s19 =	simm.s32 @!p3 $0x80;
	p0 =	por p6, p6;
	s20 =	sadd.s32 @!p5 s20, s21;
	(v2sf) =	vpush @!p4 v1, $0x0  }
0xa3: {  	[tilespmem:s17], [sflag:$0x1] =	stream.strided.gather @!p5 [hbm:s20], $0x400, s19, s19, $0x38;
	[tilespmem:$0x180C0] =	vst v63  }
0xa4: {  	p3 =	por p0, p0;
	s19 =	sshll.u32 @!p0 s18, $0x4  }
0xa5: {  	s17 =	sshll.u32 @!p1 s16, $0xC;
	s18 =	sshll.u32 @!p0 s18, $0x7;
	s19 =	sand.u32 @!p0 $0x70, s19  }
0xa6: {  	s17 =	sshra.s32 @!p1 s17, $0x2;
	s18 =	sand.u32 @!p3 $0x1FFC00, s18;
	s19 =	sadd.s32 @!p0 s2, s19  }
0xa7: {  	s20 =	simm.s32 @!p1 $0x80;
	s17 =	sadd.s32 @!p1 s17, s14;
	s18 =	sadd.s32 @!p3 s18, s19  }
0xa8: {  	[tilespmem:s17], [sflag:$0x1] =	stream.strided.gather @!p3 [hbm:s18], $0x400, s20, s20, $0x38;
	[tilespmem:$0x180C0] =	vst v63  }
0xa9: {  	p5 =	por p2, p2;
	s17 =	sadd.s32 @!p1 $0x1, s16  }
0xaa: {  	p0 =	por p5, p5;
	s17 =	smov.u32 @p1 s16;
	s16 =	spop @!p2 (v2sf)  }
0xab: {  	p1 =	por p0, p0;
	s19 =	sshll.u32 @!p0 s16, $0x4  }
0xac: {  	s18 =	sshll.u32 @!p2 s17, $0xC;
	s16 =	sshll.u32 @!p0 s16, $0x7;
	s19 =	sand.u32 @!p0 $0x70, s19  }
0xad: {  	s18 =	sshra.s32 @!p2 s18, $0x2;
	s16 =	sand.u32 @!p1 $0x1FFC00, s16;
	s19 =	sadd.s32 @!p0 s2, s19  }
0xae: {  	s20 =	simm.s32 @!p2 $0x80;
	s18 =	sadd.s32 @!p2 s18, s14;
	s16 =	sadd.s32 @!p1 s16, s19  }
0xaf: {  	[tilespmem:s18], [sflag:$0x1] =	stream.strided.gather @!p1 [hbm:s16], $0x400, s20, s20, $0x38;
	[tilespmem:$0x180C0] =	vst v63  }
0xb0: {  	p6 =	por p4, p4;
	s16 =	sadd.s32 @!p2 $0x1, s17  }
0xb1: {  	p0 =	por p6, p6;
	s18 =	spop @!p4 (v2sf);
	s16 =	smov.u32 @p2 s17  }
0xb2: {  	s17 =	sshll.u32 @!p0 s18, $0x4;
	s19 =	sadd.s32 @!p4 $0x1, s16  }
0xb3: {  	s20 =	sshll.u32 @!p4 s16, $0xC;
	s18 =	sshll.u32 @!p0 s18, $0x7;
	s17 =	sand.u32 @!p0 $0x70, s17  }
0xb4: {  	s19 =	smov.u32 @p4 s16;
	s17 =	sadd.s32 @!p0 s2, s17;
	p0 =	por p0, p0  }
0xb5: {  	s16 =	sshra.s32 @!p4 s20, $0x2;
	s20 =	simm.s32 @!p4 $0x80;
	s18 =	sand.u32 @!p0 $0x1FFC00, s18  }
0xb6: {  	s16 =	sadd.s32 @!p4 s16, s14;
	s25 =	sshll.u32 s19, $0xA;
	s17 =	sadd.s32 @!p0 s18, s17  }
0xb7: {  	[tilespmem:s16], [sflag:$0x1] =	stream.strided.gather @!p0 [hbm:s17], $0x400, s20, s20, $0x38;
	[tilespmem:$0x180C0] =	vst v63  }
0xb8: {  	s16 =	sand.u32 $0x3FFFFC00, s25  }
0xb9: {  	_ =	swait.ge [sflag:s4], s16  }
0xba: {  	s16 =	ssub.s32 $0x0, s16;
	[sflag:s4] =	ssyncset.done $0x0  }
0xbb: {  	s26 =	sadd.s32 $0x0, s15;
	[sflag:s4] =	ssyncadd.s32 s16  }
0xbc: {  	v1 =	vld.msk [tilespmem:s26+$0x0 ss:$0x1], $0x1;
	_ =	sdelay $0x4  }
0xbd: {  	(v2sf) =	vpush v1, $0x0;
	_ =	sdelay $0xc  }
0xbe: {  	p0 =	por $0x0, $0x0;
	s16 =	simm.s32 $0x1  }
0xbf: {  	s16 =	simm.s32 @!p0 $0x2  }
0xc0: {  	v1 =	vmov s16;
	s28 =	spop (v2sf)  }
0xc1: {  	vm15 =	vgt.u32 v1, v0;
	s29 =	sshll.u32 s28, $0xA;
	s17 =	sshll.u32 s28, $0x7  }
0xc2: {  	s16 =	sand.u32 $0xFFFFE000, s29;
	s17 =	sand.u32 $0x380, s17  }
0xc3: {  	s16 =	sor.u32 s17, s16  }
0xc4: {  	s30 =	sadd.s32 $0x0, s14;
	s31 =	sadd.s32 $0x0, s13;
	s16 =	sshrl.u32 s16, $0x3  }
0xc5: {  	s19 =	simm.s32 $0x8;
	s18 =	simm.s32 $0x4;
	s16 =	sadd.s32 s7, s16  }
0xc6: {  	[hbm:s16] =	stream.strided.scatter [tilespmem:s30], [sflag:$0x3], $0x400, s11, s11, $0x38;
	[tilespmem:$0x180C0] =	vst v63  }
0xc7: {  	p1 =	por p0, p0;
	s17 =	simm.s32 $0x1;
	s16 =	simm.s32 $0x0;
	v1 =	vld.msk [tilespmem:s31+$0x0 ss:$0x1], vm15  }
.LBB2_5:
0xc8: {  	p2 =	sne.s32 s19, $0xBC;
	s20 =	sadd.s32 s17, s15  }
0xc9: {  	v2 =	vld.msk [tilespmem:s20+$0x0 ss:$0x1], $0x1;
	_ =	sdelay $0x3  }
0xca: {  	(v2sf) =	vpush v1, $0x1  }
0xcb: {  	(v2sf) =	vpush v1, $0x0  }
0xcc: {  	(v2sf) =	vpush v2, $0x0;
	_ =	sdelay $0xb  }
0xcd: {  	p0 =	seq.s32 s18, $0xBC;
	s18 =	smov.u32 s19;
	s20 =	simm.s32 $0x1  }
0xce: {  	s20 =	simm.s32 @!p0 $0x2;
	s21 =	spop (v2sf)  }
0xcf: {  	s21 =	simm.s32 @p1 $0xFFFFFFFF;
	s22 =	spop (v2sf);
	p1 =	por p0, p0  }
0xd0: {  	v1 =	vmov s20;
	s20 =	spop (v2sf);
	p0 =	sne.s32 s22, s21;
	s22 =	simm.s32 $0x1  }
0xd1: {  	vm0 =	vgt.u32 v1, v0;
	s21 =	sshll.u32 s20, $0xA;
	s20 =	sshll.u32 s20, $0x7;
	s22 =	simm.s32 @!p0 $0x0  }
0xd2: {  	s21 =	sand.u32 $0xFFFFE000, s21;
	s20 =	sand.u32 $0x380, s20;
	s16 =	sadd.s32 s22, s16  }
.Ltmp4:
0xd3: {  	s20 =	sor.u32 s20, s21;
	s21 =	sshll.u32 s16, $0xC;
	(pc) =	sbr.rel @p2 .LBB2_5-.Ltmp4, $4  }
0xd4: {  	s20 =	sshrl.u32 s20, $0x3;
	s21 =	sshra.s32 s21, $0x2  }
0xd5: {  	s22 =	sadd.s32 s17, s13;
	s21 =	sadd.s32 s21, s14;
	s20 =	sadd.s32 s7, s20  }
0xd6: {  	[hbm:s20] =	stream.strided.scatter [tilespmem:s21], [sflag:$0x3], $0x400, s11, s11, $0x38;
	[tilespmem:$0x180C0] =	vst v63  }
0xd7: {  	s19 =	sadd.s32 $0x4, s19;
	s17 =	sshra.s32 s18, $0x2;
	v1 =	vld.msk [tilespmem:s22+$0x0 ss:$0x1], vm0  }
.Ltmp5:
0xd8: {  	_ = 	snop;
	(pc) =	sbr.rel .LBB2_6-.Ltmp5, $1  }
0xd9: {  	_ =	sdelay $0x3  }
.LBB2_8:
0xda: {  	_ =	sfence.sel $0x180000  }
0xdb: {  	s2 =	simm.s32 $0x2;
	[bflag:$0x0] =	sbarrier.arrive $0xFFFF  }
0xdc: {  	s30 =	simm.s32 $0x3;
	[sflag:s2] =	ssyncpa.u1 $0x1  }
0xdd: {  	s31 =	simm.s32 $0x1;
	[sflag:s30] =	ssyncpa.u1 $0x1  }
0xde: {  	[sflag:s31] =	ssyncpa.u1 $0x1  }
0xdf: {  	p0 =	sne.s32 s1, $0x0;
	_ =	strace $0x9000004A  }
0xe0: {  	s0 =	sadd.s32 @!p0 $0x100000, s0;
	[bflag:$0x2] =	sbarrier.arrive $0xFFFF  }
0xe1: {  	[sflag:s0] =	ssyncadd.tile.s32 @!p0 $0x1;
	_ =	shalt  }
.Lfunc_end2:
_tile_overlayer_lowered:
.L_overlay_start_2:
0xe2: {  	(tag) =	ssettag $0x2  }
0xe3: {  	s0 =	rddreg [dreg:$0x0];
	s2 =	stileid.u32  }
0xe4: {  	s1 =	rddreg [dreg:$0x1];
	p0 =	sne.s32 s2, $0x0  }
0xe5: {  	s3 =	rddreg [dreg:$0x2];
	[bflag:$0x3] =	sbarrier.arrive $0xFFFF;
	s2 =	simm.s32 @!p0 $0x1C01  }
0xe6: {  	[timem:s3], [sflag:s2] =	dma.local @!p0 [hbm:s0], s1  }
0xe7: {  	s0 =	simm.s32 @!p0 $0x1  }
0xe8: {  	_ =	swait.ge @!p0 [sflag:s0], s1  }
0xe9: {  	s1 =	ssub.s32 @!p0 $0x0, s1;
	[sflag:s0] =	ssyncset.done @!p0 $0x0  }
0xea: {  	[sflag:s0] =	ssyncadd.s32 @!p0 s1  }
0xeb: {  	[bflag:$0x3] =	sbarrier.arrive $0xFFFF  }
0xec: {  	_ =	shalt  }

// kernel: kernel.10.cloned.1.call-start
scs
__scs_entry_jumppad:
0x0: {  	(pc) =	sbr.rel $0x88, $3  }
0x1: {  	(tag) =	ssettag $0x0;
	lr =	simm.s32 $0x1  }
0x2: {  	[smem:$0x3F8F] =	sst lr;
	_ =	strace $0xD0000000  }
0x3: {  	_ = 	snop  }
0x4: {  	_ = 	snop  }
0x5: {  	_ = 	snop  }
0x6: {  	_ = 	snop  }
0x7: {  	_ = 	snop  }
__scs_overlays_trampoline_lowered:
0x8: {  	[smem:$0x3F9E] =	sst s0  }
0x9: {  	[smem:$0x3F9F] =	sst s1  }
0xa: {  	[smem:$0x3FA0] =	sst s2  }
0xb: {  	[smem:$0x3FA1] =	sst s3  }
0xc: {  	[smem:$0x3FA2] =	sst s4  }
0xd: {  	[smem:$0x3FA3] =	sst s5  }
0xe: {  	[smem:$0x3FA4] =	sst s6  }
0xf: {  	[smem:$0x3FA5] =	sst s7  }
0x10: {  	[smem:$0x3FA6] =	sst s8  }
0x11: {  	[smem:$0x3FA7] =	sst s9;
	s0 =	simm.s32 @!p0 $0x0  }
0x12: {  	s1 =	sld [smem:$0x3F8D];
	s0 =	simm.s32 @p0 $0x1  }
0x13: {  	[smem:$0x3FA8] =	sst s0;
	s0 =	simm.s32 @!p1 $0x0  }
0x14: {  	s2 =	sld [smem:$0x3F8C];
	s0 =	simm.s32 @p1 $0x1  }
0x15: {  	[smem:$0x3FA9] =	sst s0;
	s0 =	simm.s32 @!p2 $0x0  }
0x16: {  	s3 =	sld [smem:$0x3FDB];
	s0 =	simm.s32 @p2 $0x1  }
0x17: {  	s4 =	simm.s32 $0x1BF5;
	[smem:$0x3FAB] =	sst s0  }
0x18: {  	s0 =	sld [smem:$0x3F8E];
	_ =	swait.ge [sflag:s4], $0x0  }
0x19: {  	s7 =	sld [smem:$0x3F8F]  }
0x1a: {  	s8 =	sadd.s32 $0xFFFFE003, lr  }
0x1b: {  	s9 =	sadd.s32 $0xFFFFFEF7, lr;
	s5 =	simm.s32 $0xFFFFFFFF;
	p2 =	slt.u32 s8, $0xFFFFF086  }
0x1c: {  	p1 =	slt.u32 s9, $0xF7A;
	s5 =	simm.s32 @!p2 $0x0  }
0x1d: {  	s5 =	simm.s32 @p1 $0x1;
	p0 =	seq.s32 s7, s2  }
0x1e: {  	s7 =	smul.u32 @!p0 $0xF7A, s2;
	p2 =	seq.s32 @!p0 s5, $0x0  }
0x1f: {  	s9 =	smul.u32 $0xF7A, s1;
	s8 =	simm.s32 @!p0 $0x1BF5;
	p2 =	por !p2, p0  }
0x20: {  	[sflag:s8] =	ssyncset.s32 @!p0 $0xFFFFF086;
	s6 =	sadd.s32 @!p0 s3, s7;
	s7 =	simm.s32 @!p0 $0x108  }
0x21: {  	s3 =	sadd.s32 s3, s9;
	s6 =	sadd.s32 @!p0 $0x88, s6;
	s7 =	simm.s32 @p2 $0x1082  }
0x22: {  	[simem:s7], [sflag:s8] =	dma.local @!p0 [hbm:s6], $0xF7A  }
0x23: {  	s9 =	sor.u32 $0xD0000000, s2;
	s6 =	simm.s32 $0x108;
	_ =	swait.ge @!p0 [sflag:s8], $0x0  }
0x24: {  	s3 =	sadd.s32 $0x88, s3;
	s6 =	simm.s32 @!p1 $0x1082;
	[sflag:s4] =	ssyncset.s32 $0xFFFFF086  }
0x25: {  	[simem:s6], [sflag:s4] =	dma.local [hbm:s3], $0xF7A  }
0x26: {  	[smem:$0x3F8F] =	sst s1;
	(tag) =	ssettag s2;
	_ =	strace s9  }
0x27: {  	s1 =	sld [smem:$0x3F9F]  }
0x28: {  	s2 =	sld [smem:$0x3FA0]  }
0x29: {  	s4 =	sld [smem:$0x3FA2]  }
0x2a: {  	p0 =	seq.s32 s5, $0x0;
	s5 =	sld [smem:$0x3FA3]  }
0x2b: {  	s6 =	sld [smem:$0x3FA4]  }
0x2c: {  	s7 =	sld [smem:$0x3FA5]  }
0x2d: {  	s3 =	simm.s32 $0x108;
	s8 =	sld [smem:$0x3FA6]  }
0x2e: {  	s3 =	simm.s32 @!p0 $0x1082;
	s9 =	sld [smem:$0x3FA7]  }
0x2f: {  	lr =	sadd.s32 s0, s3;
	s0 =	sld [smem:$0x3F9E]  }
0x30: {  	s3 =	sld [smem:$0x3FA1]  }
0x31: {  	[smem:$0x3FAA] =	sst s10  }
0x32: {  	s10 =	sld [smem:$0x3FA8];
	_ =	sdelay $0x3  }
0x33: {  	p0 =	seq.s32 s10, $0x1;
	s10 =	sld [smem:$0x3FAA];
	_ =	sdelay $0x3  }
0x34: {  	[smem:$0x3FAA] =	sst s10  }
0x35: {  	s10 =	sld [smem:$0x3FA9];
	_ =	sdelay $0x3  }
0x36: {  	p1 =	seq.s32 s10, $0x1;
	s10 =	sld [smem:$0x3FAA];
	_ =	sdelay $0x3  }
0x37: {  	[smem:$0x3FAA] =	sst s10  }
0x38: {  	s10 =	sld [smem:$0x3FAB]  }
0x39: {  	_ = 	snop;
	(pc) =	sbr.ind lr, $3  }
0x3a: {  	_ = 	snop  }
0x3b: {  	_ = 	snop  }
0x3c: {  	p2 =	seq.s32 s10, $0x1;
	s10 =	sld [smem:$0x3FAA]  }
0x3d: {  	_ =	shalt  }
0x3e: {  	_ =	shalt  }
0x3f: {  	_ =	shalt  }
0x40: {  	_ =	shalt  }
0x41: {  	_ =	shalt  }
0x42: {  	_ =	shalt  }
0x43: {  	_ =	shalt  }
0x44: {  	_ =	shalt  }
0x45: {  	_ =	shalt  }
0x46: {  	_ =	shalt  }
0x47: {  	_ =	shalt  }
0x48: {  	_ =	shalt  }
0x49: {  	_ =	shalt  }
0x4a: {  	_ =	shalt  }
0x4b: {  	_ =	shalt  }
0x4c: {  	_ =	shalt  }
0x4d: {  	_ =	shalt  }
0x4e: {  	_ =	shalt  }
0x4f: {  	_ =	shalt  }
0x50: {  	_ =	shalt  }
0x51: {  	_ =	shalt  }
0x52: {  	_ =	shalt  }
0x53: {  	_ =	shalt  }
0x54: {  	_ =	shalt  }
0x55: {  	_ =	shalt  }
0x56: {  	_ =	shalt  }
0x57: {  	_ =	shalt  }
0x58: {  	_ =	shalt  }
0x59: {  	_ =	shalt  }
0x5a: {  	_ =	shalt  }
0x5b: {  	_ =	shalt  }
0x5c: {  	_ =	shalt  }
0x5d: {  	_ =	shalt  }
0x5e: {  	_ =	shalt  }
0x5f: {  	_ =	shalt  }
0x60: {  	_ =	shalt  }
0x61: {  	_ =	shalt  }
0x62: {  	_ =	shalt  }
0x63: {  	_ =	shalt  }
0x64: {  	_ =	shalt  }
0x65: {  	_ =	shalt  }
0x66: {  	_ =	shalt  }
0x67: {  	_ =	shalt  }
0x68: {  	_ =	shalt  }
0x69: {  	_ =	shalt  }
0x6a: {  	_ =	shalt  }
0x6b: {  	_ =	shalt  }
0x6c: {  	_ =	shalt  }
0x6d: {  	_ =	shalt  }
0x6e: {  	_ =	shalt  }
0x6f: {  	_ =	shalt  }
0x70: {  	_ =	shalt  }
0x71: {  	_ =	shalt  }
0x72: {  	_ =	shalt  }
0x73: {  	_ =	shalt  }
0x74: {  	_ =	shalt  }
0x75: {  	_ =	shalt  }
0x76: {  	_ =	shalt  }
0x77: {  	_ =	shalt  }
0x78: {  	_ =	shalt  }
0x79: {  	_ =	shalt  }
0x7a: {  	_ =	shalt  }
0x7b: {  	_ =	shalt  }
0x7c: {  	_ =	shalt  }
0x7d: {  	_ =	shalt  }
0x7e: {  	_ =	shalt  }
0x7f: {  	_ =	shalt  }
0x80: {  	_ =	shalt  }
0x81: {  	_ =	shalt  }
0x82: {  	_ =	shalt  }
0x83: {  	_ =	shalt  }
0x84: {  	_ =	shalt  }
0x85: {  	_ =	shalt  }
0x86: {  	_ =	shalt  }
0x87: {  	_ =	shalt  }
.Lfunc_end0:
.L_simem_size_0:
called_computation.2_lowered:
.L_overlay_start_0:
0x88: {  	s2 =	sld [smem:$0x3FD9]  }
0x89: {  	s3 =	sld [smem:$0x3FFE];
	_ =	sdelay $0x1  }
0x8a: {  	s1 =	srdreg.scid  }
0x8b: {  	s0 =	sand.u32 $0x1, s1  }
0x8c: {  	s17 =	sshll.u32 s0, $0xA;
	s2 =	sadd.s32 s3, s2  }
0x8d: {  	s2 =	sadd.s32 s2, s17  }
0x8e: {  	[smem:$0x3FB6] =	sst s2  }
0x8f: {  	_ = 	snop  }
0x90: {  	s2 =	sld [smem:$0x3FD0];
	(tm) =	ssettm $0x1  }
0x91: {  	s18 =	sld [smem:$0x3FFB];
	_ =	sdelay $0x3  }
0x92: {  	_ =	strace s18  }
0x93: {  	s3 =	sld [smem:$0x3FFC];
	_ =	sdelay $0x3  }
0x94: {  	_ =	strace s3  }
0x95: {  	s3 =	sld [smem:$0x3FFD];
	_ =	sdelay $0x3  }
0x96: {  	_ =	strace s3  }
0x97: {  	_ =	strace $0x8FFFFFFF  }
0x98: {  	s19 =	sld [smem:$0x3FDB];
	_ =	sdelay $0x1  }
0x99: {  	s4 =	simm.s32 $_scs_section_size  }
0x9a: {  	s5 =	simm.s32 $_size__tile_overlayer_lowered;
	s6 =	simm.s32 $_tile_overlayer_lowered  }
0x9b: {  	s22 =	simm.s32 $0x1BFF;
	s21 =	sshll.u32 s6, $0x1;
	s3 =	sadd.s32 s4, s19  }
0x9c: {  	s7 =	simm.s32 $0x0;
	s20 =	sshll.u32 s5, $0x1;
	s5 =	sadd.s32 s21, s3  }
0x9d: {  	[timem:s7], [sflag:s22] =	dma.local [hbm:s5], s20  }
0x9e: {  	_ =	swait.ge [sflag:s22], s20  }
0x9f: {  	s4 =	ssub.s32 $0x0, s20;
	[sflag:s22] =	ssyncset.done $0x0  }
0xa0: {  	[sflag:s22] =	ssyncadd.s32 s4;
	_ =	sdelay $0x1  }
0xa1: {  	s23 =	simm.s32 $0x1B8B  }
0xa2: {  	_ =	swait.ge [sflag:s23], $0x1  }
0xa3: {  	[sflag:s23] =	ssyncset.done $0x0  }
0xa4: {  	s25 =	simm.s32 $0x1B8E;
	s24 =	sld [smem:$0x3FFE];
	[sflag:s23] =	ssyncadd.s32 $0xFFFFFFFF  }
0xa5: {  	s26 =	simm.s32 $execute0_lowered;
	[smem:$0x3FD2] =	sst s25  }
0xa6: {  	s5 =	sshll.u32 s26, $0x1;
	_ =	strace $0x80000046;
	[dreg:$0x1] =	wrdreg $0xFFFFFFFF  }
0xa7: {  	s28 =	simm.s32 $_size_execute0_lowered;
	s3 =	sadd.s32 s3, s5;
	[dreg:$0x0] =	wrdreg $0x0  }
0xa8: {  	s5 =	sshll.u32 s28, $0x1;
	[dreg:$0x2] =	wrdreg s3  }
0xa9: {  	[dreg:$0x3] =	wrdreg s5  }
0xaa: {  	[dreg:$0x4] =	wrdreg $0xC0  }
0xab: {  	_ =	task [dreg:s7], $0x5FFFF  }
0xac: {  	[dreg:$0x1] =	wrdreg $0xFFFFFFFF  }
0xad: {  	[dreg:$0x0] =	wrdreg $0x60  }
0xae: {  	[dreg:$0x2] =	wrdreg s2  }
0xaf: {  	[dreg:$0x3] =	wrdreg s24  }
0xb0: {  	[dreg:$0x4] =	wrdreg $0xDC000  }
0xb1: {  	[dreg:$0x5] =	wrdreg $0xA  }
0xb2: {  	_ =	task.clear_ibuf [dreg:s7], $0x6FFFF;
	_ =	strace $0x90000046  }
0xb3: {  	s29 =	simm.s32 $0xA;
	_ =	strace $0x80000048  }
0xb4: {  	_ =	swait.ge [sflag:s29], $0x1  }
0xb5: {  	[sflag:s29] =	ssyncadd.s32 $0xFFFFFFFF  }
0xb6: {  	_ =	strace $0x90000048  }
0xb7: {  	_ =	sfence  }
0xb8: {  	s30 =	sld [smem:$0x0];
	_ =	sdelay $0x2  }
0xb9: {  	s31 =	sshll.u32 s1, $0xD;
	s1 =	sshrl.u32 s1, $0x2  }
0xba: {  	s3 =	sand.u32 $0x4000, s31;
	s1 =	sadd.s32 s1, s30  }
0xbb: {  	s0 =	sor.u32 s3, s0;
	s1 =	sshll.u32 s1, $0x11  }
0xbc: {  	s0 =	sor.u32 s1, s0  }
0xbd: {  	s0 =	sadd.s32 $0x8F2B, s0  }
0xbe: {  	[sflag:s0] =	ssyncadd.remote.s32 $0x1  }
0xbf: {  	_ =	sfence.sel $0xFFFF  }
0xc0: {  	[dreg:$0x0] =	wrdreg $0xFFFFFFFF;
	(pc) =	sbr.abs _section_cstart, $3  }
0xc1: {  	[dreg:$0x1] =	wrdreg $0xFFFFFFFF  }
0xc2: {  	_ =	task.clear_ibuf [dreg:s7], $0x2FFFF;
	_ =	strace $0x9FFFFFFF  }
0xc3: {  	(tm) =	ssettm $0x7FFFFFFF  }
tec
execute0_lowered:
.L_overlay_start_1:
0x0: {  	(tag) =	ssettag $0x1  }
0x1: {  	s0 =	rddreg [dreg:$0x0]  }
0x2: {  	s7 =	rddreg [dreg:$0x1]  }
0x3: {  	s1 =	rddreg [dreg:$0x2];
	s4 =	srdreg.scid  }
0x4: {  	s2 =	stileid.u32;
	s3 =	simm.s32 $0x0;
	s16 =	simm.s32 $0x80  }
0x5: {  	s17 =	simm.s32 $0x1;
	s18 =	simm.s32 $0x2;
	s23 =	simm.s32 $0x0  }
0x6: {  	s9 =	sand.u32 $0x1, s4;
	s26 =	sshll.u32 s2, $0x1;
	s10 =	smul.u32 $0x500, s2  }
0x7: {  	[smem:$0x7FF] =	sst s3;
	s5 =	sadd.s32 $0x138E00, s7;
	s14 =	smul.u32 $0xA00, s2  }
0x8: {  	s6 =	sadd.s32 $0x14EC00, s7;
	s29 =	smul.u32 $0x5100, s2;
	p0 =	sne.s32 s2, $0x0  }
0x9: {  	s4 =	sor.u32 s9, s26;
	_ =	strace $0x80000047;
	s11 =	sshll.u32 s9, $0x7  }
0xa: {  	s28 =	ssub.s32 $0x2, s9;
	s30 =	smul.u32 $0x2880, s9;
	s15 =	sshrl.u32 @!p0 s1, $0x3  }
0xb: {  	s8 =	smul.u32 $0x580, s4;
	s4 =	sadd.s32 $0x139400, s7;
	s10 =	sor.u32 s11, s10  }
0xc: {  	s13 =	sshrl.u32 s28, $0x1;
	s31 =	sshrl.u32 s14, $0x2;
	s10 =	sshrl.u32 s10, $0x3  }
0xd: {  	s11 =	ssub.s32 s28, s13;
	s14 =	sadd.s32 s31, s1;
	s13 =	simm.s32 $0x3  }
0xe: {  	s12 =	sadd.s32 s8, s7;
	s10 =	sadd.s32 s10, s7;
	s7 =	sadd.s32 s0, s8  }
0xf: {  	s11 =	smax.u32 s11, $0x1;
	s20 =	sshrl.u32 s14, $0x3;
	s8 =	sadd.s32 $0x143C00, s12  }
0x10: {  	s9 =	sadd.s32 $0x14F200, s12;
	s10 =	sadd.s32 $0x15A200, s10;
	s12 =	sadd.s32 s30, s29  }
.LBB2_1:
0x11: {  	[tilespmem:s3], [sflag:$0x3] =	stream.linear.gather [hbm4b:s7+s3], $0x2880, $0x38;
	[tilespmem:$0xDE80] =	vst v63  }
0x12: {  	_ =	swait.ge [sflag:s13], $0x2880  }
0x13: {  	[sflag:s13] =	ssyncset.done $0x0  }
0x14: {  	s0 =	simm.s32 $0x2C00;
	[sflag:s13] =	ssyncadd.s32 $0xFFFFD780  }
0x15: {  	[tilespmem:s0], [sflag:$0x3] =	stream.linear.gather [hbm4b:s8+s3], $0x2880, $0x38;
	[tilespmem:$0xDE80] =	vst v63  }
0x16: {  	_ =	swait.ge [sflag:s13], $0x2880  }
0x17: {  	[sflag:s13] =	ssyncset.done $0x0  }
0x18: {  	s0 =	simm.s32 @!p0 $0x1C03;
	[sflag:s13] =	ssyncadd.s32 $0xFFFFD780  }
0x19: {  	[spmem:s15], [sflag:s0] =	dma.local @!p0 [hbm:s6], $0x500  }
0x1a: {  	s0 =	simm.s32 @!p0 $0x3  }
0x1b: {  	_ =	swait.ge @!p0 [sflag:s0], $0x500  }
0x1c: {  	[sflag:s0] =	ssyncset.done @!p0 $0x0  }
0x1d: {  	s31 =	simm.s32 $0x0;
	s14 =	simm.s32 $0x5800;
	[sflag:s0] =	ssyncadd.s32 @!p0 $0xFFFFFB00  }
0x1e: {  	[tilespmem:s14], [sflag:$0x1] =	stream.indirect.gather [hbm4b:s4+s16], $0x1, s31, s16, $0xb8;
	[tilespmem:$0xDE80] =	vst v63  }
0x1f: {  	s19 =	simm.s32 $0x2C00;
	s0 =	simm.s32 $0x200;
	s14 =	simm.s32 $0x8400  }
.LBB2_2:
0x20: {  	[tilespmem:s14], [sflag:$0x2] =	stream.indirect.gather [hbm4b:s5+s16], $0x1, s19, s16, $0xb8;
	[tilespmem:$0xDE80] =	vst v63  }
0x21: {  	s14 =	smov.u32 s0;
	p1 =	sne.s32 s0, $0xA000  }
.Ltmp0:
0x22: {  	s0 =	sadd.s32 $0x200, s0;
	(pc) =	sbr.rel @p1 .LBB2_2-.Ltmp0, $4  }
0x23: {  	s19 =	sshra.s32 s14, $0x2  }
0x24: {  	s14 =	sadd.s32 $0x5800, s19  }
0x25: {  	[tilespmem:s14], [sflag:$0x1] =	stream.indirect.gather [hbm4b:s4+s16], $0x1, s19, s16, $0xb8;
	[tilespmem:$0xDE80] =	vst v63  }
0x26: {  	s14 =	sadd.s32 $0x8400, s19;
	s19 =	sadd.s32 $0x2C00, s19  }
0x27: {  	[tilespmem:s14], [sflag:$0x2] =	stream.indirect.gather [hbm4b:s5+s16], $0x1, s19, s16, $0xb8;
	[tilespmem:$0xDE80] =	vst v63  }
0x28: {  	_ =	swait.ge [sflag:s17], $0x80  }
0x29: {  	[sflag:s17] =	ssyncset.done $0x0  }
0x2a: {  	[sflag:s17] =	ssyncadd.s32 $0xFFFFFF80  }
0x2b: {  	_ =	swait.ge [sflag:s18], $0x80  }
0x2c: {  	s0 =	simm.s32 $0x50;
	[sflag:s18] =	ssyncset.done $0x0  }
.LBB2_4:
0x2d: {  	p1 =	sne.s32 s0, $0x1;
	s0 =	sadd.s32 $0xFFFFFFFF, s0;
	[sflag:s18] =	ssyncadd.s32 $0xFFFFFF80  }
.Ltmp1:
0x2e: {  	_ =	swait.ge [sflag:s17], $0x80;
	(pc) =	sbr.rel @p1 .LBB2_4-.Ltmp1, $4  }
0x2f: {  	[sflag:s17] =	ssyncset.done $0x0  }
0x30: {  	[sflag:s17] =	ssyncadd.s32 $0xFFFFFF80  }
0x31: {  	_ =	swait.ge [sflag:s18], $0x80  }
0x32: {  	[sflag:s18] =	ssyncset.done $0x0  }
0x33: {  	[sflag:s18] =	ssyncadd.s32 $0xFFFFFF80;
	s24 =	simm.s32 $0x5840  }
0x34: {  	s25 =	simm.s32 $0x8440;
	v0 =	vld [tilespmem:s24+$0xFFFFFFC0]  }
0x35: {  	v1 =	vld [tilespmem:s25+$0xFFFFFFC0];
	_ =	sdelay $0x4  }
0x36: {  	v0 =	vadd.f32 v1, v0;
	_ =	sdelay $0x1  }
0x37: {  	v1 =	vmul.f32 $2.000000030e-01, v0  }
0x38: {  	vm0 =	vgt.f32 v0, $0.0e+00  }
0x39: {  	v0 =	vsel vm0, v0, v1  }
0x3a: {  	v0 =	vmul.f32 $1.442695020e+00, v0;
	_ =	sdelay $0x1  }
0x3b: {  	(erf) = vpow2.f32 v0;
	_ =	sdelay $0x7  }
0x3c: {  	s0 =	sadd.s32 $0x0, s12  }
0x3d: {  	p1 =	slt.u32 s0, $0x50910;
	v0 =	vpop (erf)  }
0x3e: {  	s26 =	simm.s32 $0xB040;
	v0 =	vpsel !p1, $0x0, v0  }
0x3f: {  	[tilespmem:s26+$0xFFFFFFC0] =	vst v0  }
0x40: {  	v0 =	vld [tilespmem:s24+$0xFFFFFFD0]  }
0x41: {  	v57 =	vld [tilespmem:s25+$0xFFFFFFD0];
	_ =	sdelay $0x4  }
0x42: {  	v0 =	vadd.f32 v57, v0;
	_ =	sdelay $0x1  }
0x43: {  	v1 =	vmul.f32 $2.000000030e-01, v0  }
0x44: {  	vm9 =	vgt.f32 v0, $0.0e+00  }
0x45: {  	v0 =	vsel vm9, v0, v1  }
0x46: {  	v0 =	vmul.f32 $1.442695020e+00, v0;
	_ =	sdelay $0x1  }
0x47: {  	(erf) = vpow2.f32 v0;
	_ =	sdelay $0x7  }
0x48: {  	s14 =	sadd.s32 $0x10, s0  }
0x49: {  	p6 =	slt.u32 s14, $0x50910;
	v0 =	vpop (erf)  }
0x4a: {  	v0 =	vpsel !p6, $0x0, v0  }
0x4b: {  	[tilespmem:s26+$0xFFFFFFD0] =	vst v0  }
0x4c: {  	v0 =	vld [tilespmem:s24+$0xFFFFFFE0]  }
0x4d: {  	v58 =	vld [tilespmem:s25+$0xFFFFFFE0];
	_ =	sdelay $0x4  }
0x4e: {  	v0 =	vadd.f32 v58, v0;
	_ =	sdelay $0x1  }
0x4f: {  	v1 =	vmul.f32 $2.000000030e-01, v0  }
0x50: {  	vm10 =	vgt.f32 v0, $0.0e+00  }
0x51: {  	v0 =	vsel vm10, v0, v1  }
0x52: {  	v0 =	vmul.f32 $1.442695020e+00, v0;
	_ =	sdelay $0x1  }
0x53: {  	(erf) = vpow2.f32 v0;
	_ =	sdelay $0x7  }
0x54: {  	s19 =	sadd.s32 $0x20, s0  }
0x55: {  	p2 =	slt.u32 s19, $0x50910;
	v0 =	vpop (erf)  }
0x56: {  	v0 =	vpsel !p2, $0x0, v0  }
0x57: {  	[tilespmem:s26+$0xFFFFFFE0] =	vst v0  }
0x58: {  	v0 =	vld [tilespmem:s24+$0xFFFFFFF0]  }
0x59: {  	v59 =	vld [tilespmem:s25+$0xFFFFFFF0];
	_ =	sdelay $0x4  }
0x5a: {  	v0 =	vadd.f32 v59, v0;
	_ =	sdelay $0x1  }
0x5b: {  	v1 =	vmul.f32 $2.000000030e-01, v0  }
0x5c: {  	vm11 =	vgt.f32 v0, $0.0e+00  }
0x5d: {  	v0 =	vsel vm11, v0, v1  }
0x5e: {  	v0 =	vmul.f32 $1.442695020e+00, v0;
	_ =	sdelay $0x1  }
0x5f: {  	(erf) = vpow2.f32 v0;
	_ =	sdelay $0x7  }
0x60: {  	s21 =	sadd.s32 $0x30, s0  }
0x61: {  	p3 =	slt.u32 s21, $0x50910;
	v0 =	vpop (erf)  }
0x62: {  	v0 =	vpsel !p3, $0x0, v0  }
0x63: {  	[tilespmem:s26+$0xFFFFFFF0] =	vst v0  }
0x64: {  	v0 =	vld [tilespmem:s24+$0x0]  }
0x65: {  	v60 =	vld [tilespmem:s25+$0x0];
	_ =	sdelay $0x4  }
0x66: {  	v0 =	vadd.f32 v60, v0;
	_ =	sdelay $0x1  }
0x67: {  	v1 =	vmul.f32 $2.000000030e-01, v0  }
0x68: {  	vm12 =	vgt.f32 v0, $0.0e+00  }
0x69: {  	v0 =	vsel vm12, v0, v1  }
0x6a: {  	v0 =	vmul.f32 $1.442695020e+00, v0;
	_ =	sdelay $0x1  }
0x6b: {  	(erf) = vpow2.f32 v0;
	_ =	sdelay $0x7  }
0x6c: {  	s22 =	sadd.s32 $0x40, s0  }
0x6d: {  	p4 =	slt.u32 s22, $0x50910;
	v0 =	vpop (erf)  }
0x6e: {  	v0 =	vpsel !p4, $0x0, v0  }
0x6f: {  	[tilespmem:s26+$0x0] =	vst v0  }
0x70: {  	v0 =	vld [tilespmem:s24+$0x10]  }
0x71: {  	v61 =	vld [tilespmem:s25+$0x10];
	_ =	sdelay $0x4  }
0x72: {  	v0 =	vadd.f32 v61, v0;
	_ =	sdelay $0x1  }
0x73: {  	v1 =	vmul.f32 $2.000000030e-01, v0  }
0x74: {  	vm13 =	vgt.f32 v0, $0.0e+00  }
0x75: {  	v0 =	vsel vm13, v0, v1  }
0x76: {  	v0 =	vmul.f32 $1.442695020e+00, v0;
	_ =	sdelay $0x1  }
0x77: {  	(erf) = vpow2.f32 v0;
	_ =	sdelay $0x7  }
0x78: {  	s30 =	sadd.s32 $0x50, s0  }
0x79: {  	p5 =	slt.u32 s30, $0x50910;
	v0 =	vpop (erf)  }
0x7a: {  	v0 =	vpsel !p5, $0x0, v0  }
0x7b: {  	[tilespmem:s26+$0x10] =	vst v0  }
0x7c: {  	v0 =	vld [tilespmem:s24+$0x20]  }
0x7d: {  	v62 =	vld [tilespmem:s25+$0x20];
	_ =	sdelay $0x4  }
0x7e: {  	v0 =	vadd.f32 v62, v0;
	_ =	sdelay $0x1  }
0x7f: {  	v1 =	vmul.f32 $2.000000030e-01, v0  }
0x80: {  	vm14 =	vgt.f32 v0, $0.0e+00  }
0x81: {  	v0 =	vsel vm14, v0, v1  }
0x82: {  	v0 =	vmul.f32 $1.442695020e+00, v0;
	_ =	sdelay $0x1  }
0x83: {  	(erf) = vpow2.f32 v0;
	_ =	sdelay $0x7  }
0x84: {  	s31 =	sadd.s32 $0x60, s0  }
0x85: {  	p6 =	slt.u32 s31, $0x50910;
	v0 =	vpop (erf)  }
0x86: {  	v0 =	vpsel !p6, $0x0, v0  }
0x87: {  	[tilespmem:s26+$0x20] =	vst v0  }
0x88: {  	v0 =	vld [tilespmem:s24+$0x30]  }
0x89: {  	v63 =	vld [tilespmem:s25+$0x30];
	_ =	sdelay $0x4  }
0x8a: {  	v0 =	vadd.f32 v63, v0;
	_ =	sdelay $0x1  }
0x8b: {  	v1 =	vmul.f32 $2.000000030e-01, v0  }
0x8c: {  	vm15 =	vgt.f32 v0, $0.0e+00  }
0x8d: {  	v0 =	vsel vm15, v0, v1  }
0x8e: {  	v0 =	vmul.f32 $1.442695020e+00, v0;
	_ =	sdelay $0x1  }
0x8f: {  	(erf) = vpow2.f32 v0  }
0x90: {  	s0 =	sadd.s32 $0x70, s0  }
0x91: {  	s28 =	simm.s32 $0x80;
	s29 =	simm.s32 $0xB040;
	p2 =	slt.u32 s0, $0x50910  }
.LBB2_6:
0x92: {  	_ = 	snop  }
0x93: {  	s26 =	sadd.s32 $0x80, s26;
	s24 =	sadd.s32 $0x80, s24;
	s25 =	sadd.s32 $0x80, s25  }
0x94: {  	p1 =	sne.s32 s28, $0x2800;
	s0 =	smov.u32 s28;
	s28 =	sadd.s32 $0x80, s28  }
0x95: {  	_ =	sdelay $0x2  }
0x96: {  	v0 =	vpop (erf)  }
0x97: {  	v0 =	vpsel !p2, $0x0, v0  }
0x98: {  	[tilespmem:s29+$0x30] =	vst v0;
	s29 =	smov.u32 s26  }
0x99: {  	v0 =	vld [tilespmem:s24+$0xFFFFFFC0]  }
0x9a: {  	v1 =	vld [tilespmem:s25+$0xFFFFFFC0];
	_ =	sdelay $0x4  }
0x9b: {  	v0 =	vadd.f32 v1, v0;
	_ =	sdelay $0x1  }
0x9c: {  	v1 =	vmul.f32 $2.000000030e-01, v0  }
0x9d: {  	vm0 =	vgt.f32 v0, $0.0e+00  }
0x9e: {  	v0 =	vsel vm0, v0, v1  }
0x9f: {  	v0 =	vmul.f32 $1.442695020e+00, v0;
	_ =	sdelay $0x1  }
0xa0: {  	(erf) = vpow2.f32 v0;
	_ =	sdelay $0x7  }
0xa1: {  	s30 =	sadd.s32 s0, s12  }
0xa2: {  	s22 =	sadd.s32 $0x10, s30;
	s21 =	sadd.s32 $0x20, s30;
	p2 =	slt.u32 s30, $0x50910;
	v0 =	vpop (erf)  }
0xa3: {  	s19 =	sadd.s32 $0x30, s30;
	s14 =	sadd.s32 $0x40, s30;
	s0 =	sadd.s32 $0x50, s30;
	v0 =	vpsel !p2, $0x0, v0  }
0xa4: {  	s31 =	sadd.s32 $0x60, s30;
	s30 =	sadd.s32 $0x70, s30;
	[tilespmem:s26+$0xFFFFFFC0] =	vst v0  }
0xa5: {  	v0 =	vld [tilespmem:s24+$0xFFFFFFD0]  }
0xa6: {  	v1 =	vld [tilespmem:s25+$0xFFFFFFD0];
	_ =	sdelay $0x4  }
0xa7: {  	v0 =	vadd.f32 v1, v0;
	_ =	sdelay $0x1  }
0xa8: {  	vm0 =	vgt.f32 v0, $0.0e+00;
	v1 =	vmul.f32 $2.000000030e-01, v0;
	_ =	sdelay $0x1  }
0xa9: {  	v0 =	vsel vm0, v0, v1  }
0xaa: {  	v0 =	vmul.f32 $1.442695020e+00, v0;
	_ =	sdelay $0x1  }
0xab: {  	(erf) = vpow2.f32 v0;
	_ =	sdelay $0x7  }
0xac: {  	p2 =	slt.u32 s22, $0x50910  }
0xad: {  	v0 =	vpop (erf)  }
0xae: {  	v0 =	vpsel !p2, $0x0, v0  }
0xaf: {  	[tilespmem:s26+$0xFFFFFFD0] =	vst v0  }
0xb0: {  	v0 =	vld [tilespmem:s24+$0xFFFFFFE0]  }
0xb1: {  	v1 =	vld [tilespmem:s25+$0xFFFFFFE0];
	_ =	sdelay $0x4  }
0xb2: {  	v0 =	vadd.f32 v1, v0;
	_ =	sdelay $0x1  }
0xb3: {  	vm0 =	vgt.f32 v0, $0.0e+00;
	v1 =	vmul.f32 $2.000000030e-01, v0;
	_ =	sdelay $0x1  }
0xb4: {  	v0 =	vsel vm0, v0, v1  }
0xb5: {  	v0 =	vmul.f32 $1.442695020e+00, v0;
	_ =	sdelay $0x1  }
0xb6: {  	(erf) = vpow2.f32 v0;
	_ =	sdelay $0x6  }
0xb7: {  	p2 =	slt.u32 s21, $0x50910;
	_ =	sdelay $0x1  }
0xb8: {  	v0 =	vpop (erf)  }
0xb9: {  	v0 =	vpsel !p2, $0x0, v0  }
0xba: {  	[tilespmem:s26+$0xFFFFFFE0] =	vst v0  }
0xbb: {  	v0 =	vld [tilespmem:s24+$0xFFFFFFF0]  }
0xbc: {  	v1 =	vld [tilespmem:s25+$0xFFFFFFF0];
	_ =	sdelay $0x4  }
0xbd: {  	v0 =	vadd.f32 v1, v0;
	_ =	sdelay $0x1  }
0xbe: {  	vm0 =	vgt.f32 v0, $0.0e+00;
	v1 =	vmul.f32 $2.000000030e-01, v0;
	_ =	sdelay $0x1  }
0xbf: {  	v0 =	vsel vm0, v0, v1  }
0xc0: {  	v0 =	vmul.f32 $1.442695020e+00, v0;
	_ =	sdelay $0x1  }
0xc1: {  	(erf) = vpow2.f32 v0;
	_ =	sdelay $0x5  }
0xc2: {  	p2 =	slt.u32 s19, $0x50910;
	_ =	sdelay $0x2  }
0xc3: {  	v0 =	vpop (erf)  }
0xc4: {  	v0 =	vpsel !p2, $0x0, v0  }
0xc5: {  	[tilespmem:s26+$0xFFFFFFF0] =	vst v0  }
0xc6: {  	v0 =	vld [tilespmem:s24+$0x0]  }
0xc7: {  	v1 =	vld [tilespmem:s25+$0x0];
	_ =	sdelay $0x4  }
0xc8: {  	v0 =	vadd.f32 v1, v0;
	_ =	sdelay $0x1  }
0xc9: {  	vm0 =	vgt.f32 v0, $0.0e+00;
	v1 =	vmul.f32 $2.000000030e-01, v0;
	_ =	sdelay $0x1  }
0xca: {  	v0 =	vsel vm0, v0, v1  }
0xcb: {  	v0 =	vmul.f32 $1.442695020e+00, v0;
	_ =	sdelay $0x1  }
0xcc: {  	(erf) = vpow2.f32 v0;
	_ =	sdelay $0x4  }
0xcd: {  	p2 =	slt.u32 s14, $0x50910;
	_ =	sdelay $0x3  }
0xce: {  	v0 =	vpop (erf)  }
0xcf: {  	v0 =	vpsel !p2, $0x0, v0  }
0xd0: {  	[tilespmem:s26+$0x0] =	vst v0  }
0xd1: {  	v0 =	vld [tilespmem:s24+$0x10]  }
0xd2: {  	v1 =	vld [tilespmem:s25+$0x10];
	_ =	sdelay $0x4  }
0xd3: {  	v0 =	vadd.f32 v1, v0;
	_ =	sdelay $0x1  }
0xd4: {  	vm0 =	vgt.f32 v0, $0.0e+00;
	v1 =	vmul.f32 $2.000000030e-01, v0;
	_ =	sdelay $0x1  }
0xd5: {  	v0 =	vsel vm0, v0, v1  }
0xd6: {  	v0 =	vmul.f32 $1.442695020e+00, v0;
	_ =	sdelay $0x1  }
0xd7: {  	(erf) = vpow2.f32 v0;
	_ =	sdelay $0x3  }
0xd8: {  	p2 =	slt.u32 s0, $0x50910;
	_ =	sdelay $0x4  }
0xd9: {  	v0 =	vpop (erf)  }
0xda: {  	v0 =	vpsel !p2, $0x0, v0  }
0xdb: {  	[tilespmem:s26+$0x10] =	vst v0  }
0xdc: {  	v0 =	vld [tilespmem:s24+$0x20]  }
0xdd: {  	v1 =	vld [tilespmem:s25+$0x20];
	_ =	sdelay $0x4  }
0xde: {  	v0 =	vadd.f32 v1, v0;
	_ =	sdelay $0x1  }
0xdf: {  	vm0 =	vgt.f32 v0, $0.0e+00;
	v1 =	vmul.f32 $2.000000030e-01, v0;
	_ =	sdelay $0x1  }
0xe0: {  	v0 =	vsel vm0, v0, v1  }
0xe1: {  	v0 =	vmul.f32 $1.442695020e+00, v0;
	_ =	sdelay $0x1  }
0xe2: {  	(erf) = vpow2.f32 v0;
	_ =	sdelay $0x2  }
0xe3: {  	p2 =	slt.u32 s31, $0x50910;
	_ =	sdelay $0x5  }
0xe4: {  	v0 =	vpop (erf)  }
0xe5: {  	v0 =	vpsel !p2, $0x0, v0  }
0xe6: {  	[tilespmem:s26+$0x20] =	vst v0  }
0xe7: {  	v0 =	vld [tilespmem:s24+$0x30]  }
0xe8: {  	v1 =	vld [tilespmem:s25+$0x30];
	_ =	sdelay $0x4  }
0xe9: {  	v0 =	vadd.f32 v1, v0;
	_ =	sdelay $0x1  }
0xea: {  	vm0 =	vgt.f32 v0, $0.0e+00;
	v1 =	vmul.f32 $2.000000030e-01, v0;
	_ =	sdelay $0x1  }
0xeb: {  	v0 =	vsel vm0, v0, v1  }
.Ltmp2:
0xec: {  	v0 =	vmul.f32 $1.442695020e+00, v0;
	(pc) =	sbr.rel @p1 .LBB2_6-.Ltmp2, $3  }
0xed: {  	_ = 	snop  }
0xee: {  	(erf) = vpow2.f32 v0;
	_ =	sdelay $0x1  }
0xef: {  	p2 =	slt.u32 s30, $0x50910  }
0xf0: {  	_ =	sdelay $0x5  }
0xf1: {  	v0 =	vpop (erf)  }
0xf2: {  	v0 =	vpsel !p2, $0x0, v0  }
0xf3: {  	s0 =	simm.s32 $0x0;
	s14 =	simm.s32 $0xB000;
	[tilespmem:s29+$0x30] =	vst v0  }
0xf4: {  	[hbm4b:s9+s0] =	stream.linear.scatter [tilespmem:s14], [sflag:$0x3], $0x2880, $0x38;
	[tilespmem:$0xDE80] =	vst v63  }
0xf5: {  	_ =	swait.ge [sflag:s13], $0x2880  }
0xf6: {  	[sflag:s13] =	ssyncset.done $0x0  }
0xf7: {  	[sflag:s13] =	ssyncadd.s32 $0xFFFFD780  }
0xf8: {  	s30 =	simm.s32 $0xB000;
	s31 =	simm.s32 $0x2C00;
	[bflag:$0x0] =	sbarrier.arrive $0xFFFF  }
0xf9: {  	[spmem:s1] =	stream.indirect.scatter.add.f32 [tilespmem:s30], [sflag:$0x3], $0x1, s31, s16, $0xb8;
	[tilespmem:$0xDE80] =	vst v63  }
0xfa: {  	s0 =	simm.s32 $0x200;
	_ =	swait.ge [sflag:s13], $0x80  }
.LBB2_8:
0xfb: {  	s14 =	sshra.s32 s0, $0x2  }
0xfc: {  	[sflag:s13] =	ssyncset.done $0x0;
	p1 =	sne.s32 s0, $0xA000;
	s19 =	sadd.s32 $0xB000, s14  }
.Ltmp3:
0xfd: {  	s14 =	sadd.s32 $0x2C00, s14;
	[sflag:s13] =	ssyncadd.s32 $0xFFFFFF80;
	(pc) =	sbr.rel @p1 .LBB2_8-.Ltmp3, $3  }
0xfe: {  	[spmem:s1] =	stream.indirect.scatter.add.f32 [tilespmem:s19], [sflag:$0x3], $0x1, s14, s16, $0xb8;
	[tilespmem:$0xDE80] =	vst v63  }
0xff: {  	s0 =	sadd.s32 $0x200, s0;
	_ =	sdelay $0x1  }
0x100: {  	_ =	swait.ge [sflag:s13], $0x80  }
0x101: {  	[sflag:s13] =	ssyncset.done $0x0  }
0x102: {  	s0 =	sshll.u32 s2, $0x6;
	s14 =	simm.s32 $0x20;
	s23 =	sadd.s32 $0x1, s23  }
0x103: {  	s19 =	simm.s32 $0x10;
	[sflag:s13] =	ssyncadd.s32 $0xFFFFFF80;
	p1 =	sne.s32 s23, s11  }
.Ltmp4:
0x104: {  	s0 =	sor.u32 $0x1C03, s0;
	[bflag:$0x0] =	sbarrier.arrive $0xFFFF;
	(pc) =	sbr.rel @p1 .LBB2_1-.Ltmp4, $4  }
0x105: {  	[hbm:s10@s14], [sflag:s0] =	dma.strided [spmem:s20@s19], $0x50, s17, $0x10   }
0x106: {  	_ =	swait.ge [sflag:s13], $0x50  }
0x107: {  	[sflag:s13] =	ssyncset.done $0x0  }
0x108: {  	[sflag:s13] =	ssyncadd.s32 $0xFFFFFFB0  }
0x109: {  	_ =	sfence.sel $0x180000  }
0x10a: {  	[bflag:$0x0] =	sbarrier.arrive $0xFFFF  }
0x10b: {  	_ =	strace $0x90000047  }
0x10c: {  	[bflag:$0x2] =	sbarrier.arrive $0xFFFF  }
0x10d: {  	s0 =	rddreg [dreg:$0x3]  }
0x10e: {  	s0 =	sadd.s32 @!p0 $0x100000, s0  }
0x10f: {  	[sflag:s0] =	ssyncadd.tile.s32 @!p0 $0x1;
	_ =	shalt  }
.Lfunc_end2:
_tile_overlayer_lowered:
.L_overlay_start_2:
0x110: {  	(tag) =	ssettag $0x2  }
0x111: {  	s0 =	rddreg [dreg:$0x0];
	s2 =	stileid.u32  }
0x112: {  	s1 =	rddreg [dreg:$0x1];
	p0 =	sne.s32 s2, $0x0  }
0x113: {  	s3 =	rddreg [dreg:$0x2];
	[bflag:$0x3] =	sbarrier.arrive $0xFFFF;
	s2 =	simm.s32 @!p0 $0x1C03  }
0x114: {  	[timem:s3], [sflag:s2] =	dma.local @!p0 [hbm:s0], s1  }
0x115: {  	s0 =	simm.s32 @!p0 $0x3  }
0x116: {  	_ =	swait.ge @!p0 [sflag:s0], s1  }
0x117: {  	s1 =	ssub.s32 @!p0 $0x0, s1;
	[sflag:s0] =	ssyncset.done @!p0 $0x0  }
0x118: {  	[sflag:s0] =	ssyncadd.s32 @!p0 s1  }
0x119: {  	[bflag:$0x3] =	sbarrier.arrive $0xFFFF  }
0x11a: {  	_ =	shalt  }

// kernel: kernel.13.cloned.1.call-start
scs
__scs_entry_jumppad:
0x0: {  	(pc) =	sbr.rel $0x88, $3  }
0x1: {  	(tag) =	ssettag $0x0;
	lr =	simm.s32 $0x1  }
0x2: {  	[smem:$0x3F8F] =	sst lr;
	_ =	strace $0xD0000000  }
0x3: {  	_ = 	snop  }
0x4: {  	_ = 	snop  }
0x5: {  	_ = 	snop  }
0x6: {  	_ = 	snop  }
0x7: {  	_ = 	snop  }
__scs_overlays_trampoline_lowered:
0x8: {  	[smem:$0x3F9E] =	sst s0  }
0x9: {  	[smem:$0x3F9F] =	sst s1  }
0xa: {  	[smem:$0x3FA0] =	sst s2  }
0xb: {  	[smem:$0x3FA1] =	sst s3  }
0xc: {  	[smem:$0x3FA2] =	sst s4  }
0xd: {  	[smem:$0x3FA3] =	sst s5  }
0xe: {  	[smem:$0x3FA4] =	sst s6  }
0xf: {  	[smem:$0x3FA5] =	sst s7  }
0x10: {  	[smem:$0x3FA6] =	sst s8  }
0x11: {  	[smem:$0x3FA7] =	sst s9;
	s0 =	simm.s32 @!p0 $0x0  }
0x12: {  	s1 =	sld [smem:$0x3F8D];
	s0 =	simm.s32 @p0 $0x1  }
0x13: {  	[smem:$0x3FA8] =	sst s0;
	s0 =	simm.s32 @!p1 $0x0  }
0x14: {  	s2 =	sld [smem:$0x3F8C];
	s0 =	simm.s32 @p1 $0x1  }
0x15: {  	[smem:$0x3FA9] =	sst s0;
	s0 =	simm.s32 @!p2 $0x0  }
0x16: {  	s3 =	sld [smem:$0x3FDB];
	s0 =	simm.s32 @p2 $0x1  }
0x17: {  	s4 =	simm.s32 $0x1BF5;
	[smem:$0x3FAB] =	sst s0  }
0x18: {  	s0 =	sld [smem:$0x3F8E];
	_ =	swait.ge [sflag:s4], $0x0  }
0x19: {  	s7 =	sld [smem:$0x3F8F]  }
0x1a: {  	s8 =	sadd.s32 $0xFFFFE003, lr  }
0x1b: {  	s9 =	sadd.s32 $0xFFFFFEF7, lr;
	s5 =	simm.s32 $0xFFFFFFFF;
	p2 =	slt.u32 s8, $0xFFFFF086  }
0x1c: {  	p1 =	slt.u32 s9, $0xF7A;
	s5 =	simm.s32 @!p2 $0x0  }
0x1d: {  	s5 =	simm.s32 @p1 $0x1;
	p0 =	seq.s32 s7, s2  }
0x1e: {  	s7 =	smul.u32 @!p0 $0xF7A, s2;
	p2 =	seq.s32 @!p0 s5, $0x0  }
0x1f: {  	s9 =	smul.u32 $0xF7A, s1;
	s8 =	simm.s32 @!p0 $0x1BF5;
	p2 =	por !p2, p0  }
0x20: {  	[sflag:s8] =	ssyncset.s32 @!p0 $0xFFFFF086;
	s6 =	sadd.s32 @!p0 s3, s7;
	s7 =	simm.s32 @!p0 $0x108  }
0x21: {  	s3 =	sadd.s32 s3, s9;
	s6 =	sadd.s32 @!p0 $0x88, s6;
	s7 =	simm.s32 @p2 $0x1082  }
0x22: {  	[simem:s7], [sflag:s8] =	dma.local @!p0 [hbm:s6], $0xF7A  }
0x23: {  	s9 =	sor.u32 $0xD0000000, s2;
	s6 =	simm.s32 $0x108;
	_ =	swait.ge @!p0 [sflag:s8], $0x0  }
0x24: {  	s3 =	sadd.s32 $0x88, s3;
	s6 =	simm.s32 @!p1 $0x1082;
	[sflag:s4] =	ssyncset.s32 $0xFFFFF086  }
0x25: {  	[simem:s6], [sflag:s4] =	dma.local [hbm:s3], $0xF7A  }
0x26: {  	[smem:$0x3F8F] =	sst s1;
	(tag) =	ssettag s2;
	_ =	strace s9  }
0x27: {  	s1 =	sld [smem:$0x3F9F]  }
0x28: {  	s2 =	sld [smem:$0x3FA0]  }
0x29: {  	s4 =	sld [smem:$0x3FA2]  }
0x2a: {  	p0 =	seq.s32 s5, $0x0;
	s5 =	sld [smem:$0x3FA3]  }
0x2b: {  	s6 =	sld [smem:$0x3FA4]  }
0x2c: {  	s7 =	sld [smem:$0x3FA5]  }
0x2d: {  	s3 =	simm.s32 $0x108;
	s8 =	sld [smem:$0x3FA6]  }
0x2e: {  	s3 =	simm.s32 @!p0 $0x1082;
	s9 =	sld [smem:$0x3FA7]  }
0x2f: {  	lr =	sadd.s32 s0, s3;
	s0 =	sld [smem:$0x3F9E]  }
0x30: {  	s3 =	sld [smem:$0x3FA1]  }
0x31: {  	[smem:$0x3FAA] =	sst s10  }
0x32: {  	s10 =	sld [smem:$0x3FA8];
	_ =	sdelay $0x3  }
0x33: {  	p0 =	seq.s32 s10, $0x1;
	s10 =	sld [smem:$0x3FAA];
	_ =	sdelay $0x3  }
0x34: {  	[smem:$0x3FAA] =	sst s10  }
0x35: {  	s10 =	sld [smem:$0x3FA9];
	_ =	sdelay $0x3  }
0x36: {  	p1 =	seq.s32 s10, $0x1;
	s10 =	sld [smem:$0x3FAA];
	_ =	sdelay $0x3  }
0x37: {  	[smem:$0x3FAA] =	sst s10  }
0x38: {  	s10 =	sld [smem:$0x3FAB]  }
0x39: {  	_ = 	snop;
	(pc) =	sbr.ind lr, $3  }
0x3a: {  	_ = 	snop  }
0x3b: {  	_ = 	snop  }
0x3c: {  	p2 =	seq.s32 s10, $0x1;
	s10 =	sld [smem:$0x3FAA]  }
0x3d: {  	_ =	shalt  }
0x3e: {  	_ =	shalt  }
0x3f: {  	_ =	shalt  }
0x40: {  	_ =	shalt  }
0x41: {  	_ =	shalt  }
0x42: {  	_ =	shalt  }
0x43: {  	_ =	shalt  }
0x44: {  	_ =	shalt  }
0x45: {  	_ =	shalt  }
0x46: {  	_ =	shalt  }
0x47: {  	_ =	shalt  }
0x48: {  	_ =	shalt  }
0x49: {  	_ =	shalt  }
0x4a: {  	_ =	shalt  }
0x4b: {  	_ =	shalt  }
0x4c: {  	_ =	shalt  }
0x4d: {  	_ =	shalt  }
0x4e: {  	_ =	shalt  }
0x4f: {  	_ =	shalt  }
0x50: {  	_ =	shalt  }
0x51: {  	_ =	shalt  }
0x52: {  	_ =	shalt  }
0x53: {  	_ =	shalt  }
0x54: {  	_ =	shalt  }
0x55: {  	_ =	shalt  }
0x56: {  	_ =	shalt  }
0x57: {  	_ =	shalt  }
0x58: {  	_ =	shalt  }
0x59: {  	_ =	shalt  }
0x5a: {  	_ =	shalt  }
0x5b: {  	_ =	shalt  }
0x5c: {  	_ =	shalt  }
0x5d: {  	_ =	shalt  }
0x5e: {  	_ =	shalt  }
0x5f: {  	_ =	shalt  }
0x60: {  	_ =	shalt  }
0x61: {  	_ =	shalt  }
0x62: {  	_ =	shalt  }
0x63: {  	_ =	shalt  }
0x64: {  	_ =	shalt  }
0x65: {  	_ =	shalt  }
0x66: {  	_ =	shalt  }
0x67: {  	_ =	shalt  }
0x68: {  	_ =	shalt  }
0x69: {  	_ =	shalt  }
0x6a: {  	_ =	shalt  }
0x6b: {  	_ =	shalt  }
0x6c: {  	_ =	shalt  }
0x6d: {  	_ =	shalt  }
0x6e: {  	_ =	shalt  }
0x6f: {  	_ =	shalt  }
0x70: {  	_ =	shalt  }
0x71: {  	_ =	shalt  }
0x72: {  	_ =	shalt  }
0x73: {  	_ =	shalt  }
0x74: {  	_ =	shalt  }
0x75: {  	_ =	shalt  }
0x76: {  	_ =	shalt  }
0x77: {  	_ =	shalt  }
0x78: {  	_ =	shalt  }
0x79: {  	_ =	shalt  }
0x7a: {  	_ =	shalt  }
0x7b: {  	_ =	shalt  }
0x7c: {  	_ =	shalt  }
0x7d: {  	_ =	shalt  }
0x7e: {  	_ =	shalt  }
0x7f: {  	_ =	shalt  }
0x80: {  	_ =	shalt  }
0x81: {  	_ =	shalt  }
0x82: {  	_ =	shalt  }
0x83: {  	_ =	shalt  }
0x84: {  	_ =	shalt  }
0x85: {  	_ =	shalt  }
0x86: {  	_ =	shalt  }
0x87: {  	_ =	shalt  }
.Lfunc_end0:
.L_simem_size_0:
called_computation.3_lowered:
.L_overlay_start_0:
0x88: {  	s2 =	sld [smem:$0x3FD9]  }
0x89: {  	s3 =	sld [smem:$0x3FFE];
	_ =	sdelay $0x1  }
0x8a: {  	s1 =	srdreg.scid  }
0x8b: {  	s0 =	sand.u32 $0x1, s1  }
0x8c: {  	s17 =	sshll.u32 s0, $0xA;
	s2 =	sadd.s32 s3, s2  }
0x8d: {  	s2 =	sadd.s32 s2, s17  }
0x8e: {  	[smem:$0x3FB6] =	sst s2  }
0x8f: {  	_ = 	snop  }
0x90: {  	s2 =	sld [smem:$0x3FD0];
	(tm) =	ssettm $0x1  }
0x91: {  	s18 =	sld [smem:$0x3FFB];
	_ =	sdelay $0x3  }
0x92: {  	_ =	strace s18  }
0x93: {  	s3 =	sld [smem:$0x3FFC];
	_ =	sdelay $0x3  }
0x94: {  	_ =	strace s3  }
0x95: {  	s3 =	sld [smem:$0x3FFD];
	_ =	sdelay $0x3  }
0x96: {  	_ =	strace s3  }
0x97: {  	_ =	strace $0x8FFFFFFF  }
0x98: {  	s19 =	sld [smem:$0x3FDB];
	_ =	sdelay $0x1  }
0x99: {  	s4 =	simm.s32 $_scs_section_size  }
0x9a: {  	s5 =	simm.s32 $_size__tile_overlayer_lowered;
	s6 =	simm.s32 $_tile_overlayer_lowered  }
0x9b: {  	s22 =	simm.s32 $0x1BFF;
	s21 =	sshll.u32 s6, $0x1;
	s3 =	sadd.s32 s4, s19  }
0x9c: {  	s7 =	simm.s32 $0x0;
	s20 =	sshll.u32 s5, $0x1;
	s5 =	sadd.s32 s21, s3  }
0x9d: {  	[timem:s7], [sflag:s22] =	dma.local [hbm:s5], s20  }
0x9e: {  	_ =	swait.ge [sflag:s22], s20  }
0x9f: {  	s4 =	ssub.s32 $0x0, s20;
	[sflag:s22] =	ssyncset.done $0x0  }
0xa0: {  	[sflag:s22] =	ssyncadd.s32 s4;
	_ =	sdelay $0x1  }
0xa1: {  	s23 =	simm.s32 $0x1B8B  }
0xa2: {  	_ =	swait.ge [sflag:s23], $0x1  }
0xa3: {  	[sflag:s23] =	ssyncset.done $0x0  }
0xa4: {  	s25 =	simm.s32 $0x1B8E;
	s24 =	sld [smem:$0x3FFE];
	[sflag:s23] =	ssyncadd.s32 $0xFFFFFFFF  }
0xa5: {  	s26 =	simm.s32 $execute0_lowered;
	[smem:$0x3FD2] =	sst s25  }
0xa6: {  	s5 =	sshll.u32 s26, $0x1;
	_ =	strace $0x8000004C;
	[dreg:$0x1] =	wrdreg $0xFFFFFFFF  }
0xa7: {  	s28 =	simm.s32 $_size_execute0_lowered;
	s3 =	sadd.s32 s3, s5;
	[dreg:$0x0] =	wrdreg $0x0  }
0xa8: {  	s5 =	sshll.u32 s28, $0x1;
	[dreg:$0x2] =	wrdreg s3  }
0xa9: {  	[dreg:$0x3] =	wrdreg s5  }
0xaa: {  	[dreg:$0x4] =	wrdreg $0xC0  }
0xab: {  	_ =	task [dreg:s7], $0x5FFFF  }
0xac: {  	[dreg:$0x1] =	wrdreg $0xFFFFFFFF  }
0xad: {  	[dreg:$0x0] =	wrdreg $0x60  }
0xae: {  	[dreg:$0x2] =	wrdreg s2  }
0xaf: {  	[dreg:$0x3] =	wrdreg s24  }
0xb0: {  	[dreg:$0x4] =	wrdreg $0xDC000  }
0xb1: {  	[dreg:$0x5] =	wrdreg $0xA  }
0xb2: {  	_ =	task.clear_ibuf [dreg:s7], $0x6FFFF;
	_ =	strace $0x9000004C  }
0xb3: {  	s29 =	simm.s32 $0xA;
	_ =	strace $0x8000004E  }
0xb4: {  	_ =	swait.ge [sflag:s29], $0x1  }
0xb5: {  	[sflag:s29] =	ssyncadd.s32 $0xFFFFFFFF  }
0xb6: {  	_ =	strace $0x9000004E  }
0xb7: {  	_ =	sfence  }
0xb8: {  	s30 =	sld [smem:$0x0];
	_ =	sdelay $0x2  }
0xb9: {  	s31 =	sshll.u32 s1, $0xD;
	s1 =	sshrl.u32 s1, $0x2  }
0xba: {  	s3 =	sand.u32 $0x4000, s31;
	s1 =	sadd.s32 s1, s30  }
0xbb: {  	s0 =	sor.u32 s3, s0;
	s1 =	sshll.u32 s1, $0x11  }
0xbc: {  	s0 =	sor.u32 s1, s0  }
0xbd: {  	s0 =	sadd.s32 $0x8F2B, s0  }
0xbe: {  	[sflag:s0] =	ssyncadd.remote.s32 $0x1  }
0xbf: {  	_ =	sfence.sel $0xFFFF  }
0xc0: {  	[dreg:$0x0] =	wrdreg $0xFFFFFFFF;
	(pc) =	sbr.abs _section_cstart, $3  }
0xc1: {  	[dreg:$0x1] =	wrdreg $0xFFFFFFFF  }
0xc2: {  	_ =	task.clear_ibuf [dreg:s7], $0x2FFFF;
	_ =	strace $0x9FFFFFFF  }
0xc3: {  	(tm) =	ssettm $0x7FFFFFFF  }
tec
execute0_lowered:
.L_overlay_start_1:
0x0: {  	(tag) =	ssettag $0x1  }
0x1: {  	s0 =	rddreg [dreg:$0x0]  }
0x2: {  	s8 =	rddreg [dreg:$0x1]  }
0x3: {  	s1 =	rddreg [dreg:$0x2]  }
0x4: {  	s2 =	simm.s32 $0x0;
	s6 =	srdreg.scid;
	s5 =	stileid.u32  }
0x5: {  	s16 =	simm.s32 $0x80;
	s17 =	simm.s32 $0x1;
	s18 =	simm.s32 $0x2  }
0x6: {  	s23 =	simm.s32 $0x0;
	[smem:$0x7FF] =	sst s2;
	s3 =	sadd.s32 $0x14F800, s8  }
0x7: {  	s4 =	sadd.s32 $0x14F200, s8;
	s9 =	sand.u32 $0x1, s6;
	s7 =	smul.u32 $0x500, s5  }
0x8: {  	s10 =	sshll.u32 s5, $0x1;
	s6 =	sadd.s32 $0x14EC00, s8;
	s13 =	smul.u32 $0xA00, s5  }
0x9: {  	s29 =	smul.u32 $0x5100, s5;
	p0 =	sne.s32 s5, $0x0;
	_ =	strace $0x8000004D  }
0xa: {  	s11 =	sshll.u32 s9, $0x7;
	s10 =	sor.u32 s9, s10;
	s28 =	ssub.s32 $0x2, s9  }
0xb: {  	s30 =	smul.u32 $0x2880, s9;
	s15 =	sshrl.u32 @!p0 s1, $0x3;
	s7 =	sor.u32 s11, s7  }
0xc: {  	s10 =	smul.u32 $0x580, s10;
	s12 =	sshrl.u32 s28, $0x1;
	s13 =	sshrl.u32 s13, $0x2  }
0xd: {  	s7 =	sshrl.u32 s7, $0x3;
	s11 =	ssub.s32 s28, s12;
	s31 =	sadd.s32 s13, s1  }
0xe: {  	s12 =	sadd.s32 s30, s29;
	s13 =	simm.s32 $0x3;
	s14 =	sadd.s32 s7, s8  }
0xf: {  	s7 =	sadd.s32 s0, s10;
	s8 =	sadd.s32 s8, s10;
	s11 =	smax.u32 s11, $0x1  }
0x10: {  	s20 =	sshrl.u32 s31, $0x3;
	s9 =	sadd.s32 $0x143C00, s8;
	s10 =	sadd.s32 $0x14FE00, s14  }
.LBB2_1:
0x11: {  	[tilespmem:s2], [sflag:$0x3] =	stream.linear.gather [hbm4b:s7+s2], $0x2880, $0x38;
	[tilespmem:$0xDE80] =	vst v63  }
0x12: {  	_ =	swait.ge [sflag:s13], $0x2880  }
0x13: {  	[sflag:s13] =	ssyncset.done $0x0  }
0x14: {  	s0 =	simm.s32 $0x2C00;
	[sflag:s13] =	ssyncadd.s32 $0xFFFFD780  }
0x15: {  	[tilespmem:s0], [sflag:$0x3] =	stream.linear.gather [hbm4b:s9+s2], $0x2880, $0x38;
	[tilespmem:$0xDE80] =	vst v63  }
0x16: {  	_ =	swait.ge [sflag:s13], $0x2880  }
0x17: {  	[sflag:s13] =	ssyncset.done $0x0  }
0x18: {  	s0 =	simm.s32 @!p0 $0x1C03;
	[sflag:s13] =	ssyncadd.s32 $0xFFFFD780  }
0x19: {  	[spmem:s15], [sflag:s0] =	dma.local @!p0 [hbm:s6], $0x500  }
0x1a: {  	s0 =	simm.s32 @!p0 $0x3  }
0x1b: {  	_ =	swait.ge @!p0 [sflag:s0], $0x500  }
0x1c: {  	[sflag:s0] =	ssyncset.done @!p0 $0x0  }
0x1d: {  	s31 =	simm.s32 $0x0;
	s14 =	simm.s32 $0x5800;
	[sflag:s0] =	ssyncadd.s32 @!p0 $0xFFFFFB00  }
0x1e: {  	[tilespmem:s14], [sflag:$0x1] =	stream.indirect.gather [hbm4b:s3+s16], $0x1, s31, s16, $0xb8;
	[tilespmem:$0xDE80] =	vst v63  }
0x1f: {  	s19 =	simm.s32 $0x2C00;
	s0 =	simm.s32 $0x200;
	s14 =	simm.s32 $0x8400  }
.LBB2_2:
0x20: {  	[tilespmem:s14], [sflag:$0x2] =	stream.indirect.gather [hbm4b:s4+s16], $0x1, s19, s16, $0xb8;
	[tilespmem:$0xDE80] =	vst v63  }
0x21: {  	s14 =	smov.u32 s0;
	p1 =	sne.s32 s0, $0xA000  }
.Ltmp0:
0x22: {  	s0 =	sadd.s32 $0x200, s0;
	(pc) =	sbr.rel @p1 .LBB2_2-.Ltmp0, $4  }
0x23: {  	s19 =	sshra.s32 s14, $0x2  }
0x24: {  	s14 =	sadd.s32 $0x5800, s19  }
0x25: {  	[tilespmem:s14], [sflag:$0x1] =	stream.indirect.gather [hbm4b:s3+s16], $0x1, s19, s16, $0xb8;
	[tilespmem:$0xDE80] =	vst v63  }
0x26: {  	s14 =	sadd.s32 $0x8400, s19;
	s19 =	sadd.s32 $0x2C00, s19  }
0x27: {  	[tilespmem:s14], [sflag:$0x2] =	stream.indirect.gather [hbm4b:s4+s16], $0x1, s19, s16, $0xb8;
	[tilespmem:$0xDE80] =	vst v63  }
0x28: {  	_ =	swait.ge [sflag:s17], $0x80  }
0x29: {  	[sflag:s17] =	ssyncset.done $0x0  }
0x2a: {  	[sflag:s17] =	ssyncadd.s32 $0xFFFFFF80  }
0x2b: {  	_ =	swait.ge [sflag:s18], $0x80  }
0x2c: {  	s0 =	simm.s32 $0x50;
	[sflag:s18] =	ssyncset.done $0x0  }
.LBB2_4:
0x2d: {  	p1 =	sne.s32 s0, $0x1;
	s0 =	sadd.s32 $0xFFFFFFFF, s0;
	[sflag:s18] =	ssyncadd.s32 $0xFFFFFF80  }
.Ltmp1:
0x2e: {  	_ =	swait.ge [sflag:s17], $0x80;
	(pc) =	sbr.rel @p1 .LBB2_4-.Ltmp1, $4  }
0x2f: {  	[sflag:s17] =	ssyncset.done $0x0  }
0x30: {  	[sflag:s17] =	ssyncadd.s32 $0xFFFFFF80  }
0x31: {  	_ =	swait.ge [sflag:s18], $0x80  }
0x32: {  	[sflag:s18] =	ssyncset.done $0x0  }
0x33: {  	[sflag:s18] =	ssyncadd.s32 $0xFFFFFF80;
	s24 =	simm.s32 $0x5840  }
0x34: {  	s25 =	simm.s32 $0x8440;
	v0 =	vld [tilespmem:s24+$0xFFFFFFC0]  }
0x35: {  	v1 =	vld [tilespmem:s25+$0xFFFFFFC0];
	_ =	sdelay $0x4  }
0x36: {  	v0 =	vadd.f32 v1, v0;
	_ =	sdelay $0x1  }
0x37: {  	v1 =	vmul.f32 $2.000000030e-01, v0  }
0x38: {  	vm0 =	vgt.f32 v0, $0.0e+00  }
0x39: {  	v0 =	vsel vm0, v0, v1  }
0x3a: {  	v0 =	vmul.f32 $1.442695020e+00, v0;
	_ =	sdelay $0x1  }
0x3b: {  	(erf) = vpow2.f32 v0;
	_ =	sdelay $0x7  }
0x3c: {  	s0 =	sadd.s32 $0x0, s12  }
0x3d: {  	p1 =	slt.u32 s0, $0x50910;
	v0 =	vpop (erf)  }
0x3e: {  	s26 =	simm.s32 $0xB040;
	v0 =	vpsel !p1, $0x0, v0  }
0x3f: {  	[tilespmem:s26+$0xFFFFFFC0] =	vst v0  }
0x40: {  	v0 =	vld [tilespmem:s24+$0xFFFFFFD0]  }
0x41: {  	v57 =	vld [tilespmem:s25+$0xFFFFFFD0];
	_ =	sdelay $0x4  }
0x42: {  	v0 =	vadd.f32 v57, v0;
	_ =	sdelay $0x1  }
0x43: {  	v1 =	vmul.f32 $2.000000030e-01, v0  }
0x44: {  	vm9 =	vgt.f32 v0, $0.0e+00  }
0x45: {  	v0 =	vsel vm9, v0, v1  }
0x46: {  	v0 =	vmul.f32 $1.442695020e+00, v0;
	_ =	sdelay $0x1  }
0x47: {  	(erf) = vpow2.f32 v0;
	_ =	sdelay $0x7  }
0x48: {  	s14 =	sadd.s32 $0x10, s0  }
0x49: {  	p6 =	slt.u32 s14, $0x50910;
	v0 =	vpop (erf)  }
0x4a: {  	v0 =	vpsel !p6, $0x0, v0  }
0x4b: {  	[tilespmem:s26+$0xFFFFFFD0] =	vst v0  }
0x4c: {  	v0 =	vld [tilespmem:s24+$0xFFFFFFE0]  }
0x4d: {  	v58 =	vld [tilespmem:s25+$0xFFFFFFE0];
	_ =	sdelay $0x4  }
0x4e: {  	v0 =	vadd.f32 v58, v0;
	_ =	sdelay $0x1  }
0x4f: {  	v1 =	vmul.f32 $2.000000030e-01, v0  }
0x50: {  	vm10 =	vgt.f32 v0, $0.0e+00  }
0x51: {  	v0 =	vsel vm10, v0, v1  }
0x52: {  	v0 =	vmul.f32 $1.442695020e+00, v0;
	_ =	sdelay $0x1  }
0x53: {  	(erf) = vpow2.f32 v0;
	_ =	sdelay $0x7  }
0x54: {  	s19 =	sadd.s32 $0x20, s0  }
0x55: {  	p2 =	slt.u32 s19, $0x50910;
	v0 =	vpop (erf)  }
0x56: {  	v0 =	vpsel !p2, $0x0, v0  }
0x57: {  	[tilespmem:s26+$0xFFFFFFE0] =	vst v0  }
0x58: {  	v0 =	vld [tilespmem:s24+$0xFFFFFFF0]  }
0x59: {  	v59 =	vld [tilespmem:s25+$0xFFFFFFF0];
	_ =	sdelay $0x4  }
0x5a: {  	v0 =	vadd.f32 v59, v0;
	_ =	sdelay $0x1  }
0x5b: {  	v1 =	vmul.f32 $2.000000030e-01, v0  }
0x5c: {  	vm11 =	vgt.f32 v0, $0.0e+00  }
0x5d: {  	v0 =	vsel vm11, v0, v1  }
0x5e: {  	v0 =	vmul.f32 $1.442695020e+00, v0;
	_ =	sdelay $0x1  }
0x5f: {  	(erf) = vpow2.f32 v0;
	_ =	sdelay $0x7  }
0x60: {  	s21 =	sadd.s32 $0x30, s0  }
0x61: {  	p3 =	slt.u32 s21, $0x50910;
	v0 =	vpop (erf)  }
0x62: {  	v0 =	vpsel !p3, $0x0, v0  }
0x63: {  	[tilespmem:s26+$0xFFFFFFF0] =	vst v0  }
0x64: {  	v0 =	vld [tilespmem:s24+$0x0]  }
0x65: {  	v60 =	vld [tilespmem:s25+$0x0];
	_ =	sdelay $0x4  }
0x66: {  	v0 =	vadd.f32 v60, v0;
	_ =	sdelay $0x1  }
0x67: {  	v1 =	vmul.f32 $2.000000030e-01, v0  }
0x68: {  	vm12 =	vgt.f32 v0, $0.0e+00  }
0x69: {  	v0 =	vsel vm12, v0, v1  }
0x6a: {  	v0 =	vmul.f32 $1.442695020e+00, v0;
	_ =	sdelay $0x1  }
0x6b: {  	(erf) = vpow2.f32 v0;
	_ =	sdelay $0x7  }
0x6c: {  	s22 =	sadd.s32 $0x40, s0  }
0x6d: {  	p4 =	slt.u32 s22, $0x50910;
	v0 =	vpop (erf)  }
0x6e: {  	v0 =	vpsel !p4, $0x0, v0  }
0x6f: {  	[tilespmem:s26+$0x0] =	vst v0  }
0x70: {  	v0 =	vld [tilespmem:s24+$0x10]  }
0x71: {  	v61 =	vld [tilespmem:s25+$0x10];
	_ =	sdelay $0x4  }
0x72: {  	v0 =	vadd.f32 v61, v0;
	_ =	sdelay $0x1  }
0x73: {  	v1 =	vmul.f32 $2.000000030e-01, v0  }
0x74: {  	vm13 =	vgt.f32 v0, $0.0e+00  }
0x75: {  	v0 =	vsel vm13, v0, v1  }
0x76: {  	v0 =	vmul.f32 $1.442695020e+00, v0;
	_ =	sdelay $0x1  }
0x77: {  	(erf) = vpow2.f32 v0;
	_ =	sdelay $0x7  }
0x78: {  	s30 =	sadd.s32 $0x50, s0  }
0x79: {  	p5 =	slt.u32 s30, $0x50910;
	v0 =	vpop (erf)  }
0x7a: {  	v0 =	vpsel !p5, $0x0, v0  }
0x7b: {  	[tilespmem:s26+$0x10] =	vst v0  }
0x7c: {  	v0 =	vld [tilespmem:s24+$0x20]  }
0x7d: {  	v62 =	vld [tilespmem:s25+$0x20];
	_ =	sdelay $0x4  }
0x7e: {  	v0 =	vadd.f32 v62, v0;
	_ =	sdelay $0x1  }
0x7f: {  	v1 =	vmul.f32 $2.000000030e-01, v0  }
0x80: {  	vm14 =	vgt.f32 v0, $0.0e+00  }
0x81: {  	v0 =	vsel vm14, v0, v1  }
0x82: {  	v0 =	vmul.f32 $1.442695020e+00, v0;
	_ =	sdelay $0x1  }
0x83: {  	(erf) = vpow2.f32 v0;
	_ =	sdelay $0x7  }
0x84: {  	s31 =	sadd.s32 $0x60, s0  }
0x85: {  	p6 =	slt.u32 s31, $0x50910;
	v0 =	vpop (erf)  }
0x86: {  	v0 =	vpsel !p6, $0x0, v0  }
0x87: {  	[tilespmem:s26+$0x20] =	vst v0  }
0x88: {  	v0 =	vld [tilespmem:s24+$0x30]  }
0x89: {  	v63 =	vld [tilespmem:s25+$0x30];
	_ =	sdelay $0x4  }
0x8a: {  	v0 =	vadd.f32 v63, v0;
	_ =	sdelay $0x1  }
0x8b: {  	v1 =	vmul.f32 $2.000000030e-01, v0  }
0x8c: {  	vm15 =	vgt.f32 v0, $0.0e+00  }
0x8d: {  	v0 =	vsel vm15, v0, v1  }
0x8e: {  	v0 =	vmul.f32 $1.442695020e+00, v0;
	_ =	sdelay $0x1  }
0x8f: {  	(erf) = vpow2.f32 v0  }
0x90: {  	s0 =	sadd.s32 $0x70, s0  }
0x91: {  	s28 =	simm.s32 $0x80;
	s29 =	simm.s32 $0xB040;
	p2 =	slt.u32 s0, $0x50910  }
.LBB2_6:
0x92: {  	_ = 	snop  }
0x93: {  	s26 =	sadd.s32 $0x80, s26;
	s24 =	sadd.s32 $0x80, s24;
	s25 =	sadd.s32 $0x80, s25  }
0x94: {  	p1 =	sne.s32 s28, $0x2800;
	s0 =	smov.u32 s28;
	s28 =	sadd.s32 $0x80, s28  }
0x95: {  	_ =	sdelay $0x2  }
0x96: {  	v0 =	vpop (erf)  }
0x97: {  	v0 =	vpsel !p2, $0x0, v0  }
0x98: {  	[tilespmem:s29+$0x30] =	vst v0;
	s29 =	smov.u32 s26  }
0x99: {  	v0 =	vld [tilespmem:s24+$0xFFFFFFC0]  }
0x9a: {  	v1 =	vld [tilespmem:s25+$0xFFFFFFC0];
	_ =	sdelay $0x4  }
0x9b: {  	v0 =	vadd.f32 v1, v0;
	_ =	sdelay $0x1  }
0x9c: {  	v1 =	vmul.f32 $2.000000030e-01, v0  }
0x9d: {  	vm0 =	vgt.f32 v0, $0.0e+00  }
0x9e: {  	v0 =	vsel vm0, v0, v1  }
0x9f: {  	v0 =	vmul.f32 $1.442695020e+00, v0;
	_ =	sdelay $0x1  }
0xa0: {  	(erf) = vpow2.f32 v0;
	_ =	sdelay $0x7  }
0xa1: {  	s30 =	sadd.s32 s0, s12  }
0xa2: {  	s22 =	sadd.s32 $0x10, s30;
	s21 =	sadd.s32 $0x20, s30;
	p2 =	slt.u32 s30, $0x50910;
	v0 =	vpop (erf)  }
0xa3: {  	s19 =	sadd.s32 $0x30, s30;
	s14 =	sadd.s32 $0x40, s30;
	s0 =	sadd.s32 $0x50, s30;
	v0 =	vpsel !p2, $0x0, v0  }
0xa4: {  	s31 =	sadd.s32 $0x60, s30;
	s30 =	sadd.s32 $0x70, s30;
	[tilespmem:s26+$0xFFFFFFC0] =	vst v0  }
0xa5: {  	v0 =	vld [tilespmem:s24+$0xFFFFFFD0]  }
0xa6: {  	v1 =	vld [tilespmem:s25+$0xFFFFFFD0];
	_ =	sdelay $0x4  }
0xa7: {  	v0 =	vadd.f32 v1, v0;
	_ =	sdelay $0x1  }
0xa8: {  	vm0 =	vgt.f32 v0, $0.0e+00;
	v1 =	vmul.f32 $2.000000030e-01, v0;
	_ =	sdelay $0x1  }
0xa9: {  	v0 =	vsel vm0, v0, v1  }
0xaa: {  	v0 =	vmul.f32 $1.442695020e+00, v0;
	_ =	sdelay $0x1  }
0xab: {  	(erf) = vpow2.f32 v0;
	_ =	sdelay $0x7  }
0xac: {  	p2 =	slt.u32 s22, $0x50910  }
0xad: {  	v0 =	vpop (erf)  }
0xae: {  	v0 =	vpsel !p2, $0x0, v0  }
0xaf: {  	[tilespmem:s26+$0xFFFFFFD0] =	vst v0  }
0xb0: {  	v0 =	vld [tilespmem:s24+$0xFFFFFFE0]  }
0xb1: {  	v1 =	vld [tilespmem:s25+$0xFFFFFFE0];
	_ =	sdelay $0x4  }
0xb2: {  	v0 =	vadd.f32 v1, v0;
	_ =	sdelay $0x1  }
0xb3: {  	vm0 =	vgt.f32 v0, $0.0e+00;
	v1 =	vmul.f32 $2.000000030e-01, v0;
	_ =	sdelay $0x1  }
0xb4: {  	v0 =	vsel vm0, v0, v1  }
0xb5: {  	v0 =	vmul.f32 $1.442695020e+00, v0;
	_ =	sdelay $0x1  }
0xb6: {  	(erf) = vpow2.f32 v0;
	_ =	sdelay $0x6  }
0xb7: {  	p2 =	slt.u32 s21, $0x50910;
	_ =	sdelay $0x1  }
0xb8: {  	v0 =	vpop (erf)  }
0xb9: {  	v0 =	vpsel !p2, $0x0, v0  }
0xba: {  	[tilespmem:s26+$0xFFFFFFE0] =	vst v0  }
0xbb: {  	v0 =	vld [tilespmem:s24+$0xFFFFFFF0]  }
0xbc: {  	v1 =	vld [tilespmem:s25+$0xFFFFFFF0];
	_ =	sdelay $0x4  }
0xbd: {  	v0 =	vadd.f32 v1, v0;
	_ =	sdelay $0x1  }
0xbe: {  	vm0 =	vgt.f32 v0, $0.0e+00;
	v1 =	vmul.f32 $2.000000030e-01, v0;
	_ =	sdelay $0x1  }
0xbf: {  	v0 =	vsel vm0, v0, v1  }
0xc0: {  	v0 =	vmul.f32 $1.442695020e+00, v0;
	_ =	sdelay $0x1  }
0xc1: {  	(erf) = vpow2.f32 v0;
	_ =	sdelay $0x5  }
0xc2: {  	p2 =	slt.u32 s19, $0x50910;
	_ =	sdelay $0x2  }
0xc3: {  	v0 =	vpop (erf)  }
0xc4: {  	v0 =	vpsel !p2, $0x0, v0  }
0xc5: {  	[tilespmem:s26+$0xFFFFFFF0] =	vst v0  }
0xc6: {  	v0 =	vld [tilespmem:s24+$0x0]  }
0xc7: {  	v1 =	vld [tilespmem:s25+$0x0];
	_ =	sdelay $0x4  }
0xc8: {  	v0 =	vadd.f32 v1, v0;
	_ =	sdelay $0x1  }
0xc9: {  	vm0 =	vgt.f32 v0, $0.0e+00;
	v1 =	vmul.f32 $2.000000030e-01, v0;
	_ =	sdelay $0x1  }
0xca: {  	v0 =	vsel vm0, v0, v1  }
0xcb: {  	v0 =	vmul.f32 $1.442695020e+00, v0;
	_ =	sdelay $0x1  }
0xcc: {  	(erf) = vpow2.f32 v0;
	_ =	sdelay $0x4  }
0xcd: {  	p2 =	slt.u32 s14, $0x50910;
	_ =	sdelay $0x3  }
0xce: {  	v0 =	vpop (erf)  }
0xcf: {  	v0 =	vpsel !p2, $0x0, v0  }
0xd0: {  	[tilespmem:s26+$0x0] =	vst v0  }
0xd1: {  	v0 =	vld [tilespmem:s24+$0x10]  }
0xd2: {  	v1 =	vld [tilespmem:s25+$0x10];
	_ =	sdelay $0x4  }
0xd3: {  	v0 =	vadd.f32 v1, v0;
	_ =	sdelay $0x1  }
0xd4: {  	vm0 =	vgt.f32 v0, $0.0e+00;
	v1 =	vmul.f32 $2.000000030e-01, v0;
	_ =	sdelay $0x1  }
0xd5: {  	v0 =	vsel vm0, v0, v1  }
0xd6: {  	v0 =	vmul.f32 $1.442695020e+00, v0;
	_ =	sdelay $0x1  }
0xd7: {  	(erf) = vpow2.f32 v0;
	_ =	sdelay $0x3  }
0xd8: {  	p2 =	slt.u32 s0, $0x50910;
	_ =	sdelay $0x4  }
0xd9: {  	v0 =	vpop (erf)  }
0xda: {  	v0 =	vpsel !p2, $0x0, v0  }
0xdb: {  	[tilespmem:s26+$0x10] =	vst v0  }
0xdc: {  	v0 =	vld [tilespmem:s24+$0x20]  }
0xdd: {  	v1 =	vld [tilespmem:s25+$0x20];
	_ =	sdelay $0x4  }
0xde: {  	v0 =	vadd.f32 v1, v0;
	_ =	sdelay $0x1  }
0xdf: {  	vm0 =	vgt.f32 v0, $0.0e+00;
	v1 =	vmul.f32 $2.000000030e-01, v0;
	_ =	sdelay $0x1  }
0xe0: {  	v0 =	vsel vm0, v0, v1  }
0xe1: {  	v0 =	vmul.f32 $1.442695020e+00, v0;
	_ =	sdelay $0x1  }
0xe2: {  	(erf) = vpow2.f32 v0;
	_ =	sdelay $0x2  }
0xe3: {  	p2 =	slt.u32 s31, $0x50910;
	_ =	sdelay $0x5  }
0xe4: {  	v0 =	vpop (erf)  }
0xe5: {  	v0 =	vpsel !p2, $0x0, v0  }
0xe6: {  	[tilespmem:s26+$0x20] =	vst v0  }
0xe7: {  	v0 =	vld [tilespmem:s24+$0x30]  }
0xe8: {  	v1 =	vld [tilespmem:s25+$0x30];
	_ =	sdelay $0x4  }
0xe9: {  	v0 =	vadd.f32 v1, v0;
	_ =	sdelay $0x1  }
0xea: {  	vm0 =	vgt.f32 v0, $0.0e+00;
	v1 =	vmul.f32 $2.000000030e-01, v0;
	_ =	sdelay $0x1  }
0xeb: {  	v0 =	vsel vm0, v0, v1  }
.Ltmp2:
0xec: {  	v0 =	vmul.f32 $1.442695020e+00, v0;
	(pc) =	sbr.rel @p1 .LBB2_6-.Ltmp2, $3  }
0xed: {  	_ = 	snop  }
0xee: {  	(erf) = vpow2.f32 v0;
	_ =	sdelay $0x1  }
0xef: {  	p2 =	slt.u32 s30, $0x50910  }
0xf0: {  	_ =	sdelay $0x5  }
0xf1: {  	v0 =	vpop (erf)  }
0xf2: {  	v0 =	vpsel !p2, $0x0, v0  }
0xf3: {  	s0 =	simm.s32 $0x0;
	s14 =	simm.s32 $0xB000;
	[tilespmem:s29+$0x30] =	vst v0  }
0xf4: {  	[hbm4b:s8+s0] =	stream.linear.scatter [tilespmem:s14], [sflag:$0x3], $0x2880, $0x38;
	[tilespmem:$0xDE80] =	vst v63  }
0xf5: {  	_ =	swait.ge [sflag:s13], $0x2880  }
0xf6: {  	[sflag:s13] =	ssyncset.done $0x0  }
0xf7: {  	[sflag:s13] =	ssyncadd.s32 $0xFFFFD780  }
0xf8: {  	s30 =	simm.s32 $0xB000;
	s31 =	simm.s32 $0x2C00;
	[bflag:$0x0] =	sbarrier.arrive $0xFFFF  }
0xf9: {  	[spmem:s1] =	stream.indirect.scatter.add.f32 [tilespmem:s30], [sflag:$0x3], $0x1, s31, s16, $0xb8;
	[tilespmem:$0xDE80] =	vst v63  }
0xfa: {  	s0 =	simm.s32 $0x200;
	_ =	swait.ge [sflag:s13], $0x80  }
.LBB2_8:
0xfb: {  	s14 =	sshra.s32 s0, $0x2  }
0xfc: {  	[sflag:s13] =	ssyncset.done $0x0;
	p1 =	sne.s32 s0, $0xA000;
	s19 =	sadd.s32 $0xB000, s14  }
.Ltmp3:
0xfd: {  	s14 =	sadd.s32 $0x2C00, s14;
	[sflag:s13] =	ssyncadd.s32 $0xFFFFFF80;
	(pc) =	sbr.rel @p1 .LBB2_8-.Ltmp3, $3  }
0xfe: {  	[spmem:s1] =	stream.indirect.scatter.add.f32 [tilespmem:s19], [sflag:$0x3], $0x1, s14, s16, $0xb8;
	[tilespmem:$0xDE80] =	vst v63  }
0xff: {  	s0 =	sadd.s32 $0x200, s0;
	_ =	sdelay $0x1  }
0x100: {  	_ =	swait.ge [sflag:s13], $0x80  }
0x101: {  	[sflag:s13] =	ssyncset.done $0x0  }
0x102: {  	s0 =	sshll.u32 s5, $0x6;
	s14 =	simm.s32 $0x20;
	s23 =	sadd.s32 $0x1, s23  }
0x103: {  	s19 =	simm.s32 $0x10;
	[sflag:s13] =	ssyncadd.s32 $0xFFFFFF80;
	p1 =	sne.s32 s23, s11  }
.Ltmp4:
0x104: {  	s0 =	sor.u32 $0x1C03, s0;
	[bflag:$0x0] =	sbarrier.arrive $0xFFFF;
	(pc) =	sbr.rel @p1 .LBB2_1-.Ltmp4, $4  }
0x105: {  	[hbm:s10@s14], [sflag:s0] =	dma.strided [spmem:s20@s19], $0x50, s17, $0x10   }
0x106: {  	_ =	swait.ge [sflag:s13], $0x50  }
0x107: {  	[sflag:s13] =	ssyncset.done $0x0  }
0x108: {  	[sflag:s13] =	ssyncadd.s32 $0xFFFFFFB0  }
0x109: {  	_ =	sfence.sel $0x180000  }
0x10a: {  	[bflag:$0x0] =	sbarrier.arrive $0xFFFF  }
0x10b: {  	_ =	strace $0x9000004D  }
0x10c: {  	[bflag:$0x2] =	sbarrier.arrive $0xFFFF  }
0x10d: {  	s0 =	rddreg [dreg:$0x3]  }
0x10e: {  	s0 =	sadd.s32 @!p0 $0x100000, s0  }
0x10f: {  	[sflag:s0] =	ssyncadd.tile.s32 @!p0 $0x1;
	_ =	shalt  }
.Lfunc_end2:
_tile_overlayer_lowered:
.L_overlay_start_2:
0x110: {  	(tag) =	ssettag $0x2  }
0x111: {  	s0 =	rddreg [dreg:$0x0];
	s2 =	stileid.u32  }
0x112: {  	s1 =	rddreg [dreg:$0x1];
	p0 =	sne.s32 s2, $0x0  }
0x113: {  	s3 =	rddreg [dreg:$0x2];
	[bflag:$0x3] =	sbarrier.arrive $0xFFFF;
	s2 =	simm.s32 @!p0 $0x1C03  }
0x114: {  	[timem:s3], [sflag:s2] =	dma.local @!p0 [hbm:s0], s1  }
0x115: {  	s0 =	simm.s32 @!p0 $0x3  }
0x116: {  	_ =	swait.ge @!p0 [sflag:s0], s1  }
0x117: {  	s1 =	ssub.s32 @!p0 $0x0, s1;
	[sflag:s0] =	ssyncset.done @!p0 $0x0  }
0x118: {  	[sflag:s0] =	ssyncadd.s32 @!p0 s1  }
0x119: {  	[bflag:$0x3] =	sbarrier.arrive $0xFFFF  }
0x11a: {  	_ =	shalt  }

</sc_bundles>
